<compile_context>
chip_gen: v7x
topology: tpu7x:2x2x1
jax: 0.10.2.dev20260603
libtpu: 0.0.44.dev20260713+nightly
codegen_flags: <defaults>
</compile_context>

<pallas_src>
import functools

import jax
import jax.numpy as jnp
from jax import lax
from jax.experimental import pallas as pl
from jax.experimental.pallas import tpu as pltpu
from jax.experimental.pallas import tpu_sc as plsc

K = 1024
D = 32
H = 64
COMMIT = 0.25
EPS = 1e-5

NC, NS, L = 2, 16, 16
NW = NC * NS
M = 8 * 8192
BPW = M // NW
CHUNK = 128
NCHUNK = BPW // CHUNK


def _tables_body(W1, b1, ln_g, ln_b, W2, b2, cb, qst_ref, idx_ref, err_ref):
    vals = lax.broadcasted_iota(jnp.int32, (K, 1), 0).astype(jnp.float32)
    norm = vals / (K - 1) * 2.0 - 1.0
    h = norm * W1[...] + b1[...]
    mu = jnp.mean(h, axis=1, keepdims=True)
    var = jnp.mean((h - mu) ** 2, axis=1, keepdims=True)
    h = (h - mu) / jnp.sqrt(var + EPS) * ln_g[...] + ln_b[...]
    h = jnp.maximum(h, 0.0)
    z = jnp.dot(h, W2[...], preferred_element_type=jnp.float32) + b2[...]

    c = cb[...]
    zc = lax.dot_general(z, c, (((1,), (1,)), ((), ())),
                         preferred_element_type=jnp.float32)
    dist = (jnp.sum(z * z, axis=1, keepdims=True)
            - 2.0 * zc
            + jnp.sum(c * c, axis=1)[None, :])
    col = lax.broadcasted_iota(jnp.int32, (K, K), 1)
    idx = jnp.argmin(dist, axis=1).astype(jnp.int32)
    onehot = (idx[:, None] == col).astype(jnp.float32)
    q = jnp.dot(onehot, c, preferred_element_type=jnp.float32)
    qst = z + (q - z)
    err = jnp.sum((q - z) ** 2, axis=1)

    qst_ref[...] = qst
    idx_ref[...] = idx.reshape(8, K // 8)
    err_ref[...] = err.reshape(8, K // 8)


def _build_tables(W1, b1, ln_g, ln_b, W2, b2, cb):
    qst, idx8, err8 = pl.pallas_call(
        _tables_body,
        out_shape=(
            jax.ShapeDtypeStruct((K, D), jnp.float32),
            jax.ShapeDtypeStruct((8, K // 8), jnp.int32),
            jax.ShapeDtypeStruct((8, K // 8), jnp.float32),
        ),
    )(W1, b1, ln_g, ln_b, W2, b2, cb)
    return qst, idx8.reshape(K), err8.reshape(K)


def _sc_gather(t1d, qst, idx_tab, err_tab, nb):
    mesh = plsc.VectorSubcoreMesh(core_axis_name="c", subcore_axis_name="s")
    mh = nb * 8192
    bpw = mh // NW
    nchunk = bpw // CHUNK

    @functools.partial(
        pl.kernel,
        mesh=mesh,
        compiler_params=pltpu.CompilerParams(use_tc_tiling_on_sc=False),
        out_type=(
            jax.ShapeDtypeStruct((nb, 8192, D), jnp.float32),
            jax.ShapeDtypeStruct((mh,), jnp.int32),
            jax.ShapeDtypeStruct((NW * L,), jnp.float32),
        ),
        scratch_types=[
            pltpu.VMEM((bpw,), jnp.int32),
            pltpu.VMEM_SHARED((K, D), jnp.float32),
            pltpu.VMEM_SHARED((K,), jnp.int32),
            pltpu.VMEM_SHARED((K,), jnp.float32),
            pltpu.VMEM((bpw, D), jnp.float32),
            pltpu.VMEM((bpw,), jnp.int32),
            pltpu.VMEM((bpw,), jnp.float32),
            pltpu.VMEM((L,), jnp.float32),
            pltpu.SemaphoreType.DMA,
            pltpu.SemaphoreType.DMA,
            pltpu.SemaphoreType.DMA,
        ],
    )
    def k(t_hbm, qst_hbm, idxtab_hbm, errtab_hbm,
          q_out, idx_out, part_out,
          t_v, qst_v, itab_v, etab_v, rows_v, oidx_v, oerr_v, acc_v,
          sem_a, sem_b, sem_w):
        sid = lax.axis_index("s")
        wid = sid * NC + lax.axis_index("c")
        BPW, NCHUNK = bpw, nchunk
        b = wid // (NW // nb)
        off = (wid % (NW // nb)) * BPW

        t_copy = pltpu.make_async_copy(
            t_hbm.at[pl.ds(wid * BPW, BPW)], t_v, sem_a)
        t_copy.start()

        @pl.when(sid == 0)
        def _():
            stage = [
                pltpu.make_async_copy(qst_hbm, qst_v, sem_b),
                pltpu.make_async_copy(idxtab_hbm, itab_v, sem_b),
                pltpu.make_async_copy(errtab_hbm, etab_v, sem_b),
            ]
            for c in stage:
                c.start()
            for c in stage:
                c.wait()

        t_copy.wait()
        plsc.subcore_barrier()

        small = []
        big = []
        for j in range(NCHUNK):
            idx_ref = t_v.at[pl.ds(j * CHUNK, CHUNK)]
            sl = pl.ds(j * CHUNK, CHUNK)
            small.append(pltpu.make_async_copy(
                itab_v.at[idx_ref], oidx_v.at[sl], sem_b))
            small.append(pltpu.make_async_copy(
                etab_v.at[idx_ref], oerr_v.at[sl], sem_b))
            big.append(pltpu.make_async_copy(
                qst_v.at[idx_ref], rows_v.at[sl], sem_a))
        for c in small:
            c.start()
        for c in big:
            c.start()
        for c in small:
            c.wait()

        idx_out_copy = pltpu.make_async_copy(
            oidx_v, idx_out.at[pl.ds(wid * BPW, BPW)], sem_b)
        idx_out_copy.start()

        def body(i, accs):
            a0, a1, a2, a3 = accs
            o = i * 4 * L
            return (a0 + oerr_v[pl.ds(o, L)],
                    a1 + oerr_v[pl.ds(o + L, L)],
                    a2 + oerr_v[pl.ds(o + 2 * L, L)],
                    a3 + oerr_v[pl.ds(o + 3 * L, L)])

        z16 = jnp.zeros((L,), jnp.float32)
        a0, a1, a2, a3 = lax.fori_loop(
            0, BPW // (4 * L), body, (z16, z16, z16, z16))
        acc_v[...] = (a0 + a1) + (a2 + a3)
        pltpu.sync_copy(acc_v, part_out.at[pl.ds(wid * L, L)])

        wqs = []
        for j in range(NCHUNK):
            big[j].wait()
            sl = pl.ds(j * CHUNK, CHUNK)
            wq = pltpu.make_async_copy(
                rows_v.at[sl], q_out.at[b, pl.ds(off + j * CHUNK, CHUNK)],
                sem_w)
            wq.start()
            wqs.append(wq)
        idx_out_copy.wait()
        for wq in wqs:
            wq.wait()

    return k(t1d, qst, idx_tab, err_tab)


def _loss_body(part_ref, out_ref):
    s = jnp.sum(part_ref[...], keepdims=True)
    out_ref[...] = (1.0 + COMMIT) * s.reshape(1, 1) / jnp.float32(M * D)


def _finalize_loss(partials):
    out = pl.pallas_call(
        _loss_body,
        out_shape=jax.ShapeDtypeStruct((1, 1), jnp.float32),
    )(partials)
    return out.reshape(())


def kernel(t, W1, b1, ln_g, ln_b, W2, b2, codebook):
    B, N = t.shape[0], t.shape[1]
    qst, idx_tab, err_tab = _build_tables(
        W1, b1.reshape(1, H), ln_g.reshape(1, H), ln_b.reshape(1, H),
        W2, b2.reshape(1, D), codebook)
    q3d, idx_flat, partials = _sc_gather(
        t.reshape(M), qst, idx_tab, err_tab, B)
    loss = _finalize_loss(partials.reshape(NW, L))
    return (q3d, idx_flat.reshape(B, N), loss)

# --- scband reference (transcript-rebuilt; emitter-appended) ---
"""Pipeline reference for scband-quantizer1-d-12618613915789 (READ-ONLY COPY).

The authoritative reference and input builder live on the scoring server;
editing this copy changes nothing except your own understanding.
"""

import jax, jax.numpy as jnp
import numpy as np

NUM_EMBEDDINGS = 1024
EMBEDDING_DIM = 32
HIDDEN_DIM = 64
COMMITMENT_COST = 0.25
LN_EPS = 1e-5


def setup_inputs(seed: int = 0) -> dict:
    key = jax.random.key(seed)
    ks = jax.random.split(key, 8)
    t = jax.random.randint(ks[0], (8, 8192, 1), 0, NUM_EMBEDDINGS, dtype=jnp.int64 if jax.config.jax_enable_x64 else jnp.int32).astype(jnp.int32)
    # encoder layer 1: Linear(1 -> hidden) + LayerNorm + ReLU
    W1 = jax.random.normal(ks[1], (1, HIDDEN_DIM), dtype=jnp.float32) * 0.5
    b1 = jnp.zeros((HIDDEN_DIM,), dtype=jnp.float32)
    ln_g = jnp.ones((HIDDEN_DIM,), dtype=jnp.float32)
    ln_b = jnp.zeros((HIDDEN_DIM,), dtype=jnp.float32)
    # encoder layer 2: Linear(hidden -> embedding_dim), no norm/act
    W2 = jax.random.normal(ks[2], (HIDDEN_DIM, EMBEDDING_DIM), dtype=jnp.float32) * (1.0 / np.sqrt(HIDDEN_DIM))
    b2 = jnp.zeros((EMBEDDING_DIM,), dtype=jnp.float32)
    # VQ codebook init: uniform(-1/K, 1/K)
    codebook = jax.random.uniform(ks[3], (NUM_EMBEDDINGS, EMBEDDING_DIM), dtype=jnp.float32, minval=-1.0 / NUM_EMBEDDINGS, maxval=1.0 / NUM_EMBEDDINGS)
    return {"t": t, "W1": W1, "b1": b1, "ln_g": ln_g, "ln_b": ln_b, "W2": W2, "b2": b2, "codebook": codebook}


def reference(t, W1, b1, ln_g, ln_b, W2, b2, codebook):
    K = NUM_EMBEDDINGS
    norm_t = t.astype(jnp.float32) / (K - 1) * 2.0 - 1.0
    # encoder
    h = norm_t @ W1 + b1
    mu = jnp.mean(h, axis=-1, keepdims=True)
    var = jnp.var(h, axis=-1, keepdims=True)
    h = (h - mu) / jnp.sqrt(var + LN_EPS) * ln_g + ln_b
    h = jax.nn.relu(h)
    z = h @ W2 + b2  # [B, N, D]
    # vector quantization
    flat_z = z.reshape(-1, EMBEDDING_DIM)
    distances = (jnp.sum(flat_z ** 2, axis=1, keepdims=True)
                 - 2.0 * flat_z @ codebook.T
                 + jnp.sum(codebook ** 2, axis=1))
    encoding_indices = jnp.argmin(distances, axis=1)
    quantized = jnp.take(codebook, encoding_indices, axis=0)
    loss = (jnp.mean((quantized - jax.lax.stop_gradient(flat_z)) ** 2)
            + COMMITMENT_COST * jnp.mean((jax.lax.stop_gradient(quantized) - flat_z) ** 2))
    quantized_st = flat_z + jax.lax.stop_gradient(quantized - flat_z)
    q = quantized_st.reshape(z.shape)
    idx = encoding_indices.reshape(z.shape[0], -1)
    return (q, idx, loss)

if __name__ == "__main__":
    import jax
    _d = setup_inputs()
    print(jax.jit(kernel)(*tuple(_d.values())))

</pallas_src>

<mosaic_0001>
#map = affine_map<(d0, d1) -> (0)>
#map1 = affine_map<(d0, d1) -> (0, 0)>
#map2 = affine_map<(d0, d1) -> (0, 0, 0)>
module attributes {stable_mosaic.version = 14 : i64} {
  func.func @k(%arg0: i32, %arg1: i32, %arg2: memref<65536xi32, #tpu.memory_space<hbm>>, %arg3: memref<1024x32xf32, #tpu.memory_space<hbm>>, %arg4: memref<1024xi32, #tpu.memory_space<hbm>>, %arg5: memref<1024xf32, #tpu.memory_space<hbm>>, %arg6: memref<8x8192x32xf32, #tpu.memory_space<hbm>>, %arg7: memref<65536xi32, #tpu.memory_space<hbm>>, %arg8: memref<512xf32, #tpu.memory_space<hbm>>, %arg9: memref<2048xi32, #tpu.memory_space<vmem>>, %arg10: memref<1024x32xf32, #tpu.memory_space<vmem_shared>>, %arg11: memref<1024xi32, #tpu.memory_space<vmem_shared>>, %arg12: memref<1024xf32, #tpu.memory_space<vmem_shared>>, %arg13: memref<2048x32xf32, #tpu.memory_space<vmem>>, %arg14: memref<2048xi32, #tpu.memory_space<vmem>>, %arg15: memref<2048xf32, #tpu.memory_space<vmem>>, %arg16: memref<16xf32, #tpu.memory_space<vmem>>, %arg17: memref<!tpu.dma_semaphore, #tpu.memory_space<semaphore_mem>>, %arg18: memref<!tpu.dma_semaphore, #tpu.memory_space<semaphore_mem>>, %arg19: memref<!tpu.dma_semaphore, #tpu.memory_space<semaphore_mem>>) attributes {dimension_semantics = [#tpu.dimension_semantics<core_parallel>, #tpu.dimension_semantics<subcore_parallel>], iteration_bounds = array<i64: 2, 16>, scalar_prefetch = 0 : i64, scratch_operands = 11 : i64, tpu.core_type = #tpu.core_type<sc_vector_subcore>, window_params = [{transform_indices = #map}, {transform_indices = #map1}, {transform_indices = #map}, {transform_indices = #map}, {transform_indices = #map2}, {transform_indices = #map}, {transform_indices = #map}]} {
    %mul3A = arith.constant 2 : i32
    %mul3A_0 = arith.muli %arg1, %mul3A : i32
    %add3A = arith.addi %mul3A_0, %arg0 : i32
    %jit3A = arith.constant 4 : i32
    %div3A = arith.divsi %add3A, %jit3A : i32
    %sign3A = arith.constant 0 : i32
    %sign3A_1 = arith.cmpi sgt, %add3A, %sign3A : i32
    %sign3A_2 = arith.extui %sign3A_1 : i1 to i32
    %sign3A_3 = arith.constant 0 : i32
    %sign3A_4 = arith.cmpi slt, %add3A, %sign3A_3 : i32
    %sign3A_5 = arith.extui %sign3A_4 : i1 to i32
    %sign3A_6 = arith.subi %sign3A_2, %sign3A_5 : i32
    %sign3A_7 = arith.constant 0 : i32
    %sign3A_8 = arith.cmpi sgt, %jit3A, %sign3A_7 : i32
    %sign3A_9 = arith.extui %sign3A_8 : i1 to i32
    %sign3A_10 = arith.constant 0 : i32
    %sign3A_11 = arith.cmpi slt, %jit3A, %sign3A_10 : i32
    %sign3A_12 = arith.extui %sign3A_11 : i1 to i32
    %sign3A_13 = arith.subi %sign3A_9, %sign3A_12 : i32
    %ne3A = arith.cmpi ne, %sign3A_6, %sign3A_13 : i32
    %rem3A = arith.remsi %add3A, %jit3A : i32
    %ne3A_14 = arith.constant 0 : i32
    %ne3A_15 = arith.cmpi ne, %rem3A, %ne3A_14 : i32
    %and3A = arith.andi %ne3A, %ne3A_15 : i1
    %sub3A = arith.constant 1 : i32
    %sub3A_16 = arith.subi %div3A, %sub3A : i32
    %select_n3A = arith.select %and3A, %sub3A_16, %div3A : i32
    %jit3A_17 = arith.constant 4 : i32
    %eq3A = arith.constant 0 : i32
    %eq3A_18 = arith.cmpi eq, %jit3A_17, %eq3A : i32
    %jit3A_19 = arith.constant 1 : i32
    %select_n3A_20 = arith.select %eq3A_18, %jit3A_19, %jit3A_17 : i32
    %rem3A_21 = arith.remsi %add3A, %select_n3A_20 : i32
    %ne3A_22 = arith.constant 0 : i32
    %ne3A_23 = arith.cmpi ne, %rem3A_21, %ne3A_22 : i32
    %lt3A = arith.constant 0 : i32
    %lt3A_24 = arith.cmpi slt, %rem3A_21, %lt3A : i32
    %lt3A_25 = arith.constant 0 : i32
    %lt3A_26 = arith.cmpi slt, %select_n3A_20, %lt3A_25 : i32
    %ne3A_27 = arith.xori %lt3A_24, %lt3A_26 : i1
    %and3A_28 = arith.andi %ne3A_27, %ne3A_23 : i1
    %add3A_29 = arith.addi %rem3A_21, %select_n3A_20 : i32
    %select_n3A_30 = arith.select %and3A_28, %add3A_29, %rem3A_21 : i32
    %mul3A_31 = arith.constant 2048 : i32
    %mul3A_32 = arith.muli %select_n3A_30, %mul3A_31 : i32
    %mul3A_33 = arith.constant 2048 : i32
    %mul3A_34 = arith.muli %add3A, %mul3A_33 : i32
    %dma_start3A = tpu.memref_slice %arg2[%mul3A_34] : memref<65536xi32, #tpu.memory_space<hbm>> -> memref<2048xi32, #tpu.memory_space<hbm>>
    %dma_start3A_35 = tpu.memref_slice %arg2[%mul3A_34] : memref<65536xi32, #tpu.memory_space<hbm>> -> memref<2048xi32, #tpu.memory_space<hbm>>
    tpu.enqueue_dma source(%dma_start3A_35 : memref<2048xi32, #tpu.memory_space<hbm>>) target(%arg9 : memref<2048xi32, #tpu.memory_space<vmem>>) target_semaphore(%arg17 : memref<!tpu.dma_semaphore, #tpu.memory_space<semaphore_mem>>)
    %eq3A_36 = arith.constant 0 : i32
    %eq3A_37 = arith.cmpi eq, %arg1, %eq3A_36 : i32
    %convert_element_type3A = arith.extui %eq3A_37 : i1 to i32
    %cond3A = arith.constant 0 : i32
    %cond3A_38 = arith.cmpi ne, %convert_element_type3A, %cond3A : i32
    scf.if %cond3A_38 {
      tpu.enqueue_dma source(%arg3 : memref<1024x32xf32, #tpu.memory_space<hbm>>) target(%arg10 : memref<1024x32xf32, #tpu.memory_space<vmem_shared>>) target_semaphore(%arg18 : memref<!tpu.dma_semaphore, #tpu.memory_space<semaphore_mem>>)
      tpu.enqueue_dma source(%arg4 : memref<1024xi32, #tpu.memory_space<hbm>>) target(%arg11 : memref<1024xi32, #tpu.memory_space<vmem_shared>>) target_semaphore(%arg18 : memref<!tpu.dma_semaphore, #tpu.memory_space<semaphore_mem>>)
      tpu.enqueue_dma source(%arg5 : memref<1024xf32, #tpu.memory_space<hbm>>) target(%arg12 : memref<1024xf32, #tpu.memory_space<vmem_shared>>) target_semaphore(%arg18 : memref<!tpu.dma_semaphore, #tpu.memory_space<semaphore_mem>>)
      tpu.wait_dma2 semaphore(%arg18 : memref<!tpu.dma_semaphore, #tpu.memory_space<semaphore_mem>>) src(%arg3 : memref<1024x32xf32, #tpu.memory_space<hbm>>) dst(%arg10 : memref<1024x32xf32, #tpu.memory_space<vmem_shared>>)
      tpu.wait_dma2 semaphore(%arg18 : memref<!tpu.dma_semaphore, #tpu.memory_space<semaphore_mem>>) src(%arg4 : memref<1024xi32, #tpu.memory_space<hbm>>) dst(%arg11 : memref<1024xi32, #tpu.memory_space<vmem_shared>>)
      tpu.wait_dma2 semaphore(%arg18 : memref<!tpu.dma_semaphore, #tpu.memory_space<semaphore_mem>>) src(%arg5 : memref<1024xf32, #tpu.memory_space<hbm>>) dst(%arg12 : memref<1024xf32, #tpu.memory_space<vmem_shared>>)
    } else {
    }
    %dma_wait3A = tpu.memref_slice %arg2[%mul3A_34] : memref<65536xi32, #tpu.memory_space<hbm>> -> memref<2048xi32, #tpu.memory_space<hbm>>
    %dma_wait3A_39 = tpu.memref_slice %arg2[%mul3A_34] : memref<65536xi32, #tpu.memory_space<hbm>> -> memref<2048xi32, #tpu.memory_space<hbm>>
    tpu.wait_dma2 semaphore(%arg17 : memref<!tpu.dma_semaphore, #tpu.memory_space<semaphore_mem>>) src(%dma_wait3A_39 : memref<2048xi32, #tpu.memory_space<hbm>>) dst(%arg9 : memref<2048xi32, #tpu.memory_space<vmem>>)
    %barrier3A = arith.constant 0 : index
    tpu.barrier barrier_id(%barrier3A)
    %dma_start3A_40 = arith.constant 0 : i32
    %dma_start3A_41 = tpu.memref_slice %arg14[%dma_start3A_40] : memref<2048xi32, #tpu.memory_space<vmem>> -> memref<128xi32, #tpu.memory_space<vmem>>
    %dma_start3A_42 = arith.constant 0 : i32
    %dma_start3A_43 = tpu.memref_slice %arg9[%dma_start3A_42] : memref<2048xi32, #tpu.memory_space<vmem>> -> memref<128xi32, #tpu.memory_space<vmem>>
    %dma_start3A_44 = arith.constant 0 : i32
    %dma_start3A_45 = tpu.memref_slice %arg11[%dma_start3A_44] : memref<1024xi32, #tpu.memory_space<vmem_shared>> -> memref<1024xi32, #tpu.memory_space<vmem_shared>>
    tpu.enqueue_indirect_dma source(%dma_start3A_45 : memref<1024xi32, #tpu.memory_space<vmem_shared>>) target(%dma_start3A_41 : memref<128xi32, #tpu.memory_space<vmem>>) offsets(%dma_start3A_43 : memref<128xi32, #tpu.memory_space<vmem>>) semaphore(%arg18 : memref<!tpu.dma_semaphore, #tpu.memory_space<semaphore_mem>>)
    %dma_start3A_46 = arith.constant 0 : i32
    %dma_start3A_47 = tpu.memref_slice %arg15[%dma_start3A_46] : memref<2048xf32, #tpu.memory_space<vmem>> -> memref<128xf32, #tpu.memory_space<vmem>>
    %dma_start3A_48 = arith.constant 0 : i32
    %dma_start3A_49 = tpu.memref_slice %arg9[%dma_start3A_48] : memref<2048xi32, #tpu.memory_space<vmem>> -> memref<128xi32, #tpu.memory_space<vmem>>
    %dma_start3A_50 = arith.constant 0 : i32
    %dma_start3A_51 = tpu.memref_slice %arg12[%dma_start3A_50] : memref<1024xf32, #tpu.memory_space<vmem_shared>> -> memref<1024xf32, #tpu.memory_space<vmem_shared>>
    tpu.enqueue_indirect_dma source(%dma_start3A_51 : memref<1024xf32, #tpu.memory_space<vmem_shared>>) target(%dma_start3A_47 : memref<128xf32, #tpu.memory_space<vmem>>) offsets(%dma_start3A_49 : memref<128xi32, #tpu.memory_space<vmem>>) semaphore(%arg18 : memref<!tpu.dma_semaphore, #tpu.memory_space<semaphore_mem>>)
    %dma_start3A_52 = arith.constant 128 : i32
    %dma_start3A_53 = tpu.memref_slice %arg14[%dma_start3A_52] : memref<2048xi32, #tpu.memory_space<vmem>> -> memref<128xi32, #tpu.memory_space<vmem>>
    %dma_start3A_54 = arith.constant 128 : i32
    %dma_start3A_55 = tpu.memref_slice %arg9[%dma_start3A_54] : memref<2048xi32, #tpu.memory_space<vmem>> -> memref<128xi32, #tpu.memory_space<vmem>>
    %dma_start3A_56 = arith.constant 0 : i32
    %dma_start3A_57 = tpu.memref_slice %arg11[%dma_start3A_56] : memref<1024xi32, #tpu.memory_space<vmem_shared>> -> memref<1024xi32, #tpu.memory_space<vmem_shared>>
    tpu.enqueue_indirect_dma source(%dma_start3A_57 : memref<1024xi32, #tpu.memory_space<vmem_shared>>) target(%dma_start3A_53 : memref<128xi32, #tpu.memory_space<vmem>>) offsets(%dma_start3A_55 : memref<128xi32, #tpu.memory_space<vmem>>) semaphore(%arg18 : memref<!tpu.dma_semaphore, #tpu.memory_space<semaphore_mem>>)
    %dma_start3A_58 = arith.constant 128 : i32
    %dma_start3A_59 = tpu.memref_slice %arg15[%dma_start3A_58] : memref<2048xf32, #tpu.memory_space<vmem>> -> memref<128xf32, #tpu.memory_space<vmem>>
    %dma_start3A_60 = arith.constant 128 : i32
    %dma_start3A_61 = tpu.memref_slice %arg9[%dma_start3A_60] : memref<2048xi32, #tpu.memory_space<vmem>> -> memref<128xi32, #tpu.memory_space<vmem>>
    %dma_start3A_62 = arith.constant 0 : i32
    %dma_start3A_63 = tpu.memref_slice %arg12[%dma_start3A_62] : memref<1024xf32, #tpu.memory_space<vmem_shared>> -> memref<1024xf32, #tpu.memory_space<vmem_shared>>
    tpu.enqueue_indirect_dma source(%dma_start3A_63 : memref<1024xf32, #tpu.memory_space<vmem_shared>>) target(%dma_start3A_59 : memref<128xf32, #tpu.memory_space<vmem>>) offsets(%dma_start3A_61 : memref<128xi32, #tpu.memory_space<vmem>>) semaphore(%arg18 : memref<!tpu.dma_semaphore, #tpu.memory_space<semaphore_mem>>)
    %dma_start3A_64 = arith.constant 256 : i32
    %dma_start3A_65 = tpu.memref_slice %arg14[%dma_start3A_64] : memref<2048xi32, #tpu.memory_space<vmem>> -> memref<128xi32, #tpu.memory_space<vmem>>
    %dma_start3A_66 = arith.constant 256 : i32
    %dma_start3A_67 = tpu.memref_slice %arg9[%dma_start3A_66] : memref<2048xi32, #tpu.memory_space<vmem>> -> memref<128xi32, #tpu.memory_space<vmem>>
    %dma_start3A_68 = arith.constant 0 : i32
    %dma_start3A_69 = tpu.memref_slice %arg11[%dma_start3A_68] : memref<1024xi32, #tpu.memory_space<vmem_shared>> -> memref<1024xi32, #tpu.memory_space<vmem_shared>>
    tpu.enqueue_indirect_dma source(%dma_start3A_69 : memref<1024xi32, #tpu.memory_space<vmem_shared>>) target(%dma_start3A_65 : memref<128xi32, #tpu.memory_space<vmem>>) offsets(%dma_start3A_67 : memref<128xi32, #tpu.memory_space<vmem>>) semaphore(%arg18 : memref<!tpu.dma_semaphore, #tpu.memory_space<semaphore_mem>>)
    %dma_start3A_70 = arith.constant 256 : i32
    %dma_start3A_71 = tpu.memref_slice %arg15[%dma_start3A_70] : memref<2048xf32, #tpu.memory_space<vmem>> -> memref<128xf32, #tpu.memory_space<vmem>>
    %dma_start3A_72 = arith.constant 256 : i32
    %dma_start3A_73 = tpu.memref_slice %arg9[%dma_start3A_72] : memref<2048xi32, #tpu.memory_space<vmem>> -> memref<128xi32, #tpu.memory_space<vmem>>
    %dma_start3A_74 = arith.constant 0 : i32
    %dma_start3A_75 = tpu.memref_slice %arg12[%dma_start3A_74] : memref<1024xf32, #tpu.memory_space<vmem_shared>> -> memref<1024xf32, #tpu.memory_space<vmem_shared>>
    tpu.enqueue_indirect_dma source(%dma_start3A_75 : memref<1024xf32, #tpu.memory_space<vmem_shared>>) target(%dma_start3A_71 : memref<128xf32, #tpu.memory_space<vmem>>) offsets(%dma_start3A_73 : memref<128xi32, #tpu.memory_space<vmem>>) semaphore(%arg18 : memref<!tpu.dma_semaphore, #tpu.memory_space<semaphore_mem>>)
    %dma_start3A_76 = arith.constant 384 : i32
    %dma_start3A_77 = tpu.memref_slice %arg14[%dma_start3A_76] : memref<2048xi32, #tpu.memory_space<vmem>> -> memref<128xi32, #tpu.memory_space<vmem>>
    %dma_start3A_78 = arith.constant 384 : i32
    %dma_start3A_79 = tpu.memref_slice %arg9[%dma_start3A_78] : memref<2048xi32, #tpu.memory_space<vmem>> -> memref<128xi32, #tpu.memory_space<vmem>>
    %dma_start3A_80 = arith.constant 0 : i32
    %dma_start3A_81 = tpu.memref_slice %arg11[%dma_start3A_80] : memref<1024xi32, #tpu.memory_space<vmem_shared>> -> memref<1024xi32, #tpu.memory_space<vmem_shared>>
    tpu.enqueue_indirect_dma source(%dma_start3A_81 : memref<1024xi32, #tpu.memory_space<vmem_shared>>) target(%dma_start3A_77 : memref<128xi32, #tpu.memory_space<vmem>>) offsets(%dma_start3A_79 : memref<128xi32, #tpu.memory_space<vmem>>) semaphore(%arg18 : memref<!tpu.dma_semaphore, #tpu.memory_space<semaphore_mem>>)
    %dma_start3A_82 = arith.constant 384 : i32
    %dma_start3A_83 = tpu.memref_slice %arg15[%dma_start3A_82] : memref<2048xf32, #tpu.memory_space<vmem>> -> memref<128xf32, #tpu.memory_space<vmem>>
    %dma_start3A_84 = arith.constant 384 : i32
    %dma_start3A_85 = tpu.memref_slice %arg9[%dma_start3A_84] : memref<2048xi32, #tpu.memory_space<vmem>> -> memref<128xi32, #tpu.memory_space<vmem>>
    %dma_start3A_86 = arith.constant 0 : i32
    %dma_start3A_87 = tpu.memref_slice %arg12[%dma_start3A_86] : memref<1024xf32, #tpu.memory_space<vmem_shared>> -> memref<1024xf32, #tpu.memory_space<vmem_shared>>
    tpu.enqueue_indirect_dma source(%dma_start3A_87 : memref<1024xf32, #tpu.memory_space<vmem_shared>>) target(%dma_start3A_83 : memref<128xf32, #tpu.memory_space<vmem>>) offsets(%dma_start3A_85 : memref<128xi32, #tpu.memory_space<vmem>>) semaphore(%arg18 : memref<!tpu.dma_semaphore, #tpu.memory_space<semaphore_mem>>)
    %dma_start3A_88 = arith.constant 512 : i32
    %dma_start3A_89 = tpu.memref_slice %arg14[%dma_start3A_88] : memref<2048xi32, #tpu.memory_space<vmem>> -> memref<128xi32, #tpu.memory_space<vmem>>
    %dma_start3A_90 = arith.constant 512 : i32
    %dma_start3A_91 = tpu.memref_slice %arg9[%dma_start3A_90] : memref<2048xi32, #tpu.memory_space<vmem>> -> memref<128xi32, #tpu.memory_space<vmem>>
    %dma_start3A_92 = arith.constant 0 : i32
    %dma_start3A_93 = tpu.memref_slice %arg11[%dma_start3A_92] : memref<1024xi32, #tpu.memory_space<vmem_shared>> -> memref<1024xi32, #tpu.memory_space<vmem_shared>>
    tpu.enqueue_indirect_dma source(%dma_start3A_93 : memref<1024xi32, #tpu.memory_space<vmem_shared>>) target(%dma_start3A_89 : memref<128xi32, #tpu.memory_space<vmem>>) offsets(%dma_start3A_91 : memref<128xi32, #tpu.memory_space<vmem>>) semaphore(%arg18 : memref<!tpu.dma_semaphore, #tpu.memory_space<semaphore_mem>>)
    %dma_start3A_94 = arith.constant 512 : i32
    %dma_start3A_95 = tpu.memref_slice %arg15[%dma_start3A_94] : memref<2048xf32, #tpu.memory_space<vmem>> -> memref<128xf32, #tpu.memory_space<vmem>>
    %dma_start3A_96 = arith.constant 512 : i32
    %dma_start3A_97 = tpu.memref_slice %arg9[%dma_start3A_96] : memref<2048xi32, #tpu.memory_space<vmem>> -> memref<128xi32, #tpu.memory_space<vmem>>
    %dma_start3A_98 = arith.constant 0 : i32
    %dma_start3A_99 = tpu.memref_slice %arg12[%dma_start3A_98] : memref<1024xf32, #tpu.memory_space<vmem_shared>> -> memref<1024xf32, #tpu.memory_space<vmem_shared>>
    tpu.enqueue_indirect_dma source(%dma_start3A_99 : memref<1024xf32, #tpu.memory_space<vmem_shared>>) target(%dma_start3A_95 : memref<128xf32, #tpu.memory_space<vmem>>) offsets(%dma_start3A_97 : memref<128xi32, #tpu.memory_space<vmem>>) semaphore(%arg18 : memref<!tpu.dma_semaphore, #tpu.memory_space<semaphore_mem>>)
    %dma_start3A_100 = arith.constant 640 : i32
    %dma_start3A_101 = tpu.memref_slice %arg14[%dma_start3A_100] : memref<2048xi32, #tpu.memory_space<vmem>> -> memref<128xi32, #tpu.memory_space<vmem>>
    %dma_start3A_102 = arith.constant 640 : i32
    %dma_start3A_103 = tpu.memref_slice %arg9[%dma_start3A_102] : memref<2048xi32, #tpu.memory_space<vmem>> -> memref<128xi32, #tpu.memory_space<vmem>>
    %dma_start3A_104 = arith.constant 0 : i32
    %dma_start3A_105 = tpu.memref_slice %arg11[%dma_start3A_104] : memref<1024xi32, #tpu.memory_space<vmem_shared>> -> memref<1024xi32, #tpu.memory_space<vmem_shared>>
    tpu.enqueue_indirect_dma source(%dma_start3A_105 : memref<1024xi32, #tpu.memory_space<vmem_shared>>) target(%dma_start3A_101 : memref<128xi32, #tpu.memory_space<vmem>>) offsets(%dma_start3A_103 : memref<128xi32, #tpu.memory_space<vmem>>) semaphore(%arg18 : memref<!tpu.dma_semaphore, #tpu.memory_space<semaphore_mem>>)
    %dma_start3A_106 = arith.constant 640 : i32
    %dma_start3A_107 = tpu.memref_slice %arg15[%dma_start3A_106] : memref<2048xf32, #tpu.memory_space<vmem>> -> memref<128xf32, #tpu.memory_space<vmem>>
    %dma_start3A_108 = arith.constant 640 : i32
    %dma_start3A_109 = tpu.memref_slice %arg9[%dma_start3A_108] : memref<2048xi32, #tpu.memory_space<vmem>> -> memref<128xi32, #tpu.memory_space<vmem>>
    %dma_start3A_110 = arith.constant 0 : i32
    %dma_start3A_111 = tpu.memref_slice %arg12[%dma_start3A_110] : memref<1024xf32, #tpu.memory_space<vmem_shared>> -> memref<1024xf32, #tpu.memory_space<vmem_shared>>
    tpu.enqueue_indirect_dma source(%dma_start3A_111 : memref<1024xf32, #tpu.memory_space<vmem_shared>>) target(%dma_start3A_107 : memref<128xf32, #tpu.memory_space<vmem>>) offsets(%dma_start3A_109 : memref<128xi32, #tpu.memory_space<vmem>>) semaphore(%arg18 : memref<!tpu.dma_semaphore, #tpu.memory_space<semaphore_mem>>)
    %dma_start3A_112 = arith.constant 768 : i32
    %dma_start3A_113 = tpu.memref_slice %arg14[%dma_start3A_112] : memref<2048xi32, #tpu.memory_space<vmem>> -> memref<128xi32, #tpu.memory_space<vmem>>
    %dma_start3A_114 = arith.constant 768 : i32
    %dma_start3A_115 = tpu.memref_slice %arg9[%dma_start3A_114] : memref<2048xi32, #tpu.memory_space<vmem>> -> memref<128xi32, #tpu.memory_space<vmem>>
    %dma_start3A_116 = arith.constant 0 : i32
    %dma_start3A_117 = tpu.memref_slice %arg11[%dma_start3A_116] : memref<1024xi32, #tpu.memory_space<vmem_shared>> -> memref<1024xi32, #tpu.memory_space<vmem_shared>>
    tpu.enqueue_indirect_dma source(%dma_start3A_117 : memref<1024xi32, #tpu.memory_space<vmem_shared>>) target(%dma_start3A_113 : memref<128xi32, #tpu.memory_space<vmem>>) offsets(%dma_start3A_115 : memref<128xi32, #tpu.memory_space<vmem>>) semaphore(%arg18 : memref<!tpu.dma_semaphore, #tpu.memory_space<semaphore_mem>>)
    %dma_start3A_118 = arith.constant 768 : i32
    %dma_start3A_119 = tpu.memref_slice %arg15[%dma_start3A_118] : memref<2048xf32, #tpu.memory_space<vmem>> -> memref<128xf32, #tpu.memory_space<vmem>>
    %dma_start3A_120 = arith.constant 768 : i32
    %dma_start3A_121 = tpu.memref_slice %arg9[%dma_start3A_120] : memref<2048xi32, #tpu.memory_space<vmem>> -> memref<128xi32, #tpu.memory_space<vmem>>
    %dma_start3A_122 = arith.constant 0 : i32
    %dma_start3A_123 = tpu.memref_slice %arg12[%dma_start3A_122] : memref<1024xf32, #tpu.memory_space<vmem_shared>> -> memref<1024xf32, #tpu.memory_space<vmem_shared>>
    tpu.enqueue_indirect_dma source(%dma_start3A_123 : memref<1024xf32, #tpu.memory_space<vmem_shared>>) target(%dma_start3A_119 : memref<128xf32, #tpu.memory_space<vmem>>) offsets(%dma_start3A_121 : memref<128xi32, #tpu.memory_space<vmem>>) semaphore(%arg18 : memref<!tpu.dma_semaphore, #tpu.memory_space<semaphore_mem>>)
    %dma_start3A_124 = arith.constant 896 : i32
    %dma_start3A_125 = tpu.memref_slice %arg14[%dma_start3A_124] : memref<2048xi32, #tpu.memory_space<vmem>> -> memref<128xi32, #tpu.memory_space<vmem>>
    %dma_start3A_126 = arith.constant 896 : i32
    %dma_start3A_127 = tpu.memref_slice %arg9[%dma_start3A_126] : memref<2048xi32, #tpu.memory_space<vmem>> -> memref<128xi32, #tpu.memory_space<vmem>>
    %dma_start3A_128 = arith.constant 0 : i32
    %dma_start3A_129 = tpu.memref_slice %arg11[%dma_start3A_128] : memref<1024xi32, #tpu.memory_space<vmem_shared>> -> memref<1024xi32, #tpu.memory_space<vmem_shared>>
    tpu.enqueue_indirect_dma source(%dma_start3A_129 : memref<1024xi32, #tpu.memory_space<vmem_shared>>) target(%dma_start3A_125 : memref<128xi32, #tpu.memory_space<vmem>>) offsets(%dma_start3A_127 : memref<128xi32, #tpu.memory_space<vmem>>) semaphore(%arg18 : memref<!tpu.dma_semaphore, #tpu.memory_space<semaphore_mem>>)
    %dma_start3A_130 = arith.constant 896 : i32
    %dma_start3A_131 = tpu.memref_slice %arg15[%dma_start3A_130] : memref<2048xf32, #tpu.memory_space<vmem>> -> memref<128xf32, #tpu.memory_space<vmem>>
    %dma_start3A_132 = arith.constant 896 : i32
    %dma_start3A_133 = tpu.memref_slice %arg9[%dma_start3A_132] : memref<2048xi32, #tpu.memory_space<vmem>> -> memref<128xi32, #tpu.memory_space<vmem>>
    %dma_start3A_134 = arith.constant 0 : i32
    %dma_start3A_135 = tpu.memref_slice %arg12[%dma_start3A_134] : memref<1024xf32, #tpu.memory_space<vmem_shared>> -> memref<1024xf32, #tpu.memory_space<vmem_shared>>
    tpu.enqueue_indirect_dma source(%dma_start3A_135 : memref<1024xf32, #tpu.memory_space<vmem_shared>>) target(%dma_start3A_131 : memref<128xf32, #tpu.memory_space<vmem>>) offsets(%dma_start3A_133 : memref<128xi32, #tpu.memory_space<vmem>>) semaphore(%arg18 : memref<!tpu.dma_semaphore, #tpu.memory_space<semaphore_mem>>)
    %dma_start3A_136 = arith.constant 1024 : i32
    %dma_start3A_137 = tpu.memref_slice %arg14[%dma_start3A_136] : memref<2048xi32, #tpu.memory_space<vmem>> -> memref<128xi32, #tpu.memory_space<vmem>>
    %dma_start3A_138 = arith.constant 1024 : i32
    %dma_start3A_139 = tpu.memref_slice %arg9[%dma_start3A_138] : memref<2048xi32, #tpu.memory_space<vmem>> -> memref<128xi32, #tpu.memory_space<vmem>>
    %dma_start3A_140 = arith.constant 0 : i32
    %dma_start3A_141 = tpu.memref_slice %arg11[%dma_start3A_140] : memref<1024xi32, #tpu.memory_space<vmem_shared>> -> memref<1024xi32, #tpu.memory_space<vmem_shared>>
    tpu.enqueue_indirect_dma source(%dma_start3A_141 : memref<1024xi32, #tpu.memory_space<vmem_shared>>) target(%dma_start3A_137 : memref<128xi32, #tpu.memory_space<vmem>>) offsets(%dma_start3A_139 : memref<128xi32, #tpu.memory_space<vmem>>) semaphore(%arg18 : memref<!tpu.dma_semaphore, #tpu.memory_space<semaphore_mem>>)
    %dma_start3A_142 = arith.constant 1024 : i32
    %dma_start3A_143 = tpu.memref_slice %arg15[%dma_start3A_142] : memref<2048xf32, #tpu.memory_space<vmem>> -> memref<128xf32, #tpu.memory_space<vmem>>
    %dma_start3A_144 = arith.constant 1024 : i32
    %dma_start3A_145 = tpu.memref_slice %arg9[%dma_start3A_144] : memref<2048xi32, #tpu.memory_space<vmem>> -> memref<128xi32, #tpu.memory_space<vmem>>
    %dma_start3A_146 = arith.constant 0 : i32
    %dma_start3A_147 = tpu.memref_slice %arg12[%dma_start3A_146] : memref<1024xf32, #tpu.memory_space<vmem_shared>> -> memref<1024xf32, #tpu.memory_space<vmem_shared>>
    tpu.enqueue_indirect_dma source(%dma_start3A_147 : memref<1024xf32, #tpu.memory_space<vmem_shared>>) target(%dma_start3A_143 : memref<128xf32, #tpu.memory_space<vmem>>) offsets(%dma_start3A_145 : memref<128xi32, #tpu.memory_space<vmem>>) semaphore(%arg18 : memref<!tpu.dma_semaphore, #tpu.memory_space<semaphore_mem>>)
    %dma_start3A_148 = arith.constant 1152 : i32
    %dma_start3A_149 = tpu.memref_slice %arg14[%dma_start3A_148] : memref<2048xi32, #tpu.memory_space<vmem>> -> memref<128xi32, #tpu.memory_space<vmem>>
    %dma_start3A_150 = arith.constant 1152 : i32
    %dma_start3A_151 = tpu.memref_slice %arg9[%dma_start3A_150] : memref<2048xi32, #tpu.memory_space<vmem>> -> memref<128xi32, #tpu.memory_space<vmem>>
    %dma_start3A_152 = arith.constant 0 : i32
    %dma_start3A_153 = tpu.memref_slice %arg11[%dma_start3A_152] : memref<1024xi32, #tpu.memory_space<vmem_shared>> -> memref<1024xi32, #tpu.memory_space<vmem_shared>>
    tpu.enqueue_indirect_dma source(%dma_start3A_153 : memref<1024xi32, #tpu.memory_space<vmem_shared>>) target(%dma_start3A_149 : memref<128xi32, #tpu.memory_space<vmem>>) offsets(%dma_start3A_151 : memref<128xi32, #tpu.memory_space<vmem>>) semaphore(%arg18 : memref<!tpu.dma_semaphore, #tpu.memory_space<semaphore_mem>>)
    %dma_start3A_154 = arith.constant 1152 : i32
    %dma_start3A_155 = tpu.memref_slice %arg15[%dma_start3A_154] : memref<2048xf32, #tpu.memory_space<vmem>> -> memref<128xf32, #tpu.memory_space<vmem>>
    %dma_start3A_156 = arith.constant 1152 : i32
    %dma_start3A_157 = tpu.memref_slice %arg9[%dma_start3A_156] : memref<2048xi32, #tpu.memory_space<vmem>> -> memref<128xi32, #tpu.memory_space<vmem>>
    %dma_start3A_158 = arith.constant 0 : i32
    %dma_start3A_159 = tpu.memref_slice %arg12[%dma_start3A_158] : memref<1024xf32, #tpu.memory_space<vmem_shared>> -> memref<1024xf32, #tpu.memory_space<vmem_shared>>
    tpu.enqueue_indirect_dma source(%dma_start3A_159 : memref<1024xf32, #tpu.memory_space<vmem_shared>>) target(%dma_start3A_155 : memref<128xf32, #tpu.memory_space<vmem>>) offsets(%dma_start3A_157 : memref<128xi32, #tpu.memory_space<vmem>>) semaphore(%arg18 : memref<!tpu.dma_semaphore, #tpu.memory_space<semaphore_mem>>)
    %dma_start3A_160 = arith.constant 1280 : i32
    %dma_start3A_161 = tpu.memref_slice %arg14[%dma_start3A_160] : memref<2048xi32, #tpu.memory_space<vmem>> -> memref<128xi32, #tpu.memory_space<vmem>>
    %dma_start3A_162 = arith.constant 1280 : i32
    %dma_start3A_163 = tpu.memref_slice %arg9[%dma_start3A_162] : memref<2048xi32, #tpu.memory_space<vmem>> -> memref<128xi32, #tpu.memory_space<vmem>>
    %dma_start3A_164 = arith.constant 0 : i32
    %dma_start3A_165 = tpu.memref_slice %arg11[%dma_start3A_164] : memref<1024xi32, #tpu.memory_space<vmem_shared>> -> memref<1024xi32, #tpu.memory_space<vmem_shared>>
    tpu.enqueue_indirect_dma source(%dma_start3A_165 : memref<1024xi32, #tpu.memory_space<vmem_shared>>) target(%dma_start3A_161 : memref<128xi32, #tpu.memory_space<vmem>>) offsets(%dma_start3A_163 : memref<128xi32, #tpu.memory_space<vmem>>) semaphore(%arg18 : memref<!tpu.dma_semaphore, #tpu.memory_space<semaphore_mem>>)
    %dma_start3A_166 = arith.constant 1280 : i32
    %dma_start3A_167 = tpu.memref_slice %arg15[%dma_start3A_166] : memref<2048xf32, #tpu.memory_space<vmem>> -> memref<128xf32, #tpu.memory_space<vmem>>
    %dma_start3A_168 = arith.constant 1280 : i32
    %dma_start3A_169 = tpu.memref_slice %arg9[%dma_start3A_168] : memref<2048xi32, #tpu.memory_space<vmem>> -> memref<128xi32, #tpu.memory_space<vmem>>
    %dma_start3A_170 = arith.constant 0 : i32
    %dma_start3A_171 = tpu.memref_slice %arg12[%dma_start3A_170] : memref<1024xf32, #tpu.memory_space<vmem_shared>> -> memref<1024xf32, #tpu.memory_space<vmem_shared>>
    tpu.enqueue_indirect_dma source(%dma_start3A_171 : memref<1024xf32, #tpu.memory_space<vmem_shared>>) target(%dma_start3A_167 : memref<128xf32, #tpu.memory_space<vmem>>) offsets(%dma_start3A_169 : memref<128xi32, #tpu.memory_space<vmem>>) semaphore(%arg18 : memref<!tpu.dma_semaphore, #tpu.memory_space<semaphore_mem>>)
    %dma_start3A_172 = arith.constant 1408 : i32
    %dma_start3A_173 = tpu.memref_slice %arg14[%dma_start3A_172] : memref<2048xi32, #tpu.memory_space<vmem>> -> memref<128xi32, #tpu.memory_space<vmem>>
    %dma_start3A_174 = arith.constant 1408 : i32
    %dma_start3A_175 = tpu.memref_slice %arg9[%dma_start3A_174] : memref<2048xi32, #tpu.memory_space<vmem>> -> memref<128xi32, #tpu.memory_space<vmem>>
    %dma_start3A_176 = arith.constant 0 : i32
    %dma_start3A_177 = tpu.memref_slice %arg11[%dma_start3A_176] : memref<1024xi32, #tpu.memory_space<vmem_shared>> -> memref<1024xi32, #tpu.memory_space<vmem_shared>>
    tpu.enqueue_indirect_dma source(%dma_start3A_177 : memref<1024xi32, #tpu.memory_space<vmem_shared>>) target(%dma_start3A_173 : memref<128xi32, #tpu.memory_space<vmem>>) offsets(%dma_start3A_175 : memref<128xi32, #tpu.memory_space<vmem>>) semaphore(%arg18 : memref<!tpu.dma_semaphore, #tpu.memory_space<semaphore_mem>>)
    %dma_start3A_178 = arith.constant 1408 : i32
    %dma_start3A_179 = tpu.memref_slice %arg15[%dma_start3A_178] : memref<2048xf32, #tpu.memory_space<vmem>> -> memref<128xf32, #tpu.memory_space<vmem>>
    %dma_start3A_180 = arith.constant 1408 : i32
    %dma_start3A_181 = tpu.memref_slice %arg9[%dma_start3A_180] : memref<2048xi32, #tpu.memory_space<vmem>> -> memref<128xi32, #tpu.memory_space<vmem>>
    %dma_start3A_182 = arith.constant 0 : i32
    %dma_start3A_183 = tpu.memref_slice %arg12[%dma_start3A_182] : memref<1024xf32, #tpu.memory_space<vmem_shared>> -> memref<1024xf32, #tpu.memory_space<vmem_shared>>
    tpu.enqueue_indirect_dma source(%dma_start3A_183 : memref<1024xf32, #tpu.memory_space<vmem_shared>>) target(%dma_start3A_179 : memref<128xf32, #tpu.memory_space<vmem>>) offsets(%dma_start3A_181 : memref<128xi32, #tpu.memory_space<vmem>>) semaphore(%arg18 : memref<!tpu.dma_semaphore, #tpu.memory_space<semaphore_mem>>)
    %dma_start3A_184 = arith.constant 1536 : i32
    %dma_start3A_185 = tpu.memref_slice %arg14[%dma_start3A_184] : memref<2048xi32, #tpu.memory_space<vmem>> -> memref<128xi32, #tpu.memory_space<vmem>>
    %dma_start3A_186 = arith.constant 1536 : i32
    %dma_start3A_187 = tpu.memref_slice %arg9[%dma_start3A_186] : memref<2048xi32, #tpu.memory_space<vmem>> -> memref<128xi32, #tpu.memory_space<vmem>>
    %dma_start3A_188 = arith.constant 0 : i32
    %dma_start3A_189 = tpu.memref_slice %arg11[%dma_start3A_188] : memref<1024xi32, #tpu.memory_space<vmem_shared>> -> memref<1024xi32, #tpu.memory_space<vmem_shared>>
    tpu.enqueue_indirect_dma source(%dma_start3A_189 : memref<1024xi32, #tpu.memory_space<vmem_shared>>) target(%dma_start3A_185 : memref<128xi32, #tpu.memory_space<vmem>>) offsets(%dma_start3A_187 : memref<128xi32, #tpu.memory_space<vmem>>) semaphore(%arg18 : memref<!tpu.dma_semaphore, #tpu.memory_space<semaphore_mem>>)
    %dma_start3A_190 = arith.constant 1536 : i32
    %dma_start3A_191 = tpu.memref_slice %arg15[%dma_start3A_190] : memref<2048xf32, #tpu.memory_space<vmem>> -> memref<128xf32, #tpu.memory_space<vmem>>
    %dma_start3A_192 = arith.constant 1536 : i32
    %dma_start3A_193 = tpu.memref_slice %arg9[%dma_start3A_192] : memref<2048xi32, #tpu.memory_space<vmem>> -> memref<128xi32, #tpu.memory_space<vmem>>
    %dma_start3A_194 = arith.constant 0 : i32
    %dma_start3A_195 = tpu.memref_slice %arg12[%dma_start3A_194] : memref<1024xf32, #tpu.memory_space<vmem_shared>> -> memref<1024xf32, #tpu.memory_space<vmem_shared>>
    tpu.enqueue_indirect_dma source(%dma_start3A_195 : memref<1024xf32, #tpu.memory_space<vmem_shared>>) target(%dma_start3A_191 : memref<128xf32, #tpu.memory_space<vmem>>) offsets(%dma_start3A_193 : memref<128xi32, #tpu.memory_space<vmem>>) semaphore(%arg18 : memref<!tpu.dma_semaphore, #tpu.memory_space<semaphore_mem>>)
    %dma_start3A_196 = arith.constant 1664 : i32
    %dma_start3A_197 = tpu.memref_slice %arg14[%dma_start3A_196] : memref<2048xi32, #tpu.memory_space<vmem>> -> memref<128xi32, #tpu.memory_space<vmem>>
    %dma_start3A_198 = arith.constant 1664 : i32
    %dma_start3A_199 = tpu.memref_slice %arg9[%dma_start3A_198] : memref<2048xi32, #tpu.memory_space<vmem>> -> memref<128xi32, #tpu.memory_space<vmem>>
    %dma_start3A_200 = arith.constant 0 : i32
    %dma_start3A_201 = tpu.memref_slice %arg11[%dma_start3A_200] : memref<1024xi32, #tpu.memory_space<vmem_shared>> -> memref<1024xi32, #tpu.memory_space<vmem_shared>>
    tpu.enqueue_indirect_dma source(%dma_start3A_201 : memref<1024xi32, #tpu.memory_space<vmem_shared>>) target(%dma_start3A_197 : memref<128xi32, #tpu.memory_space<vmem>>) offsets(%dma_start3A_199 : memref<128xi32, #tpu.memory_space<vmem>>) semaphore(%arg18 : memref<!tpu.dma_semaphore, #tpu.memory_space<semaphore_mem>>)
    %dma_start3A_202 = arith.constant 1664 : i32
    %dma_start3A_203 = tpu.memref_slice %arg15[%dma_start3A_202] : memref<2048xf32, #tpu.memory_space<vmem>> -> memref<128xf32, #tpu.memory_space<vmem>>
    %dma_start3A_204 = arith.constant 1664 : i32
    %dma_start3A_205 = tpu.memref_slice %arg9[%dma_start3A_204] : memref<2048xi32, #tpu.memory_space<vmem>> -> memref<128xi32, #tpu.memory_space<vmem>>
    %dma_start3A_206 = arith.constant 0 : i32
    %dma_start3A_207 = tpu.memref_slice %arg12[%dma_start3A_206] : memref<1024xf32, #tpu.memory_space<vmem_shared>> -> memref<1024xf32, #tpu.memory_space<vmem_shared>>
    tpu.enqueue_indirect_dma source(%dma_start3A_207 : memref<1024xf32, #tpu.memory_space<vmem_shared>>) target(%dma_start3A_203 : memref<128xf32, #tpu.memory_space<vmem>>) offsets(%dma_start3A_205 : memref<128xi32, #tpu.memory_space<vmem>>) semaphore(%arg18 : memref<!tpu.dma_semaphore, #tpu.memory_space<semaphore_mem>>)
    %dma_start3A_208 = arith.constant 1792 : i32
    %dma_start3A_209 = tpu.memref_slice %arg14[%dma_start3A_208] : memref<2048xi32, #tpu.memory_space<vmem>> -> memref<128xi32, #tpu.memory_space<vmem>>
    %dma_start3A_210 = arith.constant 1792 : i32
    %dma_start3A_211 = tpu.memref_slice %arg9[%dma_start3A_210] : memref<2048xi32, #tpu.memory_space<vmem>> -> memref<128xi32, #tpu.memory_space<vmem>>
    %dma_start3A_212 = arith.constant 0 : i32
    %dma_start3A_213 = tpu.memref_slice %arg11[%dma_start3A_212] : memref<1024xi32, #tpu.memory_space<vmem_shared>> -> memref<1024xi32, #tpu.memory_space<vmem_shared>>
    tpu.enqueue_indirect_dma source(%dma_start3A_213 : memref<1024xi32, #tpu.memory_space<vmem_shared>>) target(%dma_start3A_209 : memref<128xi32, #tpu.memory_space<vmem>>) offsets(%dma_start3A_211 : memref<128xi32, #tpu.memory_space<vmem>>) semaphore(%arg18 : memref<!tpu.dma_semaphore, #tpu.memory_space<semaphore_mem>>)
    %dma_start3A_214 = arith.constant 1792 : i32
    %dma_start3A_215 = tpu.memref_slice %arg15[%dma_start3A_214] : memref<2048xf32, #tpu.memory_space<vmem>> -> memref<128xf32, #tpu.memory_space<vmem>>
    %dma_start3A_216 = arith.constant 1792 : i32
    %dma_start3A_217 = tpu.memref_slice %arg9[%dma_start3A_216] : memref<2048xi32, #tpu.memory_space<vmem>> -> memref<128xi32, #tpu.memory_space<vmem>>
    %dma_start3A_218 = arith.constant 0 : i32
    %dma_start3A_219 = tpu.memref_slice %arg12[%dma_start3A_218] : memref<1024xf32, #tpu.memory_space<vmem_shared>> -> memref<1024xf32, #tpu.memory_space<vmem_shared>>
    tpu.enqueue_indirect_dma source(%dma_start3A_219 : memref<1024xf32, #tpu.memory_space<vmem_shared>>) target(%dma_start3A_215 : memref<128xf32, #tpu.memory_space<vmem>>) offsets(%dma_start3A_217 : memref<128xi32, #tpu.memory_space<vmem>>) semaphore(%arg18 : memref<!tpu.dma_semaphore, #tpu.memory_space<semaphore_mem>>)
    %dma_start3A_220 = arith.constant 1920 : i32
    %dma_start3A_221 = tpu.memref_slice %arg14[%dma_start3A_220] : memref<2048xi32, #tpu.memory_space<vmem>> -> memref<128xi32, #tpu.memory_space<vmem>>
    %dma_start3A_222 = arith.constant 1920 : i32
    %dma_start3A_223 = tpu.memref_slice %arg9[%dma_start3A_222] : memref<2048xi32, #tpu.memory_space<vmem>> -> memref<128xi32, #tpu.memory_space<vmem>>
    %dma_start3A_224 = arith.constant 0 : i32
    %dma_start3A_225 = tpu.memref_slice %arg11[%dma_start3A_224] : memref<1024xi32, #tpu.memory_space<vmem_shared>> -> memref<1024xi32, #tpu.memory_space<vmem_shared>>
    tpu.enqueue_indirect_dma source(%dma_start3A_225 : memref<1024xi32, #tpu.memory_space<vmem_shared>>) target(%dma_start3A_221 : memref<128xi32, #tpu.memory_space<vmem>>) offsets(%dma_start3A_223 : memref<128xi32, #tpu.memory_space<vmem>>) semaphore(%arg18 : memref<!tpu.dma_semaphore, #tpu.memory_space<semaphore_mem>>)
    %dma_start3A_226 = arith.constant 1920 : i32
    %dma_start3A_227 = tpu.memref_slice %arg15[%dma_start3A_226] : memref<2048xf32, #tpu.memory_space<vmem>> -> memref<128xf32, #tpu.memory_space<vmem>>
    %dma_start3A_228 = arith.constant 1920 : i32
    %dma_start3A_229 = tpu.memref_slice %arg9[%dma_start3A_228] : memref<2048xi32, #tpu.memory_space<vmem>> -> memref<128xi32, #tpu.memory_space<vmem>>
    %dma_start3A_230 = arith.constant 0 : i32
    %dma_start3A_231 = tpu.memref_slice %arg12[%dma_start3A_230] : memref<1024xf32, #tpu.memory_space<vmem_shared>> -> memref<1024xf32, #tpu.memory_space<vmem_shared>>
    tpu.enqueue_indirect_dma source(%dma_start3A_231 : memref<1024xf32, #tpu.memory_space<vmem_shared>>) target(%dma_start3A_227 : memref<128xf32, #tpu.memory_space<vmem>>) offsets(%dma_start3A_229 : memref<128xi32, #tpu.memory_space<vmem>>) semaphore(%arg18 : memref<!tpu.dma_semaphore, #tpu.memory_space<semaphore_mem>>)
    %dma_start3A_232 = arith.constant 0 : i32
    %dma_start3A_233 = arith.constant 0 : i32
    %dma_start3A_234 = tpu.memref_slice %arg13[%dma_start3A_232, %dma_start3A_233] : memref<2048x32xf32, #tpu.memory_space<vmem>> -> memref<128x32xf32, #tpu.memory_space<vmem>>
    %dma_start3A_235 = arith.constant 0 : i32
    %dma_start3A_236 = tpu.memref_slice %arg9[%dma_start3A_235] : memref<2048xi32, #tpu.memory_space<vmem>> -> memref<128xi32, #tpu.memory_space<vmem>>
    %dma_start3A_237 = arith.constant 0 : i32
    %dma_start3A_238 = arith.constant 0 : i32
    %dma_start3A_239 = tpu.memref_slice %arg10[%dma_start3A_237, %dma_start3A_238] : memref<1024x32xf32, #tpu.memory_space<vmem_shared>> -> memref<1024x32xf32, #tpu.memory_space<vmem_shared>>
    tpu.enqueue_indirect_dma source(%dma_start3A_239 : memref<1024x32xf32, #tpu.memory_space<vmem_shared>>) target(%dma_start3A_234 : memref<128x32xf32, #tpu.memory_space<vmem>>) offsets(%dma_start3A_236 : memref<128xi32, #tpu.memory_space<vmem>>) semaphore(%arg17 : memref<!tpu.dma_semaphore, #tpu.memory_space<semaphore_mem>>)
    %dma_start3A_240 = arith.constant 128 : i32
    %dma_start3A_241 = arith.constant 0 : i32
    %dma_start3A_242 = tpu.memref_slice %arg13[%dma_start3A_240, %dma_start3A_241] : memref<2048x32xf32, #tpu.memory_space<vmem>> -> memref<128x32xf32, #tpu.memory_space<vmem>>
    %dma_start3A_243 = arith.constant 128 : i32
    %dma_start3A_244 = tpu.memref_slice %arg9[%dma_start3A_243] : memref<2048xi32, #tpu.memory_space<vmem>> -> memref<128xi32, #tpu.memory_space<vmem>>
    %dma_start3A_245 = arith.constant 0 : i32
    %dma_start3A_246 = arith.constant 0 : i32
    %dma_start3A_247 = tpu.memref_slice %arg10[%dma_start3A_245, %dma_start3A_246] : memref<1024x32xf32, #tpu.memory_space<vmem_shared>> -> memref<1024x32xf32, #tpu.memory_space<vmem_shared>>
    tpu.enqueue_indirect_dma source(%dma_start3A_247 : memref<1024x32xf32, #tpu.memory_space<vmem_shared>>) target(%dma_start3A_242 : memref<128x32xf32, #tpu.memory_space<vmem>>) offsets(%dma_start3A_244 : memref<128xi32, #tpu.memory_space<vmem>>) semaphore(%arg17 : memref<!tpu.dma_semaphore, #tpu.memory_space<semaphore_mem>>)
    %dma_start3A_248 = arith.constant 256 : i32
    %dma_start3A_249 = arith.constant 0 : i32
    %dma_start3A_250 = tpu.memref_slice %arg13[%dma_start3A_248, %dma_start3A_249] : memref<2048x32xf32, #tpu.memory_space<vmem>> -> memref<128x32xf32, #tpu.memory_space<vmem>>
    %dma_start3A_251 = arith.constant 256 : i32
    %dma_start3A_252 = tpu.memref_slice %arg9[%dma_start3A_251] : memref<2048xi32, #tpu.memory_space<vmem>> -> memref<128xi32, #tpu.memory_space<vmem>>
    %dma_start3A_253 = arith.constant 0 : i32
    %dma_start3A_254 = arith.constant 0 : i32
    %dma_start3A_255 = tpu.memref_slice %arg10[%dma_start3A_253, %dma_start3A_254] : memref<1024x32xf32, #tpu.memory_space<vmem_shared>> -> memref<1024x32xf32, #tpu.memory_space<vmem_shared>>
    tpu.enqueue_indirect_dma source(%dma_start3A_255 : memref<1024x32xf32, #tpu.memory_space<vmem_shared>>) target(%dma_start3A_250 : memref<128x32xf32, #tpu.memory_space<vmem>>) offsets(%dma_start3A_252 : memref<128xi32, #tpu.memory_space<vmem>>) semaphore(%arg17 : memref<!tpu.dma_semaphore, #tpu.memory_space<semaphore_mem>>)
    %dma_start3A_256 = arith.constant 384 : i32
    %dma_start3A_257 = arith.constant 0 : i32
    %dma_start3A_258 = tpu.memref_slice %arg13[%dma_start3A_256, %dma_start3A_257] : memref<2048x32xf32, #tpu.memory_space<vmem>> -> memref<128x32xf32, #tpu.memory_space<vmem>>
    %dma_start3A_259 = arith.constant 384 : i32
    %dma_start3A_260 = tpu.memref_slice %arg9[%dma_start3A_259] : memref<2048xi32, #tpu.memory_space<vmem>> -> memref<128xi32, #tpu.memory_space<vmem>>
    %dma_start3A_261 = arith.constant 0 : i32
    %dma_start3A_262 = arith.constant 0 : i32
    %dma_start3A_263 = tpu.memref_slice %arg10[%dma_start3A_261, %dma_start3A_262] : memref<1024x32xf32, #tpu.memory_space<vmem_shared>> -> memref<1024x32xf32, #tpu.memory_space<vmem_shared>>
    tpu.enqueue_indirect_dma source(%dma_start3A_263 : memref<1024x32xf32, #tpu.memory_space<vmem_shared>>) target(%dma_start3A_258 : memref<128x32xf32, #tpu.memory_space<vmem>>) offsets(%dma_start3A_260 : memref<128xi32, #tpu.memory_space<vmem>>) semaphore(%arg17 : memref<!tpu.dma_semaphore, #tpu.memory_space<semaphore_mem>>)
    %dma_start3A_264 = arith.constant 512 : i32
    %dma_start3A_265 = arith.constant 0 : i32
    %dma_start3A_266 = tpu.memref_slice %arg13[%dma_start3A_264, %dma_start3A_265] : memref<2048x32xf32, #tpu.memory_space<vmem>> -> memref<128x32xf32, #tpu.memory_space<vmem>>
    %dma_start3A_267 = arith.constant 512 : i32
    %dma_start3A_268 = tpu.memref_slice %arg9[%dma_start3A_267] : memref<2048xi32, #tpu.memory_space<vmem>> -> memref<128xi32, #tpu.memory_space<vmem>>
    %dma_start3A_269 = arith.constant 0 : i32
    %dma_start3A_270 = arith.constant 0 : i32
    %dma_start3A_271 = tpu.memref_slice %arg10[%dma_start3A_269, %dma_start3A_270] : memref<1024x32xf32, #tpu.memory_space<vmem_shared>> -> memref<1024x32xf32, #tpu.memory_space<vmem_shared>>
    tpu.enqueue_indirect_dma source(%dma_start3A_271 : memref<1024x32xf32, #tpu.memory_space<vmem_shared>>) target(%dma_start3A_266 : memref<128x32xf32, #tpu.memory_space<vmem>>) offsets(%dma_start3A_268 : memref<128xi32, #tpu.memory_space<vmem>>) semaphore(%arg17 : memref<!tpu.dma_semaphore, #tpu.memory_space<semaphore_mem>>)
    %dma_start3A_272 = arith.constant 640 : i32
    %dma_start3A_273 = arith.constant 0 : i32
    %dma_start3A_274 = tpu.memref_slice %arg13[%dma_start3A_272, %dma_start3A_273] : memref<2048x32xf32, #tpu.memory_space<vmem>> -> memref<128x32xf32, #tpu.memory_space<vmem>>
    %dma_start3A_275 = arith.constant 640 : i32
    %dma_start3A_276 = tpu.memref_slice %arg9[%dma_start3A_275] : memref<2048xi32, #tpu.memory_space<vmem>> -> memref<128xi32, #tpu.memory_space<vmem>>
    %dma_start3A_277 = arith.constant 0 : i32
    %dma_start3A_278 = arith.constant 0 : i32
    %dma_start3A_279 = tpu.memref_slice %arg10[%dma_start3A_277, %dma_start3A_278] : memref<1024x32xf32, #tpu.memory_space<vmem_shared>> -> memref<1024x32xf32, #tpu.memory_space<vmem_shared>>
    tpu.enqueue_indirect_dma source(%dma_start3A_279 : memref<1024x32xf32, #tpu.memory_space<vmem_shared>>) target(%dma_start3A_274 : memref<128x32xf32, #tpu.memory_space<vmem>>) offsets(%dma_start3A_276 : memref<128xi32, #tpu.memory_space<vmem>>) semaphore(%arg17 : memref<!tpu.dma_semaphore, #tpu.memory_space<semaphore_mem>>)
    %dma_start3A_280 = arith.constant 768 : i32
    %dma_start3A_281 = arith.constant 0 : i32
    %dma_start3A_282 = tpu.memref_slice %arg13[%dma_start3A_280, %dma_start3A_281] : memref<2048x32xf32, #tpu.memory_space<vmem>> -> memref<128x32xf32, #tpu.memory_space<vmem>>
    %dma_start3A_283 = arith.constant 768 : i32
    %dma_start3A_284 = tpu.memref_slice %arg9[%dma_start3A_283] : memref<2048xi32, #tpu.memory_space<vmem>> -> memref<128xi32, #tpu.memory_space<vmem>>
    %dma_start3A_285 = arith.constant 0 : i32
    %dma_start3A_286 = arith.constant 0 : i32
    %dma_start3A_287 = tpu.memref_slice %arg10[%dma_start3A_285, %dma_start3A_286] : memref<1024x32xf32, #tpu.memory_space<vmem_shared>> -> memref<1024x32xf32, #tpu.memory_space<vmem_shared>>
    tpu.enqueue_indirect_dma source(%dma_start3A_287 : memref<1024x32xf32, #tpu.memory_space<vmem_shared>>) target(%dma_start3A_282 : memref<128x32xf32, #tpu.memory_space<vmem>>) offsets(%dma_start3A_284 : memref<128xi32, #tpu.memory_space<vmem>>) semaphore(%arg17 : memref<!tpu.dma_semaphore, #tpu.memory_space<semaphore_mem>>)
    %dma_start3A_288 = arith.constant 896 : i32
    %dma_start3A_289 = arith.constant 0 : i32
    %dma_start3A_290 = tpu.memref_slice %arg13[%dma_start3A_288, %dma_start3A_289] : memref<2048x32xf32, #tpu.memory_space<vmem>> -> memref<128x32xf32, #tpu.memory_space<vmem>>
    %dma_start3A_291 = arith.constant 896 : i32
    %dma_start3A_292 = tpu.memref_slice %arg9[%dma_start3A_291] : memref<2048xi32, #tpu.memory_space<vmem>> -> memref<128xi32, #tpu.memory_space<vmem>>
    %dma_start3A_293 = arith.constant 0 : i32
    %dma_start3A_294 = arith.constant 0 : i32
    %dma_start3A_295 = tpu.memref_slice %arg10[%dma_start3A_293, %dma_start3A_294] : memref<1024x32xf32, #tpu.memory_space<vmem_shared>> -> memref<1024x32xf32, #tpu.memory_space<vmem_shared>>
    tpu.enqueue_indirect_dma source(%dma_start3A_295 : memref<1024x32xf32, #tpu.memory_space<vmem_shared>>) target(%dma_start3A_290 : memref<128x32xf32, #tpu.memory_space<vmem>>) offsets(%dma_start3A_292 : memref<128xi32, #tpu.memory_space<vmem>>) semaphore(%arg17 : memref<!tpu.dma_semaphore, #tpu.memory_space<semaphore_mem>>)
    %dma_start3A_296 = arith.constant 1024 : i32
    %dma_start3A_297 = arith.constant 0 : i32
    %dma_start3A_298 = tpu.memref_slice %arg13[%dma_start3A_296, %dma_start3A_297] : memref<2048x32xf32, #tpu.memory_space<vmem>> -> memref<128x32xf32, #tpu.memory_space<vmem>>
    %dma_start3A_299 = arith.constant 1024 : i32
    %dma_start3A_300 = tpu.memref_slice %arg9[%dma_start3A_299] : memref<2048xi32, #tpu.memory_space<vmem>> -> memref<128xi32, #tpu.memory_space<vmem>>
    %dma_start3A_301 = arith.constant 0 : i32
    %dma_start3A_302 = arith.constant 0 : i32
    %dma_start3A_303 = tpu.memref_slice %arg10[%dma_start3A_301, %dma_start3A_302] : memref<1024x32xf32, #tpu.memory_space<vmem_shared>> -> memref<1024x32xf32, #tpu.memory_space<vmem_shared>>
    tpu.enqueue_indirect_dma source(%dma_start3A_303 : memref<1024x32xf32, #tpu.memory_space<vmem_shared>>) target(%dma_start3A_298 : memref<128x32xf32, #tpu.memory_space<vmem>>) offsets(%dma_start3A_300 : memref<128xi32, #tpu.memory_space<vmem>>) semaphore(%arg17 : memref<!tpu.dma_semaphore, #tpu.memory_space<semaphore_mem>>)
    %dma_start3A_304 = arith.constant 1152 : i32
    %dma_start3A_305 = arith.constant 0 : i32
    %dma_start3A_306 = tpu.memref_slice %arg13[%dma_start3A_304, %dma_start3A_305] : memref<2048x32xf32, #tpu.memory_space<vmem>> -> memref<128x32xf32, #tpu.memory_space<vmem>>
    %dma_start3A_307 = arith.constant 1152 : i32
    %dma_start3A_308 = tpu.memref_slice %arg9[%dma_start3A_307] : memref<2048xi32, #tpu.memory_space<vmem>> -> memref<128xi32, #tpu.memory_space<vmem>>
    %dma_start3A_309 = arith.constant 0 : i32
    %dma_start3A_310 = arith.constant 0 : i32
    %dma_start3A_311 = tpu.memref_slice %arg10[%dma_start3A_309, %dma_start3A_310] : memref<1024x32xf32, #tpu.memory_space<vmem_shared>> -> memref<1024x32xf32, #tpu.memory_space<vmem_shared>>
    tpu.enqueue_indirect_dma source(%dma_start3A_311 : memref<1024x32xf32, #tpu.memory_space<vmem_shared>>) target(%dma_start3A_306 : memref<128x32xf32, #tpu.memory_space<vmem>>) offsets(%dma_start3A_308 : memref<128xi32, #tpu.memory_space<vmem>>) semaphore(%arg17 : memref<!tpu.dma_semaphore, #tpu.memory_space<semaphore_mem>>)
    %dma_start3A_312 = arith.constant 1280 : i32
    %dma_start3A_313 = arith.constant 0 : i32
    %dma_start3A_314 = tpu.memref_slice %arg13[%dma_start3A_312, %dma_start3A_313] : memref<2048x32xf32, #tpu.memory_space<vmem>> -> memref<128x32xf32, #tpu.memory_space<vmem>>
    %dma_start3A_315 = arith.constant 1280 : i32
    %dma_start3A_316 = tpu.memref_slice %arg9[%dma_start3A_315] : memref<2048xi32, #tpu.memory_space<vmem>> -> memref<128xi32, #tpu.memory_space<vmem>>
    %dma_start3A_317 = arith.constant 0 : i32
    %dma_start3A_318 = arith.constant 0 : i32
    %dma_start3A_319 = tpu.memref_slice %arg10[%dma_start3A_317, %dma_start3A_318] : memref<1024x32xf32, #tpu.memory_space<vmem_shared>> -> memref<1024x32xf32, #tpu.memory_space<vmem_shared>>
    tpu.enqueue_indirect_dma source(%dma_start3A_319 : memref<1024x32xf32, #tpu.memory_space<vmem_shared>>) target(%dma_start3A_314 : memref<128x32xf32, #tpu.memory_space<vmem>>) offsets(%dma_start3A_316 : memref<128xi32, #tpu.memory_space<vmem>>) semaphore(%arg17 : memref<!tpu.dma_semaphore, #tpu.memory_space<semaphore_mem>>)
    %dma_start3A_320 = arith.constant 1408 : i32
    %dma_start3A_321 = arith.constant 0 : i32
    %dma_start3A_322 = tpu.memref_slice %arg13[%dma_start3A_320, %dma_start3A_321] : memref<2048x32xf32, #tpu.memory_space<vmem>> -> memref<128x32xf32, #tpu.memory_space<vmem>>
    %dma_start3A_323 = arith.constant 1408 : i32
    %dma_start3A_324 = tpu.memref_slice %arg9[%dma_start3A_323] : memref<2048xi32, #tpu.memory_space<vmem>> -> memref<128xi32, #tpu.memory_space<vmem>>
    %dma_start3A_325 = arith.constant 0 : i32
    %dma_start3A_326 = arith.constant 0 : i32
    %dma_start3A_327 = tpu.memref_slice %arg10[%dma_start3A_325, %dma_start3A_326] : memref<1024x32xf32, #tpu.memory_space<vmem_shared>> -> memref<1024x32xf32, #tpu.memory_space<vmem_shared>>
    tpu.enqueue_indirect_dma source(%dma_start3A_327 : memref<1024x32xf32, #tpu.memory_space<vmem_shared>>) target(%dma_start3A_322 : memref<128x32xf32, #tpu.memory_space<vmem>>) offsets(%dma_start3A_324 : memref<128xi32, #tpu.memory_space<vmem>>) semaphore(%arg17 : memref<!tpu.dma_semaphore, #tpu.memory_space<semaphore_mem>>)
    %dma_start3A_328 = arith.constant 1536 : i32
    %dma_start3A_329 = arith.constant 0 : i32
    %dma_start3A_330 = tpu.memref_slice %arg13[%dma_start3A_328, %dma_start3A_329] : memref<2048x32xf32, #tpu.memory_space<vmem>> -> memref<128x32xf32, #tpu.memory_space<vmem>>
    %dma_start3A_331 = arith.constant 1536 : i32
    %dma_start3A_332 = tpu.memref_slice %arg9[%dma_start3A_331] : memref<2048xi32, #tpu.memory_space<vmem>> -> memref<128xi32, #tpu.memory_space<vmem>>
    %dma_start3A_333 = arith.constant 0 : i32
    %dma_start3A_334 = arith.constant 0 : i32
    %dma_start3A_335 = tpu.memref_slice %arg10[%dma_start3A_333, %dma_start3A_334] : memref<1024x32xf32, #tpu.memory_space<vmem_shared>> -> memref<1024x32xf32, #tpu.memory_space<vmem_shared>>
    tpu.enqueue_indirect_dma source(%dma_start3A_335 : memref<1024x32xf32, #tpu.memory_space<vmem_shared>>) target(%dma_start3A_330 : memref<128x32xf32, #tpu.memory_space<vmem>>) offsets(%dma_start3A_332 : memref<128xi32, #tpu.memory_space<vmem>>) semaphore(%arg17 : memref<!tpu.dma_semaphore, #tpu.memory_space<semaphore_mem>>)
    %dma_start3A_336 = arith.constant 1664 : i32
    %dma_start3A_337 = arith.constant 0 : i32
    %dma_start3A_338 = tpu.memref_slice %arg13[%dma_start3A_336, %dma_start3A_337] : memref<2048x32xf32, #tpu.memory_space<vmem>> -> memref<128x32xf32, #tpu.memory_space<vmem>>
    %dma_start3A_339 = arith.constant 1664 : i32
    %dma_start3A_340 = tpu.memref_slice %arg9[%dma_start3A_339] : memref<2048xi32, #tpu.memory_space<vmem>> -> memref<128xi32, #tpu.memory_space<vmem>>
    %dma_start3A_341 = arith.constant 0 : i32
    %dma_start3A_342 = arith.constant 0 : i32
    %dma_start3A_343 = tpu.memref_slice %arg10[%dma_start3A_341, %dma_start3A_342] : memref<1024x32xf32, #tpu.memory_space<vmem_shared>> -> memref<1024x32xf32, #tpu.memory_space<vmem_shared>>
    tpu.enqueue_indirect_dma source(%dma_start3A_343 : memref<1024x32xf32, #tpu.memory_space<vmem_shared>>) target(%dma_start3A_338 : memref<128x32xf32, #tpu.memory_space<vmem>>) offsets(%dma_start3A_340 : memref<128xi32, #tpu.memory_space<vmem>>) semaphore(%arg17 : memref<!tpu.dma_semaphore, #tpu.memory_space<semaphore_mem>>)
    %dma_start3A_344 = arith.constant 1792 : i32
    %dma_start3A_345 = arith.constant 0 : i32
    %dma_start3A_346 = tpu.memref_slice %arg13[%dma_start3A_344, %dma_start3A_345] : memref<2048x32xf32, #tpu.memory_space<vmem>> -> memref<128x32xf32, #tpu.memory_space<vmem>>
    %dma_start3A_347 = arith.constant 1792 : i32
    %dma_start3A_348 = tpu.memref_slice %arg9[%dma_start3A_347] : memref<2048xi32, #tpu.memory_space<vmem>> -> memref<128xi32, #tpu.memory_space<vmem>>
    %dma_start3A_349 = arith.constant 0 : i32
    %dma_start3A_350 = arith.constant 0 : i32
    %dma_start3A_351 = tpu.memref_slice %arg10[%dma_start3A_349, %dma_start3A_350] : memref<1024x32xf32, #tpu.memory_space<vmem_shared>> -> memref<1024x32xf32, #tpu.memory_space<vmem_shared>>
    tpu.enqueue_indirect_dma source(%dma_start3A_351 : memref<1024x32xf32, #tpu.memory_space<vmem_shared>>) target(%dma_start3A_346 : memref<128x32xf32, #tpu.memory_space<vmem>>) offsets(%dma_start3A_348 : memref<128xi32, #tpu.memory_space<vmem>>) semaphore(%arg17 : memref<!tpu.dma_semaphore, #tpu.memory_space<semaphore_mem>>)
    %dma_start3A_352 = arith.constant 1920 : i32
    %dma_start3A_353 = arith.constant 0 : i32
    %dma_start3A_354 = tpu.memref_slice %arg13[%dma_start3A_352, %dma_start3A_353] : memref<2048x32xf32, #tpu.memory_space<vmem>> -> memref<128x32xf32, #tpu.memory_space<vmem>>
    %dma_start3A_355 = arith.constant 1920 : i32
    %dma_start3A_356 = tpu.memref_slice %arg9[%dma_start3A_355] : memref<2048xi32, #tpu.memory_space<vmem>> -> memref<128xi32, #tpu.memory_space<vmem>>
    %dma_start3A_357 = arith.constant 0 : i32
    %dma_start3A_358 = arith.constant 0 : i32
    %dma_start3A_359 = tpu.memref_slice %arg10[%dma_start3A_357, %dma_start3A_358] : memref<1024x32xf32, #tpu.memory_space<vmem_shared>> -> memref<1024x32xf32, #tpu.memory_space<vmem_shared>>
    tpu.enqueue_indirect_dma source(%dma_start3A_359 : memref<1024x32xf32, #tpu.memory_space<vmem_shared>>) target(%dma_start3A_354 : memref<128x32xf32, #tpu.memory_space<vmem>>) offsets(%dma_start3A_356 : memref<128xi32, #tpu.memory_space<vmem>>) semaphore(%arg17 : memref<!tpu.dma_semaphore, #tpu.memory_space<semaphore_mem>>)
    %dma_wait3A_360 = arith.constant 0 : i32
    %dma_wait3A_361 = tpu.memref_slice %arg14[%dma_wait3A_360] : memref<2048xi32, #tpu.memory_space<vmem>> -> memref<128xi32, #tpu.memory_space<vmem>>
    %dma_wait3A_362 = arith.constant 0 : i32
    %dma_wait3A_363 = tpu.memref_slice %arg9[%dma_wait3A_362] : memref<2048xi32, #tpu.memory_space<vmem>> -> memref<128xi32, #tpu.memory_space<vmem>>
    %dma_wait3A_364 = arith.constant 0 : i32
    %dma_wait3A_365 = tpu.memref_slice %arg11[%dma_wait3A_364] : memref<1024xi32, #tpu.memory_space<vmem_shared>> -> memref<1024xi32, #tpu.memory_space<vmem_shared>>
    tpu.wait_indirect_dma semaphore(%arg18 : memref<!tpu.dma_semaphore, #tpu.memory_space<semaphore_mem>>) src(%dma_wait3A_365 : memref<1024xi32, #tpu.memory_space<vmem_shared>>) dst(%dma_wait3A_361 : memref<128xi32, #tpu.memory_space<vmem>>)
    %dma_wait3A_366 = arith.constant 0 : i32
    %dma_wait3A_367 = tpu.memref_slice %arg15[%dma_wait3A_366] : memref<2048xf32, #tpu.memory_space<vmem>> -> memref<128xf32, #tpu.memory_space<vmem>>
    %dma_wait3A_368 = arith.constant 0 : i32
    %dma_wait3A_369 = tpu.memref_slice %arg9[%dma_wait3A_368] : memref<2048xi32, #tpu.memory_space<vmem>> -> memref<128xi32, #tpu.memory_space<vmem>>
    %dma_wait3A_370 = arith.constant 0 : i32
    %dma_wait3A_371 = tpu.memref_slice %arg12[%dma_wait3A_370] : memref<1024xf32, #tpu.memory_space<vmem_shared>> -> memref<1024xf32, #tpu.memory_space<vmem_shared>>
    tpu.wait_indirect_dma semaphore(%arg18 : memref<!tpu.dma_semaphore, #tpu.memory_space<semaphore_mem>>) src(%dma_wait3A_371 : memref<1024xf32, #tpu.memory_space<vmem_shared>>) dst(%dma_wait3A_367 : memref<128xf32, #tpu.memory_space<vmem>>)
    %dma_wait3A_372 = arith.constant 128 : i32
    %dma_wait3A_373 = tpu.memref_slice %arg14[%dma_wait3A_372] : memref<2048xi32, #tpu.memory_space<vmem>> -> memref<128xi32, #tpu.memory_space<vmem>>
    %dma_wait3A_374 = arith.constant 128 : i32
    %dma_wait3A_375 = tpu.memref_slice %arg9[%dma_wait3A_374] : memref<2048xi32, #tpu.memory_space<vmem>> -> memref<128xi32, #tpu.memory_space<vmem>>
    %dma_wait3A_376 = arith.constant 0 : i32
    %dma_wait3A_377 = tpu.memref_slice %arg11[%dma_wait3A_376] : memref<1024xi32, #tpu.memory_space<vmem_shared>> -> memref<1024xi32, #tpu.memory_space<vmem_shared>>
    tpu.wait_indirect_dma semaphore(%arg18 : memref<!tpu.dma_semaphore, #tpu.memory_space<semaphore_mem>>) src(%dma_wait3A_377 : memref<1024xi32, #tpu.memory_space<vmem_shared>>) dst(%dma_wait3A_373 : memref<128xi32, #tpu.memory_space<vmem>>)
    %dma_wait3A_378 = arith.constant 128 : i32
    %dma_wait3A_379 = tpu.memref_slice %arg15[%dma_wait3A_378] : memref<2048xf32, #tpu.memory_space<vmem>> -> memref<128xf32, #tpu.memory_space<vmem>>
    %dma_wait3A_380 = arith.constant 128 : i32
    %dma_wait3A_381 = tpu.memref_slice %arg9[%dma_wait3A_380] : memref<2048xi32, #tpu.memory_space<vmem>> -> memref<128xi32, #tpu.memory_space<vmem>>
    %dma_wait3A_382 = arith.constant 0 : i32
    %dma_wait3A_383 = tpu.memref_slice %arg12[%dma_wait3A_382] : memref<1024xf32, #tpu.memory_space<vmem_shared>> -> memref<1024xf32, #tpu.memory_space<vmem_shared>>
    tpu.wait_indirect_dma semaphore(%arg18 : memref<!tpu.dma_semaphore, #tpu.memory_space<semaphore_mem>>) src(%dma_wait3A_383 : memref<1024xf32, #tpu.memory_space<vmem_shared>>) dst(%dma_wait3A_379 : memref<128xf32, #tpu.memory_space<vmem>>)
    %dma_wait3A_384 = arith.constant 256 : i32
    %dma_wait3A_385 = tpu.memref_slice %arg14[%dma_wait3A_384] : memref<2048xi32, #tpu.memory_space<vmem>> -> memref<128xi32, #tpu.memory_space<vmem>>
    %dma_wait3A_386 = arith.constant 256 : i32
    %dma_wait3A_387 = tpu.memref_slice %arg9[%dma_wait3A_386] : memref<2048xi32, #tpu.memory_space<vmem>> -> memref<128xi32, #tpu.memory_space<vmem>>
    %dma_wait3A_388 = arith.constant 0 : i32
    %dma_wait3A_389 = tpu.memref_slice %arg11[%dma_wait3A_388] : memref<1024xi32, #tpu.memory_space<vmem_shared>> -> memref<1024xi32, #tpu.memory_space<vmem_shared>>
    tpu.wait_indirect_dma semaphore(%arg18 : memref<!tpu.dma_semaphore, #tpu.memory_space<semaphore_mem>>) src(%dma_wait3A_389 : memref<1024xi32, #tpu.memory_space<vmem_shared>>) dst(%dma_wait3A_385 : memref<128xi32, #tpu.memory_space<vmem>>)
    %dma_wait3A_390 = arith.constant 256 : i32
    %dma_wait3A_391 = tpu.memref_slice %arg15[%dma_wait3A_390] : memref<2048xf32, #tpu.memory_space<vmem>> -> memref<128xf32, #tpu.memory_space<vmem>>
    %dma_wait3A_392 = arith.constant 256 : i32
    %dma_wait3A_393 = tpu.memref_slice %arg9[%dma_wait3A_392] : memref<2048xi32, #tpu.memory_space<vmem>> -> memref<128xi32, #tpu.memory_space<vmem>>
    %dma_wait3A_394 = arith.constant 0 : i32
    %dma_wait3A_395 = tpu.memref_slice %arg12[%dma_wait3A_394] : memref<1024xf32, #tpu.memory_space<vmem_shared>> -> memref<1024xf32, #tpu.memory_space<vmem_shared>>
    tpu.wait_indirect_dma semaphore(%arg18 : memref<!tpu.dma_semaphore, #tpu.memory_space<semaphore_mem>>) src(%dma_wait3A_395 : memref<1024xf32, #tpu.memory_space<vmem_shared>>) dst(%dma_wait3A_391 : memref<128xf32, #tpu.memory_space<vmem>>)
    %dma_wait3A_396 = arith.constant 384 : i32
    %dma_wait3A_397 = tpu.memref_slice %arg14[%dma_wait3A_396] : memref<2048xi32, #tpu.memory_space<vmem>> -> memref<128xi32, #tpu.memory_space<vmem>>
    %dma_wait3A_398 = arith.constant 384 : i32
    %dma_wait3A_399 = tpu.memref_slice %arg9[%dma_wait3A_398] : memref<2048xi32, #tpu.memory_space<vmem>> -> memref<128xi32, #tpu.memory_space<vmem>>
    %dma_wait3A_400 = arith.constant 0 : i32
    %dma_wait3A_401 = tpu.memref_slice %arg11[%dma_wait3A_400] : memref<1024xi32, #tpu.memory_space<vmem_shared>> -> memref<1024xi32, #tpu.memory_space<vmem_shared>>
    tpu.wait_indirect_dma semaphore(%arg18 : memref<!tpu.dma_semaphore, #tpu.memory_space<semaphore_mem>>) src(%dma_wait3A_401 : memref<1024xi32, #tpu.memory_space<vmem_shared>>) dst(%dma_wait3A_397 : memref<128xi32, #tpu.memory_space<vmem>>)
    %dma_wait3A_402 = arith.constant 384 : i32
    %dma_wait3A_403 = tpu.memref_slice %arg15[%dma_wait3A_402] : memref<2048xf32, #tpu.memory_space<vmem>> -> memref<128xf32, #tpu.memory_space<vmem>>
    %dma_wait3A_404 = arith.constant 384 : i32
    %dma_wait3A_405 = tpu.memref_slice %arg9[%dma_wait3A_404] : memref<2048xi32, #tpu.memory_space<vmem>> -> memref<128xi32, #tpu.memory_space<vmem>>
    %dma_wait3A_406 = arith.constant 0 : i32
    %dma_wait3A_407 = tpu.memref_slice %arg12[%dma_wait3A_406] : memref<1024xf32, #tpu.memory_space<vmem_shared>> -> memref<1024xf32, #tpu.memory_space<vmem_shared>>
    tpu.wait_indirect_dma semaphore(%arg18 : memref<!tpu.dma_semaphore, #tpu.memory_space<semaphore_mem>>) src(%dma_wait3A_407 : memref<1024xf32, #tpu.memory_space<vmem_shared>>) dst(%dma_wait3A_403 : memref<128xf32, #tpu.memory_space<vmem>>)
    %dma_wait3A_408 = arith.constant 512 : i32
    %dma_wait3A_409 = tpu.memref_slice %arg14[%dma_wait3A_408] : memref<2048xi32, #tpu.memory_space<vmem>> -> memref<128xi32, #tpu.memory_space<vmem>>
    %dma_wait3A_410 = arith.constant 512 : i32
    %dma_wait3A_411 = tpu.memref_slice %arg9[%dma_wait3A_410] : memref<2048xi32, #tpu.memory_space<vmem>> -> memref<128xi32, #tpu.memory_space<vmem>>
    %dma_wait3A_412 = arith.constant 0 : i32
    %dma_wait3A_413 = tpu.memref_slice %arg11[%dma_wait3A_412] : memref<1024xi32, #tpu.memory_space<vmem_shared>> -> memref<1024xi32, #tpu.memory_space<vmem_shared>>
    tpu.wait_indirect_dma semaphore(%arg18 : memref<!tpu.dma_semaphore, #tpu.memory_space<semaphore_mem>>) src(%dma_wait3A_413 : memref<1024xi32, #tpu.memory_space<vmem_shared>>) dst(%dma_wait3A_409 : memref<128xi32, #tpu.memory_space<vmem>>)
    %dma_wait3A_414 = arith.constant 512 : i32
    %dma_wait3A_415 = tpu.memref_slice %arg15[%dma_wait3A_414] : memref<2048xf32, #tpu.memory_space<vmem>> -> memref<128xf32, #tpu.memory_space<vmem>>
    %dma_wait3A_416 = arith.constant 512 : i32
    %dma_wait3A_417 = tpu.memref_slice %arg9[%dma_wait3A_416] : memref<2048xi32, #tpu.memory_space<vmem>> -> memref<128xi32, #tpu.memory_space<vmem>>
    %dma_wait3A_418 = arith.constant 0 : i32
    %dma_wait3A_419 = tpu.memref_slice %arg12[%dma_wait3A_418] : memref<1024xf32, #tpu.memory_space<vmem_shared>> -> memref<1024xf32, #tpu.memory_space<vmem_shared>>
    tpu.wait_indirect_dma semaphore(%arg18 : memref<!tpu.dma_semaphore, #tpu.memory_space<semaphore_mem>>) src(%dma_wait3A_419 : memref<1024xf32, #tpu.memory_space<vmem_shared>>) dst(%dma_wait3A_415 : memref<128xf32, #tpu.memory_space<vmem>>)
    %dma_wait3A_420 = arith.constant 640 : i32
    %dma_wait3A_421 = tpu.memref_slice %arg14[%dma_wait3A_420] : memref<2048xi32, #tpu.memory_space<vmem>> -> memref<128xi32, #tpu.memory_space<vmem>>
    %dma_wait3A_422 = arith.constant 640 : i32
    %dma_wait3A_423 = tpu.memref_slice %arg9[%dma_wait3A_422] : memref<2048xi32, #tpu.memory_space<vmem>> -> memref<128xi32, #tpu.memory_space<vmem>>
    %dma_wait3A_424 = arith.constant 0 : i32
    %dma_wait3A_425 = tpu.memref_slice %arg11[%dma_wait3A_424] : memref<1024xi32, #tpu.memory_space<vmem_shared>> -> memref<1024xi32, #tpu.memory_space<vmem_shared>>
    tpu.wait_indirect_dma semaphore(%arg18 : memref<!tpu.dma_semaphore, #tpu.memory_space<semaphore_mem>>) src(%dma_wait3A_425 : memref<1024xi32, #tpu.memory_space<vmem_shared>>) dst(%dma_wait3A_421 : memref<128xi32, #tpu.memory_space<vmem>>)
    %dma_wait3A_426 = arith.constant 640 : i32
    %dma_wait3A_427 = tpu.memref_slice %arg15[%dma_wait3A_426] : memref<2048xf32, #tpu.memory_space<vmem>> -> memref<128xf32, #tpu.memory_space<vmem>>
    %dma_wait3A_428 = arith.constant 640 : i32
    %dma_wait3A_429 = tpu.memref_slice %arg9[%dma_wait3A_428] : memref<2048xi32, #tpu.memory_space<vmem>> -> memref<128xi32, #tpu.memory_space<vmem>>
    %dma_wait3A_430 = arith.constant 0 : i32
    %dma_wait3A_431 = tpu.memref_slice %arg12[%dma_wait3A_430] : memref<1024xf32, #tpu.memory_space<vmem_shared>> -> memref<1024xf32, #tpu.memory_space<vmem_shared>>
    tpu.wait_indirect_dma semaphore(%arg18 : memref<!tpu.dma_semaphore, #tpu.memory_space<semaphore_mem>>) src(%dma_wait3A_431 : memref<1024xf32, #tpu.memory_space<vmem_shared>>) dst(%dma_wait3A_427 : memref<128xf32, #tpu.memory_space<vmem>>)
    %dma_wait3A_432 = arith.constant 768 : i32
    %dma_wait3A_433 = tpu.memref_slice %arg14[%dma_wait3A_432] : memref<2048xi32, #tpu.memory_space<vmem>> -> memref<128xi32, #tpu.memory_space<vmem>>
    %dma_wait3A_434 = arith.constant 768 : i32
    %dma_wait3A_435 = tpu.memref_slice %arg9[%dma_wait3A_434] : memref<2048xi32, #tpu.memory_space<vmem>> -> memref<128xi32, #tpu.memory_space<vmem>>
    %dma_wait3A_436 = arith.constant 0 : i32
    %dma_wait3A_437 = tpu.memref_slice %arg11[%dma_wait3A_436] : memref<1024xi32, #tpu.memory_space<vmem_shared>> -> memref<1024xi32, #tpu.memory_space<vmem_shared>>
    tpu.wait_indirect_dma semaphore(%arg18 : memref<!tpu.dma_semaphore, #tpu.memory_space<semaphore_mem>>) src(%dma_wait3A_437 : memref<1024xi32, #tpu.memory_space<vmem_shared>>) dst(%dma_wait3A_433 : memref<128xi32, #tpu.memory_space<vmem>>)
    %dma_wait3A_438 = arith.constant 768 : i32
    %dma_wait3A_439 = tpu.memref_slice %arg15[%dma_wait3A_438] : memref<2048xf32, #tpu.memory_space<vmem>> -> memref<128xf32, #tpu.memory_space<vmem>>
    %dma_wait3A_440 = arith.constant 768 : i32
    %dma_wait3A_441 = tpu.memref_slice %arg9[%dma_wait3A_440] : memref<2048xi32, #tpu.memory_space<vmem>> -> memref<128xi32, #tpu.memory_space<vmem>>
    %dma_wait3A_442 = arith.constant 0 : i32
    %dma_wait3A_443 = tpu.memref_slice %arg12[%dma_wait3A_442] : memref<1024xf32, #tpu.memory_space<vmem_shared>> -> memref<1024xf32, #tpu.memory_space<vmem_shared>>
    tpu.wait_indirect_dma semaphore(%arg18 : memref<!tpu.dma_semaphore, #tpu.memory_space<semaphore_mem>>) src(%dma_wait3A_443 : memref<1024xf32, #tpu.memory_space<vmem_shared>>) dst(%dma_wait3A_439 : memref<128xf32, #tpu.memory_space<vmem>>)
    %dma_wait3A_444 = arith.constant 896 : i32
    %dma_wait3A_445 = tpu.memref_slice %arg14[%dma_wait3A_444] : memref<2048xi32, #tpu.memory_space<vmem>> -> memref<128xi32, #tpu.memory_space<vmem>>
    %dma_wait3A_446 = arith.constant 896 : i32
    %dma_wait3A_447 = tpu.memref_slice %arg9[%dma_wait3A_446] : memref<2048xi32, #tpu.memory_space<vmem>> -> memref<128xi32, #tpu.memory_space<vmem>>
    %dma_wait3A_448 = arith.constant 0 : i32
    %dma_wait3A_449 = tpu.memref_slice %arg11[%dma_wait3A_448] : memref<1024xi32, #tpu.memory_space<vmem_shared>> -> memref<1024xi32, #tpu.memory_space<vmem_shared>>
    tpu.wait_indirect_dma semaphore(%arg18 : memref<!tpu.dma_semaphore, #tpu.memory_space<semaphore_mem>>) src(%dma_wait3A_449 : memref<1024xi32, #tpu.memory_space<vmem_shared>>) dst(%dma_wait3A_445 : memref<128xi32, #tpu.memory_space<vmem>>)
    %dma_wait3A_450 = arith.constant 896 : i32
    %dma_wait3A_451 = tpu.memref_slice %arg15[%dma_wait3A_450] : memref<2048xf32, #tpu.memory_space<vmem>> -> memref<128xf32, #tpu.memory_space<vmem>>
    %dma_wait3A_452 = arith.constant 896 : i32
    %dma_wait3A_453 = tpu.memref_slice %arg9[%dma_wait3A_452] : memref<2048xi32, #tpu.memory_space<vmem>> -> memref<128xi32, #tpu.memory_space<vmem>>
    %dma_wait3A_454 = arith.constant 0 : i32
    %dma_wait3A_455 = tpu.memref_slice %arg12[%dma_wait3A_454] : memref<1024xf32, #tpu.memory_space<vmem_shared>> -> memref<1024xf32, #tpu.memory_space<vmem_shared>>
    tpu.wait_indirect_dma semaphore(%arg18 : memref<!tpu.dma_semaphore, #tpu.memory_space<semaphore_mem>>) src(%dma_wait3A_455 : memref<1024xf32, #tpu.memory_space<vmem_shared>>) dst(%dma_wait3A_451 : memref<128xf32, #tpu.memory_space<vmem>>)
    %dma_wait3A_456 = arith.constant 1024 : i32
    %dma_wait3A_457 = tpu.memref_slice %arg14[%dma_wait3A_456] : memref<2048xi32, #tpu.memory_space<vmem>> -> memref<128xi32, #tpu.memory_space<vmem>>
    %dma_wait3A_458 = arith.constant 1024 : i32
    %dma_wait3A_459 = tpu.memref_slice %arg9[%dma_wait3A_458] : memref<2048xi32, #tpu.memory_space<vmem>> -> memref<128xi32, #tpu.memory_space<vmem>>
    %dma_wait3A_460 = arith.constant 0 : i32
    %dma_wait3A_461 = tpu.memref_slice %arg11[%dma_wait3A_460] : memref<1024xi32, #tpu.memory_space<vmem_shared>> -> memref<1024xi32, #tpu.memory_space<vmem_shared>>
    tpu.wait_indirect_dma semaphore(%arg18 : memref<!tpu.dma_semaphore, #tpu.memory_space<semaphore_mem>>) src(%dma_wait3A_461 : memref<1024xi32, #tpu.memory_space<vmem_shared>>) dst(%dma_wait3A_457 : memref<128xi32, #tpu.memory_space<vmem>>)
    %dma_wait3A_462 = arith.constant 1024 : i32
    %dma_wait3A_463 = tpu.memref_slice %arg15[%dma_wait3A_462] : memref<2048xf32, #tpu.memory_space<vmem>> -> memref<128xf32, #tpu.memory_space<vmem>>
    %dma_wait3A_464 = arith.constant 1024 : i32
    %dma_wait3A_465 = tpu.memref_slice %arg9[%dma_wait3A_464] : memref<2048xi32, #tpu.memory_space<vmem>> -> memref<128xi32, #tpu.memory_space<vmem>>
    %dma_wait3A_466 = arith.constant 0 : i32
    %dma_wait3A_467 = tpu.memref_slice %arg12[%dma_wait3A_466] : memref<1024xf32, #tpu.memory_space<vmem_shared>> -> memref<1024xf32, #tpu.memory_space<vmem_shared>>
    tpu.wait_indirect_dma semaphore(%arg18 : memref<!tpu.dma_semaphore, #tpu.memory_space<semaphore_mem>>) src(%dma_wait3A_467 : memref<1024xf32, #tpu.memory_space<vmem_shared>>) dst(%dma_wait3A_463 : memref<128xf32, #tpu.memory_space<vmem>>)
    %dma_wait3A_468 = arith.constant 1152 : i32
    %dma_wait3A_469 = tpu.memref_slice %arg14[%dma_wait3A_468] : memref<2048xi32, #tpu.memory_space<vmem>> -> memref<128xi32, #tpu.memory_space<vmem>>
    %dma_wait3A_470 = arith.constant 1152 : i32
    %dma_wait3A_471 = tpu.memref_slice %arg9[%dma_wait3A_470] : memref<2048xi32, #tpu.memory_space<vmem>> -> memref<128xi32, #tpu.memory_space<vmem>>
    %dma_wait3A_472 = arith.constant 0 : i32
    %dma_wait3A_473 = tpu.memref_slice %arg11[%dma_wait3A_472] : memref<1024xi32, #tpu.memory_space<vmem_shared>> -> memref<1024xi32, #tpu.memory_space<vmem_shared>>
    tpu.wait_indirect_dma semaphore(%arg18 : memref<!tpu.dma_semaphore, #tpu.memory_space<semaphore_mem>>) src(%dma_wait3A_473 : memref<1024xi32, #tpu.memory_space<vmem_shared>>) dst(%dma_wait3A_469 : memref<128xi32, #tpu.memory_space<vmem>>)
    %dma_wait3A_474 = arith.constant 1152 : i32
    %dma_wait3A_475 = tpu.memref_slice %arg15[%dma_wait3A_474] : memref<2048xf32, #tpu.memory_space<vmem>> -> memref<128xf32, #tpu.memory_space<vmem>>
    %dma_wait3A_476 = arith.constant 1152 : i32
    %dma_wait3A_477 = tpu.memref_slice %arg9[%dma_wait3A_476] : memref<2048xi32, #tpu.memory_space<vmem>> -> memref<128xi32, #tpu.memory_space<vmem>>
    %dma_wait3A_478 = arith.constant 0 : i32
    %dma_wait3A_479 = tpu.memref_slice %arg12[%dma_wait3A_478] : memref<1024xf32, #tpu.memory_space<vmem_shared>> -> memref<1024xf32, #tpu.memory_space<vmem_shared>>
    tpu.wait_indirect_dma semaphore(%arg18 : memref<!tpu.dma_semaphore, #tpu.memory_space<semaphore_mem>>) src(%dma_wait3A_479 : memref<1024xf32, #tpu.memory_space<vmem_shared>>) dst(%dma_wait3A_475 : memref<128xf32, #tpu.memory_space<vmem>>)
    %dma_wait3A_480 = arith.constant 1280 : i32
    %dma_wait3A_481 = tpu.memref_slice %arg14[%dma_wait3A_480] : memref<2048xi32, #tpu.memory_space<vmem>> -> memref<128xi32, #tpu.memory_space<vmem>>
    %dma_wait3A_482 = arith.constant 1280 : i32
    %dma_wait3A_483 = tpu.memref_slice %arg9[%dma_wait3A_482] : memref<2048xi32, #tpu.memory_space<vmem>> -> memref<128xi32, #tpu.memory_space<vmem>>
    %dma_wait3A_484 = arith.constant 0 : i32
    %dma_wait3A_485 = tpu.memref_slice %arg11[%dma_wait3A_484] : memref<1024xi32, #tpu.memory_space<vmem_shared>> -> memref<1024xi32, #tpu.memory_space<vmem_shared>>
    tpu.wait_indirect_dma semaphore(%arg18 : memref<!tpu.dma_semaphore, #tpu.memory_space<semaphore_mem>>) src(%dma_wait3A_485 : memref<1024xi32, #tpu.memory_space<vmem_shared>>) dst(%dma_wait3A_481 : memref<128xi32, #tpu.memory_space<vmem>>)
    %dma_wait3A_486 = arith.constant 1280 : i32
    %dma_wait3A_487 = tpu.memref_slice %arg15[%dma_wait3A_486] : memref<2048xf32, #tpu.memory_space<vmem>> -> memref<128xf32, #tpu.memory_space<vmem>>
    %dma_wait3A_488 = arith.constant 1280 : i32
    %dma_wait3A_489 = tpu.memref_slice %arg9[%dma_wait3A_488] : memref<2048xi32, #tpu.memory_space<vmem>> -> memref<128xi32, #tpu.memory_space<vmem>>
    %dma_wait3A_490 = arith.constant 0 : i32
    %dma_wait3A_491 = tpu.memref_slice %arg12[%dma_wait3A_490] : memref<1024xf32, #tpu.memory_space<vmem_shared>> -> memref<1024xf32, #tpu.memory_space<vmem_shared>>
    tpu.wait_indirect_dma semaphore(%arg18 : memref<!tpu.dma_semaphore, #tpu.memory_space<semaphore_mem>>) src(%dma_wait3A_491 : memref<1024xf32, #tpu.memory_space<vmem_shared>>) dst(%dma_wait3A_487 : memref<128xf32, #tpu.memory_space<vmem>>)
    %dma_wait3A_492 = arith.constant 1408 : i32
    %dma_wait3A_493 = tpu.memref_slice %arg14[%dma_wait3A_492] : memref<2048xi32, #tpu.memory_space<vmem>> -> memref<128xi32, #tpu.memory_space<vmem>>
    %dma_wait3A_494 = arith.constant 1408 : i32
    %dma_wait3A_495 = tpu.memref_slice %arg9[%dma_wait3A_494] : memref<2048xi32, #tpu.memory_space<vmem>> -> memref<128xi32, #tpu.memory_space<vmem>>
    %dma_wait3A_496 = arith.constant 0 : i32
    %dma_wait3A_497 = tpu.memref_slice %arg11[%dma_wait3A_496] : memref<1024xi32, #tpu.memory_space<vmem_shared>> -> memref<1024xi32, #tpu.memory_space<vmem_shared>>
    tpu.wait_indirect_dma semaphore(%arg18 : memref<!tpu.dma_semaphore, #tpu.memory_space<semaphore_mem>>) src(%dma_wait3A_497 : memref<1024xi32, #tpu.memory_space<vmem_shared>>) dst(%dma_wait3A_493 : memref<128xi32, #tpu.memory_space<vmem>>)
    %dma_wait3A_498 = arith.constant 1408 : i32
    %dma_wait3A_499 = tpu.memref_slice %arg15[%dma_wait3A_498] : memref<2048xf32, #tpu.memory_space<vmem>> -> memref<128xf32, #tpu.memory_space<vmem>>
    %dma_wait3A_500 = arith.constant 1408 : i32
    %dma_wait3A_501 = tpu.memref_slice %arg9[%dma_wait3A_500] : memref<2048xi32, #tpu.memory_space<vmem>> -> memref<128xi32, #tpu.memory_space<vmem>>
    %dma_wait3A_502 = arith.constant 0 : i32
    %dma_wait3A_503 = tpu.memref_slice %arg12[%dma_wait3A_502] : memref<1024xf32, #tpu.memory_space<vmem_shared>> -> memref<1024xf32, #tpu.memory_space<vmem_shared>>
    tpu.wait_indirect_dma semaphore(%arg18 : memref<!tpu.dma_semaphore, #tpu.memory_space<semaphore_mem>>) src(%dma_wait3A_503 : memref<1024xf32, #tpu.memory_space<vmem_shared>>) dst(%dma_wait3A_499 : memref<128xf32, #tpu.memory_space<vmem>>)
    %dma_wait3A_504 = arith.constant 1536 : i32
    %dma_wait3A_505 = tpu.memref_slice %arg14[%dma_wait3A_504] : memref<2048xi32, #tpu.memory_space<vmem>> -> memref<128xi32, #tpu.memory_space<vmem>>
    %dma_wait3A_506 = arith.constant 1536 : i32
    %dma_wait3A_507 = tpu.memref_slice %arg9[%dma_wait3A_506] : memref<2048xi32, #tpu.memory_space<vmem>> -> memref<128xi32, #tpu.memory_space<vmem>>
    %dma_wait3A_508 = arith.constant 0 : i32
    %dma_wait3A_509 = tpu.memref_slice %arg11[%dma_wait3A_508] : memref<1024xi32, #tpu.memory_space<vmem_shared>> -> memref<1024xi32, #tpu.memory_space<vmem_shared>>
    tpu.wait_indirect_dma semaphore(%arg18 : memref<!tpu.dma_semaphore, #tpu.memory_space<semaphore_mem>>) src(%dma_wait3A_509 : memref<1024xi32, #tpu.memory_space<vmem_shared>>) dst(%dma_wait3A_505 : memref<128xi32, #tpu.memory_space<vmem>>)
    %dma_wait3A_510 = arith.constant 1536 : i32
    %dma_wait3A_511 = tpu.memref_slice %arg15[%dma_wait3A_510] : memref<2048xf32, #tpu.memory_space<vmem>> -> memref<128xf32, #tpu.memory_space<vmem>>
    %dma_wait3A_512 = arith.constant 1536 : i32
    %dma_wait3A_513 = tpu.memref_slice %arg9[%dma_wait3A_512] : memref<2048xi32, #tpu.memory_space<vmem>> -> memref<128xi32, #tpu.memory_space<vmem>>
    %dma_wait3A_514 = arith.constant 0 : i32
    %dma_wait3A_515 = tpu.memref_slice %arg12[%dma_wait3A_514] : memref<1024xf32, #tpu.memory_space<vmem_shared>> -> memref<1024xf32, #tpu.memory_space<vmem_shared>>
    tpu.wait_indirect_dma semaphore(%arg18 : memref<!tpu.dma_semaphore, #tpu.memory_space<semaphore_mem>>) src(%dma_wait3A_515 : memref<1024xf32, #tpu.memory_space<vmem_shared>>) dst(%dma_wait3A_511 : memref<128xf32, #tpu.memory_space<vmem>>)
    %dma_wait3A_516 = arith.constant 1664 : i32
    %dma_wait3A_517 = tpu.memref_slice %arg14[%dma_wait3A_516] : memref<2048xi32, #tpu.memory_space<vmem>> -> memref<128xi32, #tpu.memory_space<vmem>>
    %dma_wait3A_518 = arith.constant 1664 : i32
    %dma_wait3A_519 = tpu.memref_slice %arg9[%dma_wait3A_518] : memref<2048xi32, #tpu.memory_space<vmem>> -> memref<128xi32, #tpu.memory_space<vmem>>
    %dma_wait3A_520 = arith.constant 0 : i32
    %dma_wait3A_521 = tpu.memref_slice %arg11[%dma_wait3A_520] : memref<1024xi32, #tpu.memory_space<vmem_shared>> -> memref<1024xi32, #tpu.memory_space<vmem_shared>>
    tpu.wait_indirect_dma semaphore(%arg18 : memref<!tpu.dma_semaphore, #tpu.memory_space<semaphore_mem>>) src(%dma_wait3A_521 : memref<1024xi32, #tpu.memory_space<vmem_shared>>) dst(%dma_wait3A_517 : memref<128xi32, #tpu.memory_space<vmem>>)
    %dma_wait3A_522 = arith.constant 1664 : i32
    %dma_wait3A_523 = tpu.memref_slice %arg15[%dma_wait3A_522] : memref<2048xf32, #tpu.memory_space<vmem>> -> memref<128xf32, #tpu.memory_space<vmem>>
    %dma_wait3A_524 = arith.constant 1664 : i32
    %dma_wait3A_525 = tpu.memref_slice %arg9[%dma_wait3A_524] : memref<2048xi32, #tpu.memory_space<vmem>> -> memref<128xi32, #tpu.memory_space<vmem>>
    %dma_wait3A_526 = arith.constant 0 : i32
    %dma_wait3A_527 = tpu.memref_slice %arg12[%dma_wait3A_526] : memref<1024xf32, #tpu.memory_space<vmem_shared>> -> memref<1024xf32, #tpu.memory_space<vmem_shared>>
    tpu.wait_indirect_dma semaphore(%arg18 : memref<!tpu.dma_semaphore, #tpu.memory_space<semaphore_mem>>) src(%dma_wait3A_527 : memref<1024xf32, #tpu.memory_space<vmem_shared>>) dst(%dma_wait3A_523 : memref<128xf32, #tpu.memory_space<vmem>>)
    %dma_wait3A_528 = arith.constant 1792 : i32
    %dma_wait3A_529 = tpu.memref_slice %arg14[%dma_wait3A_528] : memref<2048xi32, #tpu.memory_space<vmem>> -> memref<128xi32, #tpu.memory_space<vmem>>
    %dma_wait3A_530 = arith.constant 1792 : i32
    %dma_wait3A_531 = tpu.memref_slice %arg9[%dma_wait3A_530] : memref<2048xi32, #tpu.memory_space<vmem>> -> memref<128xi32, #tpu.memory_space<vmem>>
    %dma_wait3A_532 = arith.constant 0 : i32
    %dma_wait3A_533 = tpu.memref_slice %arg11[%dma_wait3A_532] : memref<1024xi32, #tpu.memory_space<vmem_shared>> -> memref<1024xi32, #tpu.memory_space<vmem_shared>>
    tpu.wait_indirect_dma semaphore(%arg18 : memref<!tpu.dma_semaphore, #tpu.memory_space<semaphore_mem>>) src(%dma_wait3A_533 : memref<1024xi32, #tpu.memory_space<vmem_shared>>) dst(%dma_wait3A_529 : memref<128xi32, #tpu.memory_space<vmem>>)
    %dma_wait3A_534 = arith.constant 1792 : i32
    %dma_wait3A_535 = tpu.memref_slice %arg15[%dma_wait3A_534] : memref<2048xf32, #tpu.memory_space<vmem>> -> memref<128xf32, #tpu.memory_space<vmem>>
    %dma_wait3A_536 = arith.constant 1792 : i32
    %dma_wait3A_537 = tpu.memref_slice %arg9[%dma_wait3A_536] : memref<2048xi32, #tpu.memory_space<vmem>> -> memref<128xi32, #tpu.memory_space<vmem>>
    %dma_wait3A_538 = arith.constant 0 : i32
    %dma_wait3A_539 = tpu.memref_slice %arg12[%dma_wait3A_538] : memref<1024xf32, #tpu.memory_space<vmem_shared>> -> memref<1024xf32, #tpu.memory_space<vmem_shared>>
    tpu.wait_indirect_dma semaphore(%arg18 : memref<!tpu.dma_semaphore, #tpu.memory_space<semaphore_mem>>) src(%dma_wait3A_539 : memref<1024xf32, #tpu.memory_space<vmem_shared>>) dst(%dma_wait3A_535 : memref<128xf32, #tpu.memory_space<vmem>>)
    %dma_wait3A_540 = arith.constant 1920 : i32
    %dma_wait3A_541 = tpu.memref_slice %arg14[%dma_wait3A_540] : memref<2048xi32, #tpu.memory_space<vmem>> -> memref<128xi32, #tpu.memory_space<vmem>>
    %dma_wait3A_542 = arith.constant 1920 : i32
    %dma_wait3A_543 = tpu.memref_slice %arg9[%dma_wait3A_542] : memref<2048xi32, #tpu.memory_space<vmem>> -> memref<128xi32, #tpu.memory_space<vmem>>
    %dma_wait3A_544 = arith.constant 0 : i32
    %dma_wait3A_545 = tpu.memref_slice %arg11[%dma_wait3A_544] : memref<1024xi32, #tpu.memory_space<vmem_shared>> -> memref<1024xi32, #tpu.memory_space<vmem_shared>>
    tpu.wait_indirect_dma semaphore(%arg18 : memref<!tpu.dma_semaphore, #tpu.memory_space<semaphore_mem>>) src(%dma_wait3A_545 : memref<1024xi32, #tpu.memory_space<vmem_shared>>) dst(%dma_wait3A_541 : memref<128xi32, #tpu.memory_space<vmem>>)
    %dma_wait3A_546 = arith.constant 1920 : i32
    %dma_wait3A_547 = tpu.memref_slice %arg15[%dma_wait3A_546] : memref<2048xf32, #tpu.memory_space<vmem>> -> memref<128xf32, #tpu.memory_space<vmem>>
    %dma_wait3A_548 = arith.constant 1920 : i32
    %dma_wait3A_549 = tpu.memref_slice %arg9[%dma_wait3A_548] : memref<2048xi32, #tpu.memory_space<vmem>> -> memref<128xi32, #tpu.memory_space<vmem>>
    %dma_wait3A_550 = arith.constant 0 : i32
    %dma_wait3A_551 = tpu.memref_slice %arg12[%dma_wait3A_550] : memref<1024xf32, #tpu.memory_space<vmem_shared>> -> memref<1024xf32, #tpu.memory_space<vmem_shared>>
    tpu.wait_indirect_dma semaphore(%arg18 : memref<!tpu.dma_semaphore, #tpu.memory_space<semaphore_mem>>) src(%dma_wait3A_551 : memref<1024xf32, #tpu.memory_space<vmem_shared>>) dst(%dma_wait3A_547 : memref<128xf32, #tpu.memory_space<vmem>>)
    %mul3A_552 = arith.constant 2048 : i32
    %mul3A_553 = arith.muli %add3A, %mul3A_552 : i32
    %dma_start3A_554 = tpu.memref_slice %arg7[%mul3A_553] : memref<65536xi32, #tpu.memory_space<hbm>> -> memref<2048xi32, #tpu.memory_space<hbm>>
    %dma_start3A_555 = tpu.memref_slice %arg7[%mul3A_553] : memref<65536xi32, #tpu.memory_space<hbm>> -> memref<2048xi32, #tpu.memory_space<hbm>>
    tpu.enqueue_dma source(%arg14 : memref<2048xi32, #tpu.memory_space<vmem>>) target(%dma_start3A_555 : memref<2048xi32, #tpu.memory_space<hbm>>) target_semaphore(%arg18 : memref<!tpu.dma_semaphore, #tpu.memory_space<semaphore_mem>>)
    %broadcast_in_dim3A = arith.constant 0.000000e+00 : f32
    %broadcast_in_dim3A_556 = vector.broadcast %broadcast_in_dim3A : f32 to vector<16xf32>
    %scan3A = arith.constant 0 : i32
    %scan3A_557 = arith.constant 32 : i32
    %scan3A_558 = arith.addi %scan3A, %scan3A_557 : i32
    %scan3A_559 = arith.constant 1 : i32
    %scan3A_560:4 = scf.for %scan3A_1116 = %scan3A to %scan3A_558 step %scan3A_559 iter_args(%scan3A_1117 = %broadcast_in_dim3A_556, %scan3A_1118 = %broadcast_in_dim3A_556, %scan3A_1119 = %broadcast_in_dim3A_556, %scan3A_1120 = %broadcast_in_dim3A_556) -> (vector<16xf32>, vector<16xf32>, vector<16xf32>, vector<16xf32>)  : i32 {
      %mul3A_1121 = arith.constant 4 : i32
      %mul3A_1122 = arith.muli %scan3A_1116, %mul3A_1121 : i32
      %mul3A_1123 = arith.constant 16 : i32
      %mul3A_1124 = arith.muli %mul3A_1122, %mul3A_1123 : i32
      %get3A = arith.index_cast %mul3A_1124 : i32 to index
      %get3A_1125 = tpu.vector_load %arg15[%get3A] {strides = array<i32>} : memref<2048xf32, #tpu.memory_space<vmem>>, vector<16xf32>,
      %get3A_1126 = vector.shape_cast %get3A_1125 : vector<16xf32> to vector<16xf32>
      %add3A_1127 = arith.addf %scan3A_1117, %get3A_1126 : vector<16xf32>
      %add3A_1128 = arith.constant 16 : i32
      %add3A_1129 = arith.addi %mul3A_1124, %add3A_1128 : i32
      %get3A_1130 = arith.index_cast %add3A_1129 : i32 to index
      %get3A_1131 = tpu.vector_load %arg15[%get3A_1130] {strides = array<i32>} : memref<2048xf32, #tpu.memory_space<vmem>>, vector<16xf32>,
      %get3A_1132 = vector.shape_cast %get3A_1131 : vector<16xf32> to vector<16xf32>
      %add3A_1133 = arith.addf %scan3A_1118, %get3A_1132 : vector<16xf32>
      %add3A_1134 = arith.constant 32 : i32
      %add3A_1135 = arith.addi %mul3A_1124, %add3A_1134 : i32
      %get3A_1136 = arith.index_cast %add3A_1135 : i32 to index
      %get3A_1137 = tpu.vector_load %arg15[%get3A_1136] {strides = array<i32>} : memref<2048xf32, #tpu.memory_space<vmem>>, vector<16xf32>,
      %get3A_1138 = vector.shape_cast %get3A_1137 : vector<16xf32> to vector<16xf32>
      %add3A_1139 = arith.addf %scan3A_1119, %get3A_1138 : vector<16xf32>
      %add3A_1140 = arith.constant 48 : i32
      %add3A_1141 = arith.addi %mul3A_1124, %add3A_1140 : i32
      %get3A_1142 = arith.index_cast %add3A_1141 : i32 to index
      %get3A_1143 = tpu.vector_load %arg15[%get3A_1142] {strides = array<i32>} : memref<2048xf32, #tpu.memory_space<vmem>>, vector<16xf32>,
      %get3A_1144 = vector.shape_cast %get3A_1143 : vector<16xf32> to vector<16xf32>
      %add3A_1145 = arith.addf %scan3A_1120, %get3A_1144 : vector<16xf32>
      scf.yield %add3A_1127, %add3A_1133, %add3A_1139, %add3A_1145 : vector<16xf32>, vector<16xf32>, vector<16xf32>, vector<16xf32>
    }
    %scan3A_561 = arith.constant 32 : i32
    %add3A_562 = arith.addf %scan3A_560#0, %scan3A_560#1 : vector<16xf32>
    %add3A_563 = arith.addf %scan3A_560#2, %scan3A_560#3 : vector<16xf32>
    %add3A_564 = arith.addf %add3A_562, %add3A_563 : vector<16xf32>
    %swap3A = arith.constant 0 : index
    %swap3A_565 = tpu.vector_load %arg16[%swap3A] {strides = array<i32>} : memref<16xf32, #tpu.memory_space<vmem>>, vector<16xf32>,
    %swap3A_566 = vector.shape_cast %swap3A_565 : vector<16xf32> to vector<16xf32>
    %swap3A_567 = vector.shape_cast %add3A_564 : vector<16xf32> to vector<16xf32>
    tpu.vector_store %arg16[%swap3A], %swap3A_567 {strides = array<i32>} : memref<16xf32, #tpu.memory_space<vmem>>, vector<16xf32>,
    %mul3A_568 = arith.constant 16 : i32
    %mul3A_569 = arith.muli %add3A, %mul3A_568 : i32
    "tpu.region"() ({
      %run_scoped3A = tpu.sem_alloc : memref<!tpu.dma_semaphore, #tpu.memory_space<semaphore_mem>>
      %dma_start3A_1116 = tpu.memref_slice %arg8[%mul3A_569] : memref<512xf32, #tpu.memory_space<hbm>> -> memref<16xf32, #tpu.memory_space<hbm>>
      %dma_start3A_1117 = tpu.memref_slice %arg8[%mul3A_569] : memref<512xf32, #tpu.memory_space<hbm>> -> memref<16xf32, #tpu.memory_space<hbm>>
      tpu.enqueue_dma source(%arg16 : memref<16xf32, #tpu.memory_space<vmem>>) target(%dma_start3A_1117 : memref<16xf32, #tpu.memory_space<hbm>>) target_semaphore(%run_scoped3A : memref<!tpu.dma_semaphore, #tpu.memory_space<semaphore_mem>>)
      %dma_wait3A_1118 = tpu.memref_slice %arg8[%mul3A_569] : memref<512xf32, #tpu.memory_space<hbm>> -> memref<16xf32, #tpu.memory_space<hbm>>
      %dma_wait3A_1119 = tpu.memref_slice %arg8[%mul3A_569] : memref<512xf32, #tpu.memory_space<hbm>> -> memref<16xf32, #tpu.memory_space<hbm>>
      tpu.wait_dma2 semaphore(%run_scoped3A : memref<!tpu.dma_semaphore, #tpu.memory_space<semaphore_mem>>) src(%arg16 : memref<16xf32, #tpu.memory_space<vmem>>) dst(%dma_wait3A_1119 : memref<16xf32, #tpu.memory_space<hbm>>)
      tpu.yield
    }) : () -> ()
    %dma_wait3A_570 = arith.constant 0 : i32
    %dma_wait3A_571 = arith.constant 0 : i32
    %dma_wait3A_572 = tpu.memref_slice %arg13[%dma_wait3A_570, %dma_wait3A_571] : memref<2048x32xf32, #tpu.memory_space<vmem>> -> memref<128x32xf32, #tpu.memory_space<vmem>>
    %dma_wait3A_573 = arith.constant 0 : i32
    %dma_wait3A_574 = tpu.memref_slice %arg9[%dma_wait3A_573] : memref<2048xi32, #tpu.memory_space<vmem>> -> memref<128xi32, #tpu.memory_space<vmem>>
    %dma_wait3A_575 = arith.constant 0 : i32
    %dma_wait3A_576 = arith.constant 0 : i32
    %dma_wait3A_577 = tpu.memref_slice %arg10[%dma_wait3A_575, %dma_wait3A_576] : memref<1024x32xf32, #tpu.memory_space<vmem_shared>> -> memref<1024x32xf32, #tpu.memory_space<vmem_shared>>
    tpu.wait_indirect_dma semaphore(%arg17 : memref<!tpu.dma_semaphore, #tpu.memory_space<semaphore_mem>>) src(%dma_wait3A_577 : memref<1024x32xf32, #tpu.memory_space<vmem_shared>>) dst(%dma_wait3A_572 : memref<128x32xf32, #tpu.memory_space<vmem>>)
    %add3A_578 = arith.constant 0 : i32
    %add3A_579 = arith.addi %mul3A_32, %add3A_578 : i32
    %dma_start3A_580 = arith.constant 0 : i32
    %dma_start3A_581 = arith.constant 0 : i32
    %dma_start3A_582 = tpu.memref_slice %arg13[%dma_start3A_580, %dma_start3A_581] : memref<2048x32xf32, #tpu.memory_space<vmem>> -> memref<128x32xf32, #tpu.memory_space<vmem>>
    %dma_start3A_583 = arith.constant 0 : i32
    %dma_start3A_584 = tpu.memref_slice %arg6[%select_n3A, %add3A_579, %dma_start3A_583] : memref<8x8192x32xf32, #tpu.memory_space<hbm>> -> memref<1x128x32xf32, #tpu.memory_space<hbm>>
    %dma_start3A_585 = tpu.memref_squeeze %dma_start3A_584 : memref<1x128x32xf32, #tpu.memory_space<hbm>> -> memref<128x32xf32, #tpu.memory_space<hbm>>
    %dma_start3A_586 = arith.constant 0 : i32
    %dma_start3A_587 = tpu.memref_slice %arg6[%select_n3A, %add3A_579, %dma_start3A_586] : memref<8x8192x32xf32, #tpu.memory_space<hbm>> -> memref<1x128x32xf32, #tpu.memory_space<hbm>>
    %dma_start3A_588 = tpu.memref_squeeze %dma_start3A_587 : memref<1x128x32xf32, #tpu.memory_space<hbm>> -> memref<128x32xf32, #tpu.memory_space<hbm>>
    %dma_start3A_589 = arith.constant 0 : i32
    %dma_start3A_590 = arith.constant 0 : i32
    %dma_start3A_591 = tpu.memref_slice %arg13[%dma_start3A_589, %dma_start3A_590] : memref<2048x32xf32, #tpu.memory_space<vmem>> -> memref<128x32xf32, #tpu.memory_space<vmem>>
    tpu.enqueue_dma source(%dma_start3A_591 : memref<128x32xf32, #tpu.memory_space<vmem>>) target(%dma_start3A_588 : memref<128x32xf32, #tpu.memory_space<hbm>>) target_semaphore(%arg19 : memref<!tpu.dma_semaphore, #tpu.memory_space<semaphore_mem>>)
    %dma_wait3A_592 = arith.constant 128 : i32
    %dma_wait3A_593 = arith.constant 0 : i32
    %dma_wait3A_594 = tpu.memref_slice %arg13[%dma_wait3A_592, %dma_wait3A_593] : memref<2048x32xf32, #tpu.memory_space<vmem>> -> memref<128x32xf32, #tpu.memory_space<vmem>>
    %dma_wait3A_595 = arith.constant 128 : i32
    %dma_wait3A_596 = tpu.memref_slice %arg9[%dma_wait3A_595] : memref<2048xi32, #tpu.memory_space<vmem>> -> memref<128xi32, #tpu.memory_space<vmem>>
    %dma_wait3A_597 = arith.constant 0 : i32
    %dma_wait3A_598 = arith.constant 0 : i32
    %dma_wait3A_599 = tpu.memref_slice %arg10[%dma_wait3A_597, %dma_wait3A_598] : memref<1024x32xf32, #tpu.memory_space<vmem_shared>> -> memref<1024x32xf32, #tpu.memory_space<vmem_shared>>
    tpu.wait_indirect_dma semaphore(%arg17 : memref<!tpu.dma_semaphore, #tpu.memory_space<semaphore_mem>>) src(%dma_wait3A_599 : memref<1024x32xf32, #tpu.memory_space<vmem_shared>>) dst(%dma_wait3A_594 : memref<128x32xf32, #tpu.memory_space<vmem>>)
    %add3A_600 = arith.constant 128 : i32
    %add3A_601 = arith.addi %mul3A_32, %add3A_600 : i32
    %dma_start3A_602 = arith.constant 128 : i32
    %dma_start3A_603 = arith.constant 0 : i32
    %dma_start3A_604 = tpu.memref_slice %arg13[%dma_start3A_602, %dma_start3A_603] : memref<2048x32xf32, #tpu.memory_space<vmem>> -> memref<128x32xf32, #tpu.memory_space<vmem>>
    %dma_start3A_605 = arith.constant 0 : i32
    %dma_start3A_606 = tpu.memref_slice %arg6[%select_n3A, %add3A_601, %dma_start3A_605] : memref<8x8192x32xf32, #tpu.memory_space<hbm>> -> memref<1x128x32xf32, #tpu.memory_space<hbm>>
    %dma_start3A_607 = tpu.memref_squeeze %dma_start3A_606 : memref<1x128x32xf32, #tpu.memory_space<hbm>> -> memref<128x32xf32, #tpu.memory_space<hbm>>
    %dma_start3A_608 = arith.constant 0 : i32
    %dma_start3A_609 = tpu.memref_slice %arg6[%select_n3A, %add3A_601, %dma_start3A_608] : memref<8x8192x32xf32, #tpu.memory_space<hbm>> -> memref<1x128x32xf32, #tpu.memory_space<hbm>>
    %dma_start3A_610 = tpu.memref_squeeze %dma_start3A_609 : memref<1x128x32xf32, #tpu.memory_space<hbm>> -> memref<128x32xf32, #tpu.memory_space<hbm>>
    %dma_start3A_611 = arith.constant 128 : i32
    %dma_start3A_612 = arith.constant 0 : i32
    %dma_start3A_613 = tpu.memref_slice %arg13[%dma_start3A_611, %dma_start3A_612] : memref<2048x32xf32, #tpu.memory_space<vmem>> -> memref<128x32xf32, #tpu.memory_space<vmem>>
    tpu.enqueue_dma source(%dma_start3A_613 : memref<128x32xf32, #tpu.memory_space<vmem>>) target(%dma_start3A_610 : memref<128x32xf32, #tpu.memory_space<hbm>>) target_semaphore(%arg19 : memref<!tpu.dma_semaphore, #tpu.memory_space<semaphore_mem>>)
    %dma_wait3A_614 = arith.constant 256 : i32
    %dma_wait3A_615 = arith.constant 0 : i32
    %dma_wait3A_616 = tpu.memref_slice %arg13[%dma_wait3A_614, %dma_wait3A_615] : memref<2048x32xf32, #tpu.memory_space<vmem>> -> memref<128x32xf32, #tpu.memory_space<vmem>>
    %dma_wait3A_617 = arith.constant 256 : i32
    %dma_wait3A_618 = tpu.memref_slice %arg9[%dma_wait3A_617] : memref<2048xi32, #tpu.memory_space<vmem>> -> memref<128xi32, #tpu.memory_space<vmem>>
    %dma_wait3A_619 = arith.constant 0 : i32
    %dma_wait3A_620 = arith.constant 0 : i32
    %dma_wait3A_621 = tpu.memref_slice %arg10[%dma_wait3A_619, %dma_wait3A_620] : memref<1024x32xf32, #tpu.memory_space<vmem_shared>> -> memref<1024x32xf32, #tpu.memory_space<vmem_shared>>
    tpu.wait_indirect_dma semaphore(%arg17 : memref<!tpu.dma_semaphore, #tpu.memory_space<semaphore_mem>>) src(%dma_wait3A_621 : memref<1024x32xf32, #tpu.memory_space<vmem_shared>>) dst(%dma_wait3A_616 : memref<128x32xf32, #tpu.memory_space<vmem>>)
    %add3A_622 = arith.constant 256 : i32
    %add3A_623 = arith.addi %mul3A_32, %add3A_622 : i32
    %dma_start3A_624 = arith.constant 256 : i32
    %dma_start3A_625 = arith.constant 0 : i32
    %dma_start3A_626 = tpu.memref_slice %arg13[%dma_start3A_624, %dma_start3A_625] : memref<2048x32xf32, #tpu.memory_space<vmem>> -> memref<128x32xf32, #tpu.memory_space<vmem>>
    %dma_start3A_627 = arith.constant 0 : i32
    %dma_start3A_628 = tpu.memref_slice %arg6[%select_n3A, %add3A_623, %dma_start3A_627] : memref<8x8192x32xf32, #tpu.memory_space<hbm>> -> memref<1x128x32xf32, #tpu.memory_space<hbm>>
    %dma_start3A_629 = tpu.memref_squeeze %dma_start3A_628 : memref<1x128x32xf32, #tpu.memory_space<hbm>> -> memref<128x32xf32, #tpu.memory_space<hbm>>
    %dma_start3A_630 = arith.constant 0 : i32
    %dma_start3A_631 = tpu.memref_slice %arg6[%select_n3A, %add3A_623, %dma_start3A_630] : memref<8x8192x32xf32, #tpu.memory_space<hbm>> -> memref<1x128x32xf32, #tpu.memory_space<hbm>>
    %dma_start3A_632 = tpu.memref_squeeze %dma_start3A_631 : memref<1x128x32xf32, #tpu.memory_space<hbm>> -> memref<128x32xf32, #tpu.memory_space<hbm>>
    %dma_start3A_633 = arith.constant 256 : i32
    %dma_start3A_634 = arith.constant 0 : i32
    %dma_start3A_635 = tpu.memref_slice %arg13[%dma_start3A_633, %dma_start3A_634] : memref<2048x32xf32, #tpu.memory_space<vmem>> -> memref<128x32xf32, #tpu.memory_space<vmem>>
    tpu.enqueue_dma source(%dma_start3A_635 : memref<128x32xf32, #tpu.memory_space<vmem>>) target(%dma_start3A_632 : memref<128x32xf32, #tpu.memory_space<hbm>>) target_semaphore(%arg19 : memref<!tpu.dma_semaphore, #tpu.memory_space<semaphore_mem>>)
    %dma_wait3A_636 = arith.constant 384 : i32
    %dma_wait3A_637 = arith.constant 0 : i32
    %dma_wait3A_638 = tpu.memref_slice %arg13[%dma_wait3A_636, %dma_wait3A_637] : memref<2048x32xf32, #tpu.memory_space<vmem>> -> memref<128x32xf32, #tpu.memory_space<vmem>>
    %dma_wait3A_639 = arith.constant 384 : i32
    %dma_wait3A_640 = tpu.memref_slice %arg9[%dma_wait3A_639] : memref<2048xi32, #tpu.memory_space<vmem>> -> memref<128xi32, #tpu.memory_space<vmem>>
    %dma_wait3A_641 = arith.constant 0 : i32
    %dma_wait3A_642 = arith.constant 0 : i32
    %dma_wait3A_643 = tpu.memref_slice %arg10[%dma_wait3A_641, %dma_wait3A_642] : memref<1024x32xf32, #tpu.memory_space<vmem_shared>> -> memref<1024x32xf32, #tpu.memory_space<vmem_shared>>
    tpu.wait_indirect_dma semaphore(%arg17 : memref<!tpu.dma_semaphore, #tpu.memory_space<semaphore_mem>>) src(%dma_wait3A_643 : memref<1024x32xf32, #tpu.memory_space<vmem_shared>>) dst(%dma_wait3A_638 : memref<128x32xf32, #tpu.memory_space<vmem>>)
    %add3A_644 = arith.constant 384 : i32
    %add3A_645 = arith.addi %mul3A_32, %add3A_644 : i32
    %dma_start3A_646 = arith.constant 384 : i32
    %dma_start3A_647 = arith.constant 0 : i32
    %dma_start3A_648 = tpu.memref_slice %arg13[%dma_start3A_646, %dma_start3A_647] : memref<2048x32xf32, #tpu.memory_space<vmem>> -> memref<128x32xf32, #tpu.memory_space<vmem>>
    %dma_start3A_649 = arith.constant 0 : i32
    %dma_start3A_650 = tpu.memref_slice %arg6[%select_n3A, %add3A_645, %dma_start3A_649] : memref<8x8192x32xf32, #tpu.memory_space<hbm>> -> memref<1x128x32xf32, #tpu.memory_space<hbm>>
    %dma_start3A_651 = tpu.memref_squeeze %dma_start3A_650 : memref<1x128x32xf32, #tpu.memory_space<hbm>> -> memref<128x32xf32, #tpu.memory_space<hbm>>
    %dma_start3A_652 = arith.constant 0 : i32
    %dma_start3A_653 = tpu.memref_slice %arg6[%select_n3A, %add3A_645, %dma_start3A_652] : memref<8x8192x32xf32, #tpu.memory_space<hbm>> -> memref<1x128x32xf32, #tpu.memory_space<hbm>>
    %dma_start3A_654 = tpu.memref_squeeze %dma_start3A_653 : memref<1x128x32xf32, #tpu.memory_space<hbm>> -> memref<128x32xf32, #tpu.memory_space<hbm>>
    %dma_start3A_655 = arith.constant 384 : i32
    %dma_start3A_656 = arith.constant 0 : i32
    %dma_start3A_657 = tpu.memref_slice %arg13[%dma_start3A_655, %dma_start3A_656] : memref<2048x32xf32, #tpu.memory_space<vmem>> -> memref<128x32xf32, #tpu.memory_space<vmem>>
    tpu.enqueue_dma source(%dma_start3A_657 : memref<128x32xf32, #tpu.memory_space<vmem>>) target(%dma_start3A_654 : memref<128x32xf32, #tpu.memory_space<hbm>>) target_semaphore(%arg19 : memref<!tpu.dma_semaphore, #tpu.memory_space<semaphore_mem>>)
    %dma_wait3A_658 = arith.constant 512 : i32
    %dma_wait3A_659 = arith.constant 0 : i32
    %dma_wait3A_660 = tpu.memref_slice %arg13[%dma_wait3A_658, %dma_wait3A_659] : memref<2048x32xf32, #tpu.memory_space<vmem>> -> memref<128x32xf32, #tpu.memory_space<vmem>>
    %dma_wait3A_661 = arith.constant 512 : i32
    %dma_wait3A_662 = tpu.memref_slice %arg9[%dma_wait3A_661] : memref<2048xi32, #tpu.memory_space<vmem>> -> memref<128xi32, #tpu.memory_space<vmem>>
    %dma_wait3A_663 = arith.constant 0 : i32
    %dma_wait3A_664 = arith.constant 0 : i32
    %dma_wait3A_665 = tpu.memref_slice %arg10[%dma_wait3A_663, %dma_wait3A_664] : memref<1024x32xf32, #tpu.memory_space<vmem_shared>> -> memref<1024x32xf32, #tpu.memory_space<vmem_shared>>
    tpu.wait_indirect_dma semaphore(%arg17 : memref<!tpu.dma_semaphore, #tpu.memory_space<semaphore_mem>>) src(%dma_wait3A_665 : memref<1024x32xf32, #tpu.memory_space<vmem_shared>>) dst(%dma_wait3A_660 : memref<128x32xf32, #tpu.memory_space<vmem>>)
    %add3A_666 = arith.constant 512 : i32
    %add3A_667 = arith.addi %mul3A_32, %add3A_666 : i32
    %dma_start3A_668 = arith.constant 512 : i32
    %dma_start3A_669 = arith.constant 0 : i32
    %dma_start3A_670 = tpu.memref_slice %arg13[%dma_start3A_668, %dma_start3A_669] : memref<2048x32xf32, #tpu.memory_space<vmem>> -> memref<128x32xf32, #tpu.memory_space<vmem>>
    %dma_start3A_671 = arith.constant 0 : i32
    %dma_start3A_672 = tpu.memref_slice %arg6[%select_n3A, %add3A_667, %dma_start3A_671] : memref<8x8192x32xf32, #tpu.memory_space<hbm>> -> memref<1x128x32xf32, #tpu.memory_space<hbm>>
    %dma_start3A_673 = tpu.memref_squeeze %dma_start3A_672 : memref<1x128x32xf32, #tpu.memory_space<hbm>> -> memref<128x32xf32, #tpu.memory_space<hbm>>
    %dma_start3A_674 = arith.constant 0 : i32
    %dma_start3A_675 = tpu.memref_slice %arg6[%select_n3A, %add3A_667, %dma_start3A_674] : memref<8x8192x32xf32, #tpu.memory_space<hbm>> -> memref<1x128x32xf32, #tpu.memory_space<hbm>>
    %dma_start3A_676 = tpu.memref_squeeze %dma_start3A_675 : memref<1x128x32xf32, #tpu.memory_space<hbm>> -> memref<128x32xf32, #tpu.memory_space<hbm>>
    %dma_start3A_677 = arith.constant 512 : i32
    %dma_start3A_678 = arith.constant 0 : i32
    %dma_start3A_679 = tpu.memref_slice %arg13[%dma_start3A_677, %dma_start3A_678] : memref<2048x32xf32, #tpu.memory_space<vmem>> -> memref<128x32xf32, #tpu.memory_space<vmem>>
    tpu.enqueue_dma source(%dma_start3A_679 : memref<128x32xf32, #tpu.memory_space<vmem>>) target(%dma_start3A_676 : memref<128x32xf32, #tpu.memory_space<hbm>>) target_semaphore(%arg19 : memref<!tpu.dma_semaphore, #tpu.memory_space<semaphore_mem>>)
    %dma_wait3A_680 = arith.constant 640 : i32
    %dma_wait3A_681 = arith.constant 0 : i32
    %dma_wait3A_682 = tpu.memref_slice %arg13[%dma_wait3A_680, %dma_wait3A_681] : memref<2048x32xf32, #tpu.memory_space<vmem>> -> memref<128x32xf32, #tpu.memory_space<vmem>>
    %dma_wait3A_683 = arith.constant 640 : i32
    %dma_wait3A_684 = tpu.memref_slice %arg9[%dma_wait3A_683] : memref<2048xi32, #tpu.memory_space<vmem>> -> memref<128xi32, #tpu.memory_space<vmem>>
    %dma_wait3A_685 = arith.constant 0 : i32
    %dma_wait3A_686 = arith.constant 0 : i32
    %dma_wait3A_687 = tpu.memref_slice %arg10[%dma_wait3A_685, %dma_wait3A_686] : memref<1024x32xf32, #tpu.memory_space<vmem_shared>> -> memref<1024x32xf32, #tpu.memory_space<vmem_shared>>
    tpu.wait_indirect_dma semaphore(%arg17 : memref<!tpu.dma_semaphore, #tpu.memory_space<semaphore_mem>>) src(%dma_wait3A_687 : memref<1024x32xf32, #tpu.memory_space<vmem_shared>>) dst(%dma_wait3A_682 : memref<128x32xf32, #tpu.memory_space<vmem>>)
    %add3A_688 = arith.constant 640 : i32
    %add3A_689 = arith.addi %mul3A_32, %add3A_688 : i32
    %dma_start3A_690 = arith.constant 640 : i32
    %dma_start3A_691 = arith.constant 0 : i32
    %dma_start3A_692 = tpu.memref_slice %arg13[%dma_start3A_690, %dma_start3A_691] : memref<2048x32xf32, #tpu.memory_space<vmem>> -> memref<128x32xf32, #tpu.memory_space<vmem>>
    %dma_start3A_693 = arith.constant 0 : i32
    %dma_start3A_694 = tpu.memref_slice %arg6[%select_n3A, %add3A_689, %dma_start3A_693] : memref<8x8192x32xf32, #tpu.memory_space<hbm>> -> memref<1x128x32xf32, #tpu.memory_space<hbm>>
    %dma_start3A_695 = tpu.memref_squeeze %dma_start3A_694 : memref<1x128x32xf32, #tpu.memory_space<hbm>> -> memref<128x32xf32, #tpu.memory_space<hbm>>
    %dma_start3A_696 = arith.constant 0 : i32
    %dma_start3A_697 = tpu.memref_slice %arg6[%select_n3A, %add3A_689, %dma_start3A_696] : memref<8x8192x32xf32, #tpu.memory_space<hbm>> -> memref<1x128x32xf32, #tpu.memory_space<hbm>>
    %dma_start3A_698 = tpu.memref_squeeze %dma_start3A_697 : memref<1x128x32xf32, #tpu.memory_space<hbm>> -> memref<128x32xf32, #tpu.memory_space<hbm>>
    %dma_start3A_699 = arith.constant 640 : i32
    %dma_start3A_700 = arith.constant 0 : i32
    %dma_start3A_701 = tpu.memref_slice %arg13[%dma_start3A_699, %dma_start3A_700] : memref<2048x32xf32, #tpu.memory_space<vmem>> -> memref<128x32xf32, #tpu.memory_space<vmem>>
    tpu.enqueue_dma source(%dma_start3A_701 : memref<128x32xf32, #tpu.memory_space<vmem>>) target(%dma_start3A_698 : memref<128x32xf32, #tpu.memory_space<hbm>>) target_semaphore(%arg19 : memref<!tpu.dma_semaphore, #tpu.memory_space<semaphore_mem>>)
    %dma_wait3A_702 = arith.constant 768 : i32
    %dma_wait3A_703 = arith.constant 0 : i32
    %dma_wait3A_704 = tpu.memref_slice %arg13[%dma_wait3A_702, %dma_wait3A_703] : memref<2048x32xf32, #tpu.memory_space<vmem>> -> memref<128x32xf32, #tpu.memory_space<vmem>>
    %dma_wait3A_705 = arith.constant 768 : i32
    %dma_wait3A_706 = tpu.memref_slice %arg9[%dma_wait3A_705] : memref<2048xi32, #tpu.memory_space<vmem>> -> memref<128xi32, #tpu.memory_space<vmem>>
    %dma_wait3A_707 = arith.constant 0 : i32
    %dma_wait3A_708 = arith.constant 0 : i32
    %dma_wait3A_709 = tpu.memref_slice %arg10[%dma_wait3A_707, %dma_wait3A_708] : memref<1024x32xf32, #tpu.memory_space<vmem_shared>> -> memref<1024x32xf32, #tpu.memory_space<vmem_shared>>
    tpu.wait_indirect_dma semaphore(%arg17 : memref<!tpu.dma_semaphore, #tpu.memory_space<semaphore_mem>>) src(%dma_wait3A_709 : memref<1024x32xf32, #tpu.memory_space<vmem_shared>>) dst(%dma_wait3A_704 : memref<128x32xf32, #tpu.memory_space<vmem>>)
    %add3A_710 = arith.constant 768 : i32
    %add3A_711 = arith.addi %mul3A_32, %add3A_710 : i32
    %dma_start3A_712 = arith.constant 768 : i32
    %dma_start3A_713 = arith.constant 0 : i32
    %dma_start3A_714 = tpu.memref_slice %arg13[%dma_start3A_712, %dma_start3A_713] : memref<2048x32xf32, #tpu.memory_space<vmem>> -> memref<128x32xf32, #tpu.memory_space<vmem>>
    %dma_start3A_715 = arith.constant 0 : i32
    %dma_start3A_716 = tpu.memref_slice %arg6[%select_n3A, %add3A_711, %dma_start3A_715] : memref<8x8192x32xf32, #tpu.memory_space<hbm>> -> memref<1x128x32xf32, #tpu.memory_space<hbm>>
    %dma_start3A_717 = tpu.memref_squeeze %dma_start3A_716 : memref<1x128x32xf32, #tpu.memory_space<hbm>> -> memref<128x32xf32, #tpu.memory_space<hbm>>
    %dma_start3A_718 = arith.constant 0 : i32
    %dma_start3A_719 = tpu.memref_slice %arg6[%select_n3A, %add3A_711, %dma_start3A_718] : memref<8x8192x32xf32, #tpu.memory_space<hbm>> -> memref<1x128x32xf32, #tpu.memory_space<hbm>>
    %dma_start3A_720 = tpu.memref_squeeze %dma_start3A_719 : memref<1x128x32xf32, #tpu.memory_space<hbm>> -> memref<128x32xf32, #tpu.memory_space<hbm>>
    %dma_start3A_721 = arith.constant 768 : i32
    %dma_start3A_722 = arith.constant 0 : i32
    %dma_start3A_723 = tpu.memref_slice %arg13[%dma_start3A_721, %dma_start3A_722] : memref<2048x32xf32, #tpu.memory_space<vmem>> -> memref<128x32xf32, #tpu.memory_space<vmem>>
    tpu.enqueue_dma source(%dma_start3A_723 : memref<128x32xf32, #tpu.memory_space<vmem>>) target(%dma_start3A_720 : memref<128x32xf32, #tpu.memory_space<hbm>>) target_semaphore(%arg19 : memref<!tpu.dma_semaphore, #tpu.memory_space<semaphore_mem>>)
    %dma_wait3A_724 = arith.constant 896 : i32
    %dma_wait3A_725 = arith.constant 0 : i32
    %dma_wait3A_726 = tpu.memref_slice %arg13[%dma_wait3A_724, %dma_wait3A_725] : memref<2048x32xf32, #tpu.memory_space<vmem>> -> memref<128x32xf32, #tpu.memory_space<vmem>>
    %dma_wait3A_727 = arith.constant 896 : i32
    %dma_wait3A_728 = tpu.memref_slice %arg9[%dma_wait3A_727] : memref<2048xi32, #tpu.memory_space<vmem>> -> memref<128xi32, #tpu.memory_space<vmem>>
    %dma_wait3A_729 = arith.constant 0 : i32
    %dma_wait3A_730 = arith.constant 0 : i32
    %dma_wait3A_731 = tpu.memref_slice %arg10[%dma_wait3A_729, %dma_wait3A_730] : memref<1024x32xf32, #tpu.memory_space<vmem_shared>> -> memref<1024x32xf32, #tpu.memory_space<vmem_shared>>
    tpu.wait_indirect_dma semaphore(%arg17 : memref<!tpu.dma_semaphore, #tpu.memory_space<semaphore_mem>>) src(%dma_wait3A_731 : memref<1024x32xf32, #tpu.memory_space<vmem_shared>>) dst(%dma_wait3A_726 : memref<128x32xf32, #tpu.memory_space<vmem>>)
    %add3A_732 = arith.constant 896 : i32
    %add3A_733 = arith.addi %mul3A_32, %add3A_732 : i32
    %dma_start3A_734 = arith.constant 896 : i32
    %dma_start3A_735 = arith.constant 0 : i32
    %dma_start3A_736 = tpu.memref_slice %arg13[%dma_start3A_734, %dma_start3A_735] : memref<2048x32xf32, #tpu.memory_space<vmem>> -> memref<128x32xf32, #tpu.memory_space<vmem>>
    %dma_start3A_737 = arith.constant 0 : i32
    %dma_start3A_738 = tpu.memref_slice %arg6[%select_n3A, %add3A_733, %dma_start3A_737] : memref<8x8192x32xf32, #tpu.memory_space<hbm>> -> memref<1x128x32xf32, #tpu.memory_space<hbm>>
    %dma_start3A_739 = tpu.memref_squeeze %dma_start3A_738 : memref<1x128x32xf32, #tpu.memory_space<hbm>> -> memref<128x32xf32, #tpu.memory_space<hbm>>
    %dma_start3A_740 = arith.constant 0 : i32
    %dma_start3A_741 = tpu.memref_slice %arg6[%select_n3A, %add3A_733, %dma_start3A_740] : memref<8x8192x32xf32, #tpu.memory_space<hbm>> -> memref<1x128x32xf32, #tpu.memory_space<hbm>>
    %dma_start3A_742 = tpu.memref_squeeze %dma_start3A_741 : memref<1x128x32xf32, #tpu.memory_space<hbm>> -> memref<128x32xf32, #tpu.memory_space<hbm>>
    %dma_start3A_743 = arith.constant 896 : i32
    %dma_start3A_744 = arith.constant 0 : i32
    %dma_start3A_745 = tpu.memref_slice %arg13[%dma_start3A_743, %dma_start3A_744] : memref<2048x32xf32, #tpu.memory_space<vmem>> -> memref<128x32xf32, #tpu.memory_space<vmem>>
    tpu.enqueue_dma source(%dma_start3A_745 : memref<128x32xf32, #tpu.memory_space<vmem>>) target(%dma_start3A_742 : memref<128x32xf32, #tpu.memory_space<hbm>>) target_semaphore(%arg19 : memref<!tpu.dma_semaphore, #tpu.memory_space<semaphore_mem>>)
    %dma_wait3A_746 = arith.constant 1024 : i32
    %dma_wait3A_747 = arith.constant 0 : i32
    %dma_wait3A_748 = tpu.memref_slice %arg13[%dma_wait3A_746, %dma_wait3A_747] : memref<2048x32xf32, #tpu.memory_space<vmem>> -> memref<128x32xf32, #tpu.memory_space<vmem>>
    %dma_wait3A_749 = arith.constant 1024 : i32
    %dma_wait3A_750 = tpu.memref_slice %arg9[%dma_wait3A_749] : memref<2048xi32, #tpu.memory_space<vmem>> -> memref<128xi32, #tpu.memory_space<vmem>>
    %dma_wait3A_751 = arith.constant 0 : i32
    %dma_wait3A_752 = arith.constant 0 : i32
    %dma_wait3A_753 = tpu.memref_slice %arg10[%dma_wait3A_751, %dma_wait3A_752] : memref<1024x32xf32, #tpu.memory_space<vmem_shared>> -> memref<1024x32xf32, #tpu.memory_space<vmem_shared>>
    tpu.wait_indirect_dma semaphore(%arg17 : memref<!tpu.dma_semaphore, #tpu.memory_space<semaphore_mem>>) src(%dma_wait3A_753 : memref<1024x32xf32, #tpu.memory_space<vmem_shared>>) dst(%dma_wait3A_748 : memref<128x32xf32, #tpu.memory_space<vmem>>)
    %add3A_754 = arith.constant 1024 : i32
    %add3A_755 = arith.addi %mul3A_32, %add3A_754 : i32
    %dma_start3A_756 = arith.constant 1024 : i32
    %dma_start3A_757 = arith.constant 0 : i32
    %dma_start3A_758 = tpu.memref_slice %arg13[%dma_start3A_756, %dma_start3A_757] : memref<2048x32xf32, #tpu.memory_space<vmem>> -> memref<128x32xf32, #tpu.memory_space<vmem>>
    %dma_start3A_759 = arith.constant 0 : i32
    %dma_start3A_760 = tpu.memref_slice %arg6[%select_n3A, %add3A_755, %dma_start3A_759] : memref<8x8192x32xf32, #tpu.memory_space<hbm>> -> memref<1x128x32xf32, #tpu.memory_space<hbm>>
    %dma_start3A_761 = tpu.memref_squeeze %dma_start3A_760 : memref<1x128x32xf32, #tpu.memory_space<hbm>> -> memref<128x32xf32, #tpu.memory_space<hbm>>
    %dma_start3A_762 = arith.constant 0 : i32
    %dma_start3A_763 = tpu.memref_slice %arg6[%select_n3A, %add3A_755, %dma_start3A_762] : memref<8x8192x32xf32, #tpu.memory_space<hbm>> -> memref<1x128x32xf32, #tpu.memory_space<hbm>>
    %dma_start3A_764 = tpu.memref_squeeze %dma_start3A_763 : memref<1x128x32xf32, #tpu.memory_space<hbm>> -> memref<128x32xf32, #tpu.memory_space<hbm>>
    %dma_start3A_765 = arith.constant 1024 : i32
    %dma_start3A_766 = arith.constant 0 : i32
    %dma_start3A_767 = tpu.memref_slice %arg13[%dma_start3A_765, %dma_start3A_766] : memref<2048x32xf32, #tpu.memory_space<vmem>> -> memref<128x32xf32, #tpu.memory_space<vmem>>
    tpu.enqueue_dma source(%dma_start3A_767 : memref<128x32xf32, #tpu.memory_space<vmem>>) target(%dma_start3A_764 : memref<128x32xf32, #tpu.memory_space<hbm>>) target_semaphore(%arg19 : memref<!tpu.dma_semaphore, #tpu.memory_space<semaphore_mem>>)
    %dma_wait3A_768 = arith.constant 1152 : i32
    %dma_wait3A_769 = arith.constant 0 : i32
    %dma_wait3A_770 = tpu.memref_slice %arg13[%dma_wait3A_768, %dma_wait3A_769] : memref<2048x32xf32, #tpu.memory_space<vmem>> -> memref<128x32xf32, #tpu.memory_space<vmem>>
    %dma_wait3A_771 = arith.constant 1152 : i32
    %dma_wait3A_772 = tpu.memref_slice %arg9[%dma_wait3A_771] : memref<2048xi32, #tpu.memory_space<vmem>> -> memref<128xi32, #tpu.memory_space<vmem>>
    %dma_wait3A_773 = arith.constant 0 : i32
    %dma_wait3A_774 = arith.constant 0 : i32
    %dma_wait3A_775 = tpu.memref_slice %arg10[%dma_wait3A_773, %dma_wait3A_774] : memref<1024x32xf32, #tpu.memory_space<vmem_shared>> -> memref<1024x32xf32, #tpu.memory_space<vmem_shared>>
    tpu.wait_indirect_dma semaphore(%arg17 : memref<!tpu.dma_semaphore, #tpu.memory_space<semaphore_mem>>) src(%dma_wait3A_775 : memref<1024x32xf32, #tpu.memory_space<vmem_shared>>) dst(%dma_wait3A_770 : memref<128x32xf32, #tpu.memory_space<vmem>>)
    %add3A_776 = arith.constant 1152 : i32
    %add3A_777 = arith.addi %mul3A_32, %add3A_776 : i32
    %dma_start3A_778 = arith.constant 1152 : i32
    %dma_start3A_779 = arith.constant 0 : i32
    %dma_start3A_780 = tpu.memref_slice %arg13[%dma_start3A_778, %dma_start3A_779] : memref<2048x32xf32, #tpu.memory_space<vmem>> -> memref<128x32xf32, #tpu.memory_space<vmem>>
    %dma_start3A_781 = arith.constant 0 : i32
    %dma_start3A_782 = tpu.memref_slice %arg6[%select_n3A, %add3A_777, %dma_start3A_781] : memref<8x8192x32xf32, #tpu.memory_space<hbm>> -> memref<1x128x32xf32, #tpu.memory_space<hbm>>
    %dma_start3A_783 = tpu.memref_squeeze %dma_start3A_782 : memref<1x128x32xf32, #tpu.memory_space<hbm>> -> memref<128x32xf32, #tpu.memory_space<hbm>>
    %dma_start3A_784 = arith.constant 0 : i32
    %dma_start3A_785 = tpu.memref_slice %arg6[%select_n3A, %add3A_777, %dma_start3A_784] : memref<8x8192x32xf32, #tpu.memory_space<hbm>> -> memref<1x128x32xf32, #tpu.memory_space<hbm>>
    %dma_start3A_786 = tpu.memref_squeeze %dma_start3A_785 : memref<1x128x32xf32, #tpu.memory_space<hbm>> -> memref<128x32xf32, #tpu.memory_space<hbm>>
    %dma_start3A_787 = arith.constant 1152 : i32
    %dma_start3A_788 = arith.constant 0 : i32
    %dma_start3A_789 = tpu.memref_slice %arg13[%dma_start3A_787, %dma_start3A_788] : memref<2048x32xf32, #tpu.memory_space<vmem>> -> memref<128x32xf32, #tpu.memory_space<vmem>>
    tpu.enqueue_dma source(%dma_start3A_789 : memref<128x32xf32, #tpu.memory_space<vmem>>) target(%dma_start3A_786 : memref<128x32xf32, #tpu.memory_space<hbm>>) target_semaphore(%arg19 : memref<!tpu.dma_semaphore, #tpu.memory_space<semaphore_mem>>)
    %dma_wait3A_790 = arith.constant 1280 : i32
    %dma_wait3A_791 = arith.constant 0 : i32
    %dma_wait3A_792 = tpu.memref_slice %arg13[%dma_wait3A_790, %dma_wait3A_791] : memref<2048x32xf32, #tpu.memory_space<vmem>> -> memref<128x32xf32, #tpu.memory_space<vmem>>
    %dma_wait3A_793 = arith.constant 1280 : i32
    %dma_wait3A_794 = tpu.memref_slice %arg9[%dma_wait3A_793] : memref<2048xi32, #tpu.memory_space<vmem>> -> memref<128xi32, #tpu.memory_space<vmem>>
    %dma_wait3A_795 = arith.constant 0 : i32
    %dma_wait3A_796 = arith.constant 0 : i32
    %dma_wait3A_797 = tpu.memref_slice %arg10[%dma_wait3A_795, %dma_wait3A_796] : memref<1024x32xf32, #tpu.memory_space<vmem_shared>> -> memref<1024x32xf32, #tpu.memory_space<vmem_shared>>
    tpu.wait_indirect_dma semaphore(%arg17 : memref<!tpu.dma_semaphore, #tpu.memory_space<semaphore_mem>>) src(%dma_wait3A_797 : memref<1024x32xf32, #tpu.memory_space<vmem_shared>>) dst(%dma_wait3A_792 : memref<128x32xf32, #tpu.memory_space<vmem>>)
    %add3A_798 = arith.constant 1280 : i32
    %add3A_799 = arith.addi %mul3A_32, %add3A_798 : i32
    %dma_start3A_800 = arith.constant 1280 : i32
    %dma_start3A_801 = arith.constant 0 : i32
    %dma_start3A_802 = tpu.memref_slice %arg13[%dma_start3A_800, %dma_start3A_801] : memref<2048x32xf32, #tpu.memory_space<vmem>> -> memref<128x32xf32, #tpu.memory_space<vmem>>
    %dma_start3A_803 = arith.constant 0 : i32
    %dma_start3A_804 = tpu.memref_slice %arg6[%select_n3A, %add3A_799, %dma_start3A_803] : memref<8x8192x32xf32, #tpu.memory_space<hbm>> -> memref<1x128x32xf32, #tpu.memory_space<hbm>>
    %dma_start3A_805 = tpu.memref_squeeze %dma_start3A_804 : memref<1x128x32xf32, #tpu.memory_space<hbm>> -> memref<128x32xf32, #tpu.memory_space<hbm>>
    %dma_start3A_806 = arith.constant 0 : i32
    %dma_start3A_807 = tpu.memref_slice %arg6[%select_n3A, %add3A_799, %dma_start3A_806] : memref<8x8192x32xf32, #tpu.memory_space<hbm>> -> memref<1x128x32xf32, #tpu.memory_space<hbm>>
    %dma_start3A_808 = tpu.memref_squeeze %dma_start3A_807 : memref<1x128x32xf32, #tpu.memory_space<hbm>> -> memref<128x32xf32, #tpu.memory_space<hbm>>
    %dma_start3A_809 = arith.constant 1280 : i32
    %dma_start3A_810 = arith.constant 0 : i32
    %dma_start3A_811 = tpu.memref_slice %arg13[%dma_start3A_809, %dma_start3A_810] : memref<2048x32xf32, #tpu.memory_space<vmem>> -> memref<128x32xf32, #tpu.memory_space<vmem>>
    tpu.enqueue_dma source(%dma_start3A_811 : memref<128x32xf32, #tpu.memory_space<vmem>>) target(%dma_start3A_808 : memref<128x32xf32, #tpu.memory_space<hbm>>) target_semaphore(%arg19 : memref<!tpu.dma_semaphore, #tpu.memory_space<semaphore_mem>>)
    %dma_wait3A_812 = arith.constant 1408 : i32
    %dma_wait3A_813 = arith.constant 0 : i32
    %dma_wait3A_814 = tpu.memref_slice %arg13[%dma_wait3A_812, %dma_wait3A_813] : memref<2048x32xf32, #tpu.memory_space<vmem>> -> memref<128x32xf32, #tpu.memory_space<vmem>>
    %dma_wait3A_815 = arith.constant 1408 : i32
    %dma_wait3A_816 = tpu.memref_slice %arg9[%dma_wait3A_815] : memref<2048xi32, #tpu.memory_space<vmem>> -> memref<128xi32, #tpu.memory_space<vmem>>
    %dma_wait3A_817 = arith.constant 0 : i32
    %dma_wait3A_818 = arith.constant 0 : i32
    %dma_wait3A_819 = tpu.memref_slice %arg10[%dma_wait3A_817, %dma_wait3A_818] : memref<1024x32xf32, #tpu.memory_space<vmem_shared>> -> memref<1024x32xf32, #tpu.memory_space<vmem_shared>>
    tpu.wait_indirect_dma semaphore(%arg17 : memref<!tpu.dma_semaphore, #tpu.memory_space<semaphore_mem>>) src(%dma_wait3A_819 : memref<1024x32xf32, #tpu.memory_space<vmem_shared>>) dst(%dma_wait3A_814 : memref<128x32xf32, #tpu.memory_space<vmem>>)
    %add3A_820 = arith.constant 1408 : i32
    %add3A_821 = arith.addi %mul3A_32, %add3A_820 : i32
    %dma_start3A_822 = arith.constant 1408 : i32
    %dma_start3A_823 = arith.constant 0 : i32
    %dma_start3A_824 = tpu.memref_slice %arg13[%dma_start3A_822, %dma_start3A_823] : memref<2048x32xf32, #tpu.memory_space<vmem>> -> memref<128x32xf32, #tpu.memory_space<vmem>>
    %dma_start3A_825 = arith.constant 0 : i32
    %dma_start3A_826 = tpu.memref_slice %arg6[%select_n3A, %add3A_821, %dma_start3A_825] : memref<8x8192x32xf32, #tpu.memory_space<hbm>> -> memref<1x128x32xf32, #tpu.memory_space<hbm>>
    %dma_start3A_827 = tpu.memref_squeeze %dma_start3A_826 : memref<1x128x32xf32, #tpu.memory_space<hbm>> -> memref<128x32xf32, #tpu.memory_space<hbm>>
    %dma_start3A_828 = arith.constant 0 : i32
    %dma_start3A_829 = tpu.memref_slice %arg6[%select_n3A, %add3A_821, %dma_start3A_828] : memref<8x8192x32xf32, #tpu.memory_space<hbm>> -> memref<1x128x32xf32, #tpu.memory_space<hbm>>
    %dma_start3A_830 = tpu.memref_squeeze %dma_start3A_829 : memref<1x128x32xf32, #tpu.memory_space<hbm>> -> memref<128x32xf32, #tpu.memory_space<hbm>>
    %dma_start3A_831 = arith.constant 1408 : i32
    %dma_start3A_832 = arith.constant 0 : i32
    %dma_start3A_833 = tpu.memref_slice %arg13[%dma_start3A_831, %dma_start3A_832] : memref<2048x32xf32, #tpu.memory_space<vmem>> -> memref<128x32xf32, #tpu.memory_space<vmem>>
    tpu.enqueue_dma source(%dma_start3A_833 : memref<128x32xf32, #tpu.memory_space<vmem>>) target(%dma_start3A_830 : memref<128x32xf32, #tpu.memory_space<hbm>>) target_semaphore(%arg19 : memref<!tpu.dma_semaphore, #tpu.memory_space<semaphore_mem>>)
    %dma_wait3A_834 = arith.constant 1536 : i32
    %dma_wait3A_835 = arith.constant 0 : i32
    %dma_wait3A_836 = tpu.memref_slice %arg13[%dma_wait3A_834, %dma_wait3A_835] : memref<2048x32xf32, #tpu.memory_space<vmem>> -> memref<128x32xf32, #tpu.memory_space<vmem>>
    %dma_wait3A_837 = arith.constant 1536 : i32
    %dma_wait3A_838 = tpu.memref_slice %arg9[%dma_wait3A_837] : memref<2048xi32, #tpu.memory_space<vmem>> -> memref<128xi32, #tpu.memory_space<vmem>>
    %dma_wait3A_839 = arith.constant 0 : i32
    %dma_wait3A_840 = arith.constant 0 : i32
    %dma_wait3A_841 = tpu.memref_slice %arg10[%dma_wait3A_839, %dma_wait3A_840] : memref<1024x32xf32, #tpu.memory_space<vmem_shared>> -> memref<1024x32xf32, #tpu.memory_space<vmem_shared>>
    tpu.wait_indirect_dma semaphore(%arg17 : memref<!tpu.dma_semaphore, #tpu.memory_space<semaphore_mem>>) src(%dma_wait3A_841 : memref<1024x32xf32, #tpu.memory_space<vmem_shared>>) dst(%dma_wait3A_836 : memref<128x32xf32, #tpu.memory_space<vmem>>)
    %add3A_842 = arith.constant 1536 : i32
    %add3A_843 = arith.addi %mul3A_32, %add3A_842 : i32
    %dma_start3A_844 = arith.constant 1536 : i32
    %dma_start3A_845 = arith.constant 0 : i32
    %dma_start3A_846 = tpu.memref_slice %arg13[%dma_start3A_844, %dma_start3A_845] : memref<2048x32xf32, #tpu.memory_space<vmem>> -> memref<128x32xf32, #tpu.memory_space<vmem>>
    %dma_start3A_847 = arith.constant 0 : i32
    %dma_start3A_848 = tpu.memref_slice %arg6[%select_n3A, %add3A_843, %dma_start3A_847] : memref<8x8192x32xf32, #tpu.memory_space<hbm>> -> memref<1x128x32xf32, #tpu.memory_space<hbm>>
    %dma_start3A_849 = tpu.memref_squeeze %dma_start3A_848 : memref<1x128x32xf32, #tpu.memory_space<hbm>> -> memref<128x32xf32, #tpu.memory_space<hbm>>
    %dma_start3A_850 = arith.constant 0 : i32
    %dma_start3A_851 = tpu.memref_slice %arg6[%select_n3A, %add3A_843, %dma_start3A_850] : memref<8x8192x32xf32, #tpu.memory_space<hbm>> -> memref<1x128x32xf32, #tpu.memory_space<hbm>>
    %dma_start3A_852 = tpu.memref_squeeze %dma_start3A_851 : memref<1x128x32xf32, #tpu.memory_space<hbm>> -> memref<128x32xf32, #tpu.memory_space<hbm>>
    %dma_start3A_853 = arith.constant 1536 : i32
    %dma_start3A_854 = arith.constant 0 : i32
    %dma_start3A_855 = tpu.memref_slice %arg13[%dma_start3A_853, %dma_start3A_854] : memref<2048x32xf32, #tpu.memory_space<vmem>> -> memref<128x32xf32, #tpu.memory_space<vmem>>
    tpu.enqueue_dma source(%dma_start3A_855 : memref<128x32xf32, #tpu.memory_space<vmem>>) target(%dma_start3A_852 : memref<128x32xf32, #tpu.memory_space<hbm>>) target_semaphore(%arg19 : memref<!tpu.dma_semaphore, #tpu.memory_space<semaphore_mem>>)
    %dma_wait3A_856 = arith.constant 1664 : i32
    %dma_wait3A_857 = arith.constant 0 : i32
    %dma_wait3A_858 = tpu.memref_slice %arg13[%dma_wait3A_856, %dma_wait3A_857] : memref<2048x32xf32, #tpu.memory_space<vmem>> -> memref<128x32xf32, #tpu.memory_space<vmem>>
    %dma_wait3A_859 = arith.constant 1664 : i32
    %dma_wait3A_860 = tpu.memref_slice %arg9[%dma_wait3A_859] : memref<2048xi32, #tpu.memory_space<vmem>> -> memref<128xi32, #tpu.memory_space<vmem>>
    %dma_wait3A_861 = arith.constant 0 : i32
    %dma_wait3A_862 = arith.constant 0 : i32
    %dma_wait3A_863 = tpu.memref_slice %arg10[%dma_wait3A_861, %dma_wait3A_862] : memref<1024x32xf32, #tpu.memory_space<vmem_shared>> -> memref<1024x32xf32, #tpu.memory_space<vmem_shared>>
    tpu.wait_indirect_dma semaphore(%arg17 : memref<!tpu.dma_semaphore, #tpu.memory_space<semaphore_mem>>) src(%dma_wait3A_863 : memref<1024x32xf32, #tpu.memory_space<vmem_shared>>) dst(%dma_wait3A_858 : memref<128x32xf32, #tpu.memory_space<vmem>>)
    %add3A_864 = arith.constant 1664 : i32
    %add3A_865 = arith.addi %mul3A_32, %add3A_864 : i32
    %dma_start3A_866 = arith.constant 1664 : i32
    %dma_start3A_867 = arith.constant 0 : i32
    %dma_start3A_868 = tpu.memref_slice %arg13[%dma_start3A_866, %dma_start3A_867] : memref<2048x32xf32, #tpu.memory_space<vmem>> -> memref<128x32xf32, #tpu.memory_space<vmem>>
    %dma_start3A_869 = arith.constant 0 : i32
    %dma_start3A_870 = tpu.memref_slice %arg6[%select_n3A, %add3A_865, %dma_start3A_869] : memref<8x8192x32xf32, #tpu.memory_space<hbm>> -> memref<1x128x32xf32, #tpu.memory_space<hbm>>
    %dma_start3A_871 = tpu.memref_squeeze %dma_start3A_870 : memref<1x128x32xf32, #tpu.memory_space<hbm>> -> memref<128x32xf32, #tpu.memory_space<hbm>>
    %dma_start3A_872 = arith.constant 0 : i32
    %dma_start3A_873 = tpu.memref_slice %arg6[%select_n3A, %add3A_865, %dma_start3A_872] : memref<8x8192x32xf32, #tpu.memory_space<hbm>> -> memref<1x128x32xf32, #tpu.memory_space<hbm>>
    %dma_start3A_874 = tpu.memref_squeeze %dma_start3A_873 : memref<1x128x32xf32, #tpu.memory_space<hbm>> -> memref<128x32xf32, #tpu.memory_space<hbm>>
    %dma_start3A_875 = arith.constant 1664 : i32
    %dma_start3A_876 = arith.constant 0 : i32
    %dma_start3A_877 = tpu.memref_slice %arg13[%dma_start3A_875, %dma_start3A_876] : memref<2048x32xf32, #tpu.memory_space<vmem>> -> memref<128x32xf32, #tpu.memory_space<vmem>>
    tpu.enqueue_dma source(%dma_start3A_877 : memref<128x32xf32, #tpu.memory_space<vmem>>) target(%dma_start3A_874 : memref<128x32xf32, #tpu.memory_space<hbm>>) target_semaphore(%arg19 : memref<!tpu.dma_semaphore, #tpu.memory_space<semaphore_mem>>)
    %dma_wait3A_878 = arith.constant 1792 : i32
    %dma_wait3A_879 = arith.constant 0 : i32
    %dma_wait3A_880 = tpu.memref_slice %arg13[%dma_wait3A_878, %dma_wait3A_879] : memref<2048x32xf32, #tpu.memory_space<vmem>> -> memref<128x32xf32, #tpu.memory_space<vmem>>
    %dma_wait3A_881 = arith.constant 1792 : i32
    %dma_wait3A_882 = tpu.memref_slice %arg9[%dma_wait3A_881] : memref<2048xi32, #tpu.memory_space<vmem>> -> memref<128xi32, #tpu.memory_space<vmem>>
    %dma_wait3A_883 = arith.constant 0 : i32
    %dma_wait3A_884 = arith.constant 0 : i32
    %dma_wait3A_885 = tpu.memref_slice %arg10[%dma_wait3A_883, %dma_wait3A_884] : memref<1024x32xf32, #tpu.memory_space<vmem_shared>> -> memref<1024x32xf32, #tpu.memory_space<vmem_shared>>
    tpu.wait_indirect_dma semaphore(%arg17 : memref<!tpu.dma_semaphore, #tpu.memory_space<semaphore_mem>>) src(%dma_wait3A_885 : memref<1024x32xf32, #tpu.memory_space<vmem_shared>>) dst(%dma_wait3A_880 : memref<128x32xf32, #tpu.memory_space<vmem>>)
    %add3A_886 = arith.constant 1792 : i32
    %add3A_887 = arith.addi %mul3A_32, %add3A_886 : i32
    %dma_start3A_888 = arith.constant 1792 : i32
    %dma_start3A_889 = arith.constant 0 : i32
    %dma_start3A_890 = tpu.memref_slice %arg13[%dma_start3A_888, %dma_start3A_889] : memref<2048x32xf32, #tpu.memory_space<vmem>> -> memref<128x32xf32, #tpu.memory_space<vmem>>
    %dma_start3A_891 = arith.constant 0 : i32
    %dma_start3A_892 = tpu.memref_slice %arg6[%select_n3A, %add3A_887, %dma_start3A_891] : memref<8x8192x32xf32, #tpu.memory_space<hbm>> -> memref<1x128x32xf32, #tpu.memory_space<hbm>>
    %dma_start3A_893 = tpu.memref_squeeze %dma_start3A_892 : memref<1x128x32xf32, #tpu.memory_space<hbm>> -> memref<128x32xf32, #tpu.memory_space<hbm>>
    %dma_start3A_894 = arith.constant 0 : i32
    %dma_start3A_895 = tpu.memref_slice %arg6[%select_n3A, %add3A_887, %dma_start3A_894] : memref<8x8192x32xf32, #tpu.memory_space<hbm>> -> memref<1x128x32xf32, #tpu.memory_space<hbm>>
    %dma_start3A_896 = tpu.memref_squeeze %dma_start3A_895 : memref<1x128x32xf32, #tpu.memory_space<hbm>> -> memref<128x32xf32, #tpu.memory_space<hbm>>
    %dma_start3A_897 = arith.constant 1792 : i32
    %dma_start3A_898 = arith.constant 0 : i32
    %dma_start3A_899 = tpu.memref_slice %arg13[%dma_start3A_897, %dma_start3A_898] : memref<2048x32xf32, #tpu.memory_space<vmem>> -> memref<128x32xf32, #tpu.memory_space<vmem>>
    tpu.enqueue_dma source(%dma_start3A_899 : memref<128x32xf32, #tpu.memory_space<vmem>>) target(%dma_start3A_896 : memref<128x32xf32, #tpu.memory_space<hbm>>) target_semaphore(%arg19 : memref<!tpu.dma_semaphore, #tpu.memory_space<semaphore_mem>>)
    %dma_wait3A_900 = arith.constant 1920 : i32
    %dma_wait3A_901 = arith.constant 0 : i32
    %dma_wait3A_902 = tpu.memref_slice %arg13[%dma_wait3A_900, %dma_wait3A_901] : memref<2048x32xf32, #tpu.memory_space<vmem>> -> memref<128x32xf32, #tpu.memory_space<vmem>>
    %dma_wait3A_903 = arith.constant 1920 : i32
    %dma_wait3A_904 = tpu.memref_slice %arg9[%dma_wait3A_903] : memref<2048xi32, #tpu.memory_space<vmem>> -> memref<128xi32, #tpu.memory_space<vmem>>
    %dma_wait3A_905 = arith.constant 0 : i32
    %dma_wait3A_906 = arith.constant 0 : i32
    %dma_wait3A_907 = tpu.memref_slice %arg10[%dma_wait3A_905, %dma_wait3A_906] : memref<1024x32xf32, #tpu.memory_space<vmem_shared>> -> memref<1024x32xf32, #tpu.memory_space<vmem_shared>>
    tpu.wait_indirect_dma semaphore(%arg17 : memref<!tpu.dma_semaphore, #tpu.memory_space<semaphore_mem>>) src(%dma_wait3A_907 : memref<1024x32xf32, #tpu.memory_space<vmem_shared>>) dst(%dma_wait3A_902 : memref<128x32xf32, #tpu.memory_space<vmem>>)
    %add3A_908 = arith.constant 1920 : i32
    %add3A_909 = arith.addi %mul3A_32, %add3A_908 : i32
    %dma_start3A_910 = arith.constant 1920 : i32
    %dma_start3A_911 = arith.constant 0 : i32
    %dma_start3A_912 = tpu.memref_slice %arg13[%dma_start3A_910, %dma_start3A_911] : memref<2048x32xf32, #tpu.memory_space<vmem>> -> memref<128x32xf32, #tpu.memory_space<vmem>>
    %dma_start3A_913 = arith.constant 0 : i32
    %dma_start3A_914 = tpu.memref_slice %arg6[%select_n3A, %add3A_909, %dma_start3A_913] : memref<8x8192x32xf32, #tpu.memory_space<hbm>> -> memref<1x128x32xf32, #tpu.memory_space<hbm>>
    %dma_start3A_915 = tpu.memref_squeeze %dma_start3A_914 : memref<1x128x32xf32, #tpu.memory_space<hbm>> -> memref<128x32xf32, #tpu.memory_space<hbm>>
    %dma_start3A_916 = arith.constant 0 : i32
    %dma_start3A_917 = tpu.memref_slice %arg6[%select_n3A, %add3A_909, %dma_start3A_916] : memref<8x8192x32xf32, #tpu.memory_space<hbm>> -> memref<1x128x32xf32, #tpu.memory_space<hbm>>
    %dma_start3A_918 = tpu.memref_squeeze %dma_start3A_917 : memref<1x128x32xf32, #tpu.memory_space<hbm>> -> memref<128x32xf32, #tpu.memory_space<hbm>>
    %dma_start3A_919 = arith.constant 1920 : i32
    %dma_start3A_920 = arith.constant 0 : i32
    %dma_start3A_921 = tpu.memref_slice %arg13[%dma_start3A_919, %dma_start3A_920] : memref<2048x32xf32, #tpu.memory_space<vmem>> -> memref<128x32xf32, #tpu.memory_space<vmem>>
    tpu.enqueue_dma source(%dma_start3A_921 : memref<128x32xf32, #tpu.memory_space<vmem>>) target(%dma_start3A_918 : memref<128x32xf32, #tpu.memory_space<hbm>>) target_semaphore(%arg19 : memref<!tpu.dma_semaphore, #tpu.memory_space<semaphore_mem>>)
    %dma_wait3A_922 = tpu.memref_slice %arg7[%mul3A_553] : memref<65536xi32, #tpu.memory_space<hbm>> -> memref<2048xi32, #tpu.memory_space<hbm>>
    %dma_wait3A_923 = tpu.memref_slice %arg7[%mul3A_553] : memref<65536xi32, #tpu.memory_space<hbm>> -> memref<2048xi32, #tpu.memory_space<hbm>>
    tpu.wait_dma2 semaphore(%arg18 : memref<!tpu.dma_semaphore, #tpu.memory_space<semaphore_mem>>) src(%arg14 : memref<2048xi32, #tpu.memory_space<vmem>>) dst(%dma_wait3A_923 : memref<2048xi32, #tpu.memory_space<hbm>>)
    %dma_wait3A_924 = arith.constant 0 : i32
    %dma_wait3A_925 = arith.constant 0 : i32
    %dma_wait3A_926 = tpu.memref_slice %arg13[%dma_wait3A_924, %dma_wait3A_925] : memref<2048x32xf32, #tpu.memory_space<vmem>> -> memref<128x32xf32, #tpu.memory_space<vmem>>
    %dma_wait3A_927 = arith.constant 0 : i32
    %dma_wait3A_928 = tpu.memref_slice %arg6[%select_n3A, %add3A_579, %dma_wait3A_927] : memref<8x8192x32xf32, #tpu.memory_space<hbm>> -> memref<1x128x32xf32, #tpu.memory_space<hbm>>
    %dma_wait3A_929 = tpu.memref_squeeze %dma_wait3A_928 : memref<1x128x32xf32, #tpu.memory_space<hbm>> -> memref<128x32xf32, #tpu.memory_space<hbm>>
    %dma_wait3A_930 = arith.constant 0 : i32
    %dma_wait3A_931 = tpu.memref_slice %arg6[%select_n3A, %add3A_579, %dma_wait3A_930] : memref<8x8192x32xf32, #tpu.memory_space<hbm>> -> memref<1x128x32xf32, #tpu.memory_space<hbm>>
    %dma_wait3A_932 = tpu.memref_squeeze %dma_wait3A_931 : memref<1x128x32xf32, #tpu.memory_space<hbm>> -> memref<128x32xf32, #tpu.memory_space<hbm>>
    %dma_wait3A_933 = arith.constant 0 : i32
    %dma_wait3A_934 = arith.constant 0 : i32
    %dma_wait3A_935 = tpu.memref_slice %arg13[%dma_wait3A_933, %dma_wait3A_934] : memref<2048x32xf32, #tpu.memory_space<vmem>> -> memref<128x32xf32, #tpu.memory_space<vmem>>
    tpu.wait_dma2 semaphore(%arg19 : memref<!tpu.dma_semaphore, #tpu.memory_space<semaphore_mem>>) src(%dma_wait3A_935 : memref<128x32xf32, #tpu.memory_space<vmem>>) dst(%dma_wait3A_932 : memref<128x32xf32, #tpu.memory_space<hbm>>)
    %dma_wait3A_936 = arith.constant 128 : i32
    %dma_wait3A_937 = arith.constant 0 : i32
    %dma_wait3A_938 = tpu.memref_slice %arg13[%dma_wait3A_936, %dma_wait3A_937] : memref<2048x32xf32, #tpu.memory_space<vmem>> -> memref<128x32xf32, #tpu.memory_space<vmem>>
    %dma_wait3A_939 = arith.constant 0 : i32
    %dma_wait3A_940 = tpu.memref_slice %arg6[%select_n3A, %add3A_601, %dma_wait3A_939] : memref<8x8192x32xf32, #tpu.memory_space<hbm>> -> memref<1x128x32xf32, #tpu.memory_space<hbm>>
    %dma_wait3A_941 = tpu.memref_squeeze %dma_wait3A_940 : memref<1x128x32xf32, #tpu.memory_space<hbm>> -> memref<128x32xf32, #tpu.memory_space<hbm>>
    %dma_wait3A_942 = arith.constant 0 : i32
    %dma_wait3A_943 = tpu.memref_slice %arg6[%select_n3A, %add3A_601, %dma_wait3A_942] : memref<8x8192x32xf32, #tpu.memory_space<hbm>> -> memref<1x128x32xf32, #tpu.memory_space<hbm>>
    %dma_wait3A_944 = tpu.memref_squeeze %dma_wait3A_943 : memref<1x128x32xf32, #tpu.memory_space<hbm>> -> memref<128x32xf32, #tpu.memory_space<hbm>>
    %dma_wait3A_945 = arith.constant 128 : i32
    %dma_wait3A_946 = arith.constant 0 : i32
    %dma_wait3A_947 = tpu.memref_slice %arg13[%dma_wait3A_945, %dma_wait3A_946] : memref<2048x32xf32, #tpu.memory_space<vmem>> -> memref<128x32xf32, #tpu.memory_space<vmem>>
    tpu.wait_dma2 semaphore(%arg19 : memref<!tpu.dma_semaphore, #tpu.memory_space<semaphore_mem>>) src(%dma_wait3A_947 : memref<128x32xf32, #tpu.memory_space<vmem>>) dst(%dma_wait3A_944 : memref<128x32xf32, #tpu.memory_space<hbm>>)
    %dma_wait3A_948 = arith.constant 256 : i32
    %dma_wait3A_949 = arith.constant 0 : i32
    %dma_wait3A_950 = tpu.memref_slice %arg13[%dma_wait3A_948, %dma_wait3A_949] : memref<2048x32xf32, #tpu.memory_space<vmem>> -> memref<128x32xf32, #tpu.memory_space<vmem>>
    %dma_wait3A_951 = arith.constant 0 : i32
    %dma_wait3A_952 = tpu.memref_slice %arg6[%select_n3A, %add3A_623, %dma_wait3A_951] : memref<8x8192x32xf32, #tpu.memory_space<hbm>> -> memref<1x128x32xf32, #tpu.memory_space<hbm>>
    %dma_wait3A_953 = tpu.memref_squeeze %dma_wait3A_952 : memref<1x128x32xf32, #tpu.memory_space<hbm>> -> memref<128x32xf32, #tpu.memory_space<hbm>>
    %dma_wait3A_954 = arith.constant 0 : i32
    %dma_wait3A_955 = tpu.memref_slice %arg6[%select_n3A, %add3A_623, %dma_wait3A_954] : memref<8x8192x32xf32, #tpu.memory_space<hbm>> -> memref<1x128x32xf32, #tpu.memory_space<hbm>>
    %dma_wait3A_956 = tpu.memref_squeeze %dma_wait3A_955 : memref<1x128x32xf32, #tpu.memory_space<hbm>> -> memref<128x32xf32, #tpu.memory_space<hbm>>
    %dma_wait3A_957 = arith.constant 256 : i32
    %dma_wait3A_958 = arith.constant 0 : i32
    %dma_wait3A_959 = tpu.memref_slice %arg13[%dma_wait3A_957, %dma_wait3A_958] : memref<2048x32xf32, #tpu.memory_space<vmem>> -> memref<128x32xf32, #tpu.memory_space<vmem>>
    tpu.wait_dma2 semaphore(%arg19 : memref<!tpu.dma_semaphore, #tpu.memory_space<semaphore_mem>>) src(%dma_wait3A_959 : memref<128x32xf32, #tpu.memory_space<vmem>>) dst(%dma_wait3A_956 : memref<128x32xf32, #tpu.memory_space<hbm>>)
    %dma_wait3A_960 = arith.constant 384 : i32
    %dma_wait3A_961 = arith.constant 0 : i32
    %dma_wait3A_962 = tpu.memref_slice %arg13[%dma_wait3A_960, %dma_wait3A_961] : memref<2048x32xf32, #tpu.memory_space<vmem>> -> memref<128x32xf32, #tpu.memory_space<vmem>>
    %dma_wait3A_963 = arith.constant 0 : i32
    %dma_wait3A_964 = tpu.memref_slice %arg6[%select_n3A, %add3A_645, %dma_wait3A_963] : memref<8x8192x32xf32, #tpu.memory_space<hbm>> -> memref<1x128x32xf32, #tpu.memory_space<hbm>>
    %dma_wait3A_965 = tpu.memref_squeeze %dma_wait3A_964 : memref<1x128x32xf32, #tpu.memory_space<hbm>> -> memref<128x32xf32, #tpu.memory_space<hbm>>
    %dma_wait3A_966 = arith.constant 0 : i32
    %dma_wait3A_967 = tpu.memref_slice %arg6[%select_n3A, %add3A_645, %dma_wait3A_966] : memref<8x8192x32xf32, #tpu.memory_space<hbm>> -> memref<1x128x32xf32, #tpu.memory_space<hbm>>
    %dma_wait3A_968 = tpu.memref_squeeze %dma_wait3A_967 : memref<1x128x32xf32, #tpu.memory_space<hbm>> -> memref<128x32xf32, #tpu.memory_space<hbm>>
    %dma_wait3A_969 = arith.constant 384 : i32
    %dma_wait3A_970 = arith.constant 0 : i32
    %dma_wait3A_971 = tpu.memref_slice %arg13[%dma_wait3A_969, %dma_wait3A_970] : memref<2048x32xf32, #tpu.memory_space<vmem>> -> memref<128x32xf32, #tpu.memory_space<vmem>>
    tpu.wait_dma2 semaphore(%arg19 : memref<!tpu.dma_semaphore, #tpu.memory_space<semaphore_mem>>) src(%dma_wait3A_971 : memref<128x32xf32, #tpu.memory_space<vmem>>) dst(%dma_wait3A_968 : memref<128x32xf32, #tpu.memory_space<hbm>>)
    %dma_wait3A_972 = arith.constant 512 : i32
    %dma_wait3A_973 = arith.constant 0 : i32
    %dma_wait3A_974 = tpu.memref_slice %arg13[%dma_wait3A_972, %dma_wait3A_973] : memref<2048x32xf32, #tpu.memory_space<vmem>> -> memref<128x32xf32, #tpu.memory_space<vmem>>
    %dma_wait3A_975 = arith.constant 0 : i32
    %dma_wait3A_976 = tpu.memref_slice %arg6[%select_n3A, %add3A_667, %dma_wait3A_975] : memref<8x8192x32xf32, #tpu.memory_space<hbm>> -> memref<1x128x32xf32, #tpu.memory_space<hbm>>
    %dma_wait3A_977 = tpu.memref_squeeze %dma_wait3A_976 : memref<1x128x32xf32, #tpu.memory_space<hbm>> -> memref<128x32xf32, #tpu.memory_space<hbm>>
    %dma_wait3A_978 = arith.constant 0 : i32
    %dma_wait3A_979 = tpu.memref_slice %arg6[%select_n3A, %add3A_667, %dma_wait3A_978] : memref<8x8192x32xf32, #tpu.memory_space<hbm>> -> memref<1x128x32xf32, #tpu.memory_space<hbm>>
    %dma_wait3A_980 = tpu.memref_squeeze %dma_wait3A_979 : memref<1x128x32xf32, #tpu.memory_space<hbm>> -> memref<128x32xf32, #tpu.memory_space<hbm>>
    %dma_wait3A_981 = arith.constant 512 : i32
    %dma_wait3A_982 = arith.constant 0 : i32
    %dma_wait3A_983 = tpu.memref_slice %arg13[%dma_wait3A_981, %dma_wait3A_982] : memref<2048x32xf32, #tpu.memory_space<vmem>> -> memref<128x32xf32, #tpu.memory_space<vmem>>
    tpu.wait_dma2 semaphore(%arg19 : memref<!tpu.dma_semaphore, #tpu.memory_space<semaphore_mem>>) src(%dma_wait3A_983 : memref<128x32xf32, #tpu.memory_space<vmem>>) dst(%dma_wait3A_980 : memref<128x32xf32, #tpu.memory_space<hbm>>)
    %dma_wait3A_984 = arith.constant 640 : i32
    %dma_wait3A_985 = arith.constant 0 : i32
    %dma_wait3A_986 = tpu.memref_slice %arg13[%dma_wait3A_984, %dma_wait3A_985] : memref<2048x32xf32, #tpu.memory_space<vmem>> -> memref<128x32xf32, #tpu.memory_space<vmem>>
    %dma_wait3A_987 = arith.constant 0 : i32
    %dma_wait3A_988 = tpu.memref_slice %arg6[%select_n3A, %add3A_689, %dma_wait3A_987] : memref<8x8192x32xf32, #tpu.memory_space<hbm>> -> memref<1x128x32xf32, #tpu.memory_space<hbm>>
    %dma_wait3A_989 = tpu.memref_squeeze %dma_wait3A_988 : memref<1x128x32xf32, #tpu.memory_space<hbm>> -> memref<128x32xf32, #tpu.memory_space<hbm>>
    %dma_wait3A_990 = arith.constant 0 : i32
    %dma_wait3A_991 = tpu.memref_slice %arg6[%select_n3A, %add3A_689, %dma_wait3A_990] : memref<8x8192x32xf32, #tpu.memory_space<hbm>> -> memref<1x128x32xf32, #tpu.memory_space<hbm>>
    %dma_wait3A_992 = tpu.memref_squeeze %dma_wait3A_991 : memref<1x128x32xf32, #tpu.memory_space<hbm>> -> memref<128x32xf32, #tpu.memory_space<hbm>>
    %dma_wait3A_993 = arith.constant 640 : i32
    %dma_wait3A_994 = arith.constant 0 : i32
    %dma_wait3A_995 = tpu.memref_slice %arg13[%dma_wait3A_993, %dma_wait3A_994] : memref<2048x32xf32, #tpu.memory_space<vmem>> -> memref<128x32xf32, #tpu.memory_space<vmem>>
    tpu.wait_dma2 semaphore(%arg19 : memref<!tpu.dma_semaphore, #tpu.memory_space<semaphore_mem>>) src(%dma_wait3A_995 : memref<128x32xf32, #tpu.memory_space<vmem>>) dst(%dma_wait3A_992 : memref<128x32xf32, #tpu.memory_space<hbm>>)
    %dma_wait3A_996 = arith.constant 768 : i32
    %dma_wait3A_997 = arith.constant 0 : i32
    %dma_wait3A_998 = tpu.memref_slice %arg13[%dma_wait3A_996, %dma_wait3A_997] : memref<2048x32xf32, #tpu.memory_space<vmem>> -> memref<128x32xf32, #tpu.memory_space<vmem>>
    %dma_wait3A_999 = arith.constant 0 : i32
    %dma_wait3A_1000 = tpu.memref_slice %arg6[%select_n3A, %add3A_711, %dma_wait3A_999] : memref<8x8192x32xf32, #tpu.memory_space<hbm>> -> memref<1x128x32xf32, #tpu.memory_space<hbm>>
    %dma_wait3A_1001 = tpu.memref_squeeze %dma_wait3A_1000 : memref<1x128x32xf32, #tpu.memory_space<hbm>> -> memref<128x32xf32, #tpu.memory_space<hbm>>
    %dma_wait3A_1002 = arith.constant 0 : i32
    %dma_wait3A_1003 = tpu.memref_slice %arg6[%select_n3A, %add3A_711, %dma_wait3A_1002] : memref<8x8192x32xf32, #tpu.memory_space<hbm>> -> memref<1x128x32xf32, #tpu.memory_space<hbm>>
    %dma_wait3A_1004 = tpu.memref_squeeze %dma_wait3A_1003 : memref<1x128x32xf32, #tpu.memory_space<hbm>> -> memref<128x32xf32, #tpu.memory_space<hbm>>
    %dma_wait3A_1005 = arith.constant 768 : i32
    %dma_wait3A_1006 = arith.constant 0 : i32
    %dma_wait3A_1007 = tpu.memref_slice %arg13[%dma_wait3A_1005, %dma_wait3A_1006] : memref<2048x32xf32, #tpu.memory_space<vmem>> -> memref<128x32xf32, #tpu.memory_space<vmem>>
    tpu.wait_dma2 semaphore(%arg19 : memref<!tpu.dma_semaphore, #tpu.memory_space<semaphore_mem>>) src(%dma_wait3A_1007 : memref<128x32xf32, #tpu.memory_space<vmem>>) dst(%dma_wait3A_1004 : memref<128x32xf32, #tpu.memory_space<hbm>>)
    %dma_wait3A_1008 = arith.constant 896 : i32
    %dma_wait3A_1009 = arith.constant 0 : i32
    %dma_wait3A_1010 = tpu.memref_slice %arg13[%dma_wait3A_1008, %dma_wait3A_1009] : memref<2048x32xf32, #tpu.memory_space<vmem>> -> memref<128x32xf32, #tpu.memory_space<vmem>>
    %dma_wait3A_1011 = arith.constant 0 : i32
    %dma_wait3A_1012 = tpu.memref_slice %arg6[%select_n3A, %add3A_733, %dma_wait3A_1011] : memref<8x8192x32xf32, #tpu.memory_space<hbm>> -> memref<1x128x32xf32, #tpu.memory_space<hbm>>
    %dma_wait3A_1013 = tpu.memref_squeeze %dma_wait3A_1012 : memref<1x128x32xf32, #tpu.memory_space<hbm>> -> memref<128x32xf32, #tpu.memory_space<hbm>>
    %dma_wait3A_1014 = arith.constant 0 : i32
    %dma_wait3A_1015 = tpu.memref_slice %arg6[%select_n3A, %add3A_733, %dma_wait3A_1014] : memref<8x8192x32xf32, #tpu.memory_space<hbm>> -> memref<1x128x32xf32, #tpu.memory_space<hbm>>
    %dma_wait3A_1016 = tpu.memref_squeeze %dma_wait3A_1015 : memref<1x128x32xf32, #tpu.memory_space<hbm>> -> memref<128x32xf32, #tpu.memory_space<hbm>>
    %dma_wait3A_1017 = arith.constant 896 : i32
    %dma_wait3A_1018 = arith.constant 0 : i32
    %dma_wait3A_1019 = tpu.memref_slice %arg13[%dma_wait3A_1017, %dma_wait3A_1018] : memref<2048x32xf32, #tpu.memory_space<vmem>> -> memref<128x32xf32, #tpu.memory_space<vmem>>
    tpu.wait_dma2 semaphore(%arg19 : memref<!tpu.dma_semaphore, #tpu.memory_space<semaphore_mem>>) src(%dma_wait3A_1019 : memref<128x32xf32, #tpu.memory_space<vmem>>) dst(%dma_wait3A_1016 : memref<128x32xf32, #tpu.memory_space<hbm>>)
    %dma_wait3A_1020 = arith.constant 1024 : i32
    %dma_wait3A_1021 = arith.constant 0 : i32
    %dma_wait3A_1022 = tpu.memref_slice %arg13[%dma_wait3A_1020, %dma_wait3A_1021] : memref<2048x32xf32, #tpu.memory_space<vmem>> -> memref<128x32xf32, #tpu.memory_space<vmem>>
    %dma_wait3A_1023 = arith.constant 0 : i32
    %dma_wait3A_1024 = tpu.memref_slice %arg6[%select_n3A, %add3A_755, %dma_wait3A_1023] : memref<8x8192x32xf32, #tpu.memory_space<hbm>> -> memref<1x128x32xf32, #tpu.memory_space<hbm>>
    %dma_wait3A_1025 = tpu.memref_squeeze %dma_wait3A_1024 : memref<1x128x32xf32, #tpu.memory_space<hbm>> -> memref<128x32xf32, #tpu.memory_space<hbm>>
    %dma_wait3A_1026 = arith.constant 0 : i32
    %dma_wait3A_1027 = tpu.memref_slice %arg6[%select_n3A, %add3A_755, %dma_wait3A_1026] : memref<8x8192x32xf32, #tpu.memory_space<hbm>> -> memref<1x128x32xf32, #tpu.memory_space<hbm>>
    %dma_wait3A_1028 = tpu.memref_squeeze %dma_wait3A_1027 : memref<1x128x32xf32, #tpu.memory_space<hbm>> -> memref<128x32xf32, #tpu.memory_space<hbm>>
    %dma_wait3A_1029 = arith.constant 1024 : i32
    %dma_wait3A_1030 = arith.constant 0 : i32
    %dma_wait3A_1031 = tpu.memref_slice %arg13[%dma_wait3A_1029, %dma_wait3A_1030] : memref<2048x32xf32, #tpu.memory_space<vmem>> -> memref<128x32xf32, #tpu.memory_space<vmem>>
    tpu.wait_dma2 semaphore(%arg19 : memref<!tpu.dma_semaphore, #tpu.memory_space<semaphore_mem>>) src(%dma_wait3A_1031 : memref<128x32xf32, #tpu.memory_space<vmem>>) dst(%dma_wait3A_1028 : memref<128x32xf32, #tpu.memory_space<hbm>>)
    %dma_wait3A_1032 = arith.constant 1152 : i32
    %dma_wait3A_1033 = arith.constant 0 : i32
    %dma_wait3A_1034 = tpu.memref_slice %arg13[%dma_wait3A_1032, %dma_wait3A_1033] : memref<2048x32xf32, #tpu.memory_space<vmem>> -> memref<128x32xf32, #tpu.memory_space<vmem>>
    %dma_wait3A_1035 = arith.constant 0 : i32
    %dma_wait3A_1036 = tpu.memref_slice %arg6[%select_n3A, %add3A_777, %dma_wait3A_1035] : memref<8x8192x32xf32, #tpu.memory_space<hbm>> -> memref<1x128x32xf32, #tpu.memory_space<hbm>>
    %dma_wait3A_1037 = tpu.memref_squeeze %dma_wait3A_1036 : memref<1x128x32xf32, #tpu.memory_space<hbm>> -> memref<128x32xf32, #tpu.memory_space<hbm>>
    %dma_wait3A_1038 = arith.constant 0 : i32
    %dma_wait3A_1039 = tpu.memref_slice %arg6[%select_n3A, %add3A_777, %dma_wait3A_1038] : memref<8x8192x32xf32, #tpu.memory_space<hbm>> -> memref<1x128x32xf32, #tpu.memory_space<hbm>>
    %dma_wait3A_1040 = tpu.memref_squeeze %dma_wait3A_1039 : memref<1x128x32xf32, #tpu.memory_space<hbm>> -> memref<128x32xf32, #tpu.memory_space<hbm>>
    %dma_wait3A_1041 = arith.constant 1152 : i32
    %dma_wait3A_1042 = arith.constant 0 : i32
    %dma_wait3A_1043 = tpu.memref_slice %arg13[%dma_wait3A_1041, %dma_wait3A_1042] : memref<2048x32xf32, #tpu.memory_space<vmem>> -> memref<128x32xf32, #tpu.memory_space<vmem>>
    tpu.wait_dma2 semaphore(%arg19 : memref<!tpu.dma_semaphore, #tpu.memory_space<semaphore_mem>>) src(%dma_wait3A_1043 : memref<128x32xf32, #tpu.memory_space<vmem>>) dst(%dma_wait3A_1040 : memref<128x32xf32, #tpu.memory_space<hbm>>)
    %dma_wait3A_1044 = arith.constant 1280 : i32
    %dma_wait3A_1045 = arith.constant 0 : i32
    %dma_wait3A_1046 = tpu.memref_slice %arg13[%dma_wait3A_1044, %dma_wait3A_1045] : memref<2048x32xf32, #tpu.memory_space<vmem>> -> memref<128x32xf32, #tpu.memory_space<vmem>>
    %dma_wait3A_1047 = arith.constant 0 : i32
    %dma_wait3A_1048 = tpu.memref_slice %arg6[%select_n3A, %add3A_799, %dma_wait3A_1047] : memref<8x8192x32xf32, #tpu.memory_space<hbm>> -> memref<1x128x32xf32, #tpu.memory_space<hbm>>
    %dma_wait3A_1049 = tpu.memref_squeeze %dma_wait3A_1048 : memref<1x128x32xf32, #tpu.memory_space<hbm>> -> memref<128x32xf32, #tpu.memory_space<hbm>>
    %dma_wait3A_1050 = arith.constant 0 : i32
    %dma_wait3A_1051 = tpu.memref_slice %arg6[%select_n3A, %add3A_799, %dma_wait3A_1050] : memref<8x8192x32xf32, #tpu.memory_space<hbm>> -> memref<1x128x32xf32, #tpu.memory_space<hbm>>
    %dma_wait3A_1052 = tpu.memref_squeeze %dma_wait3A_1051 : memref<1x128x32xf32, #tpu.memory_space<hbm>> -> memref<128x32xf32, #tpu.memory_space<hbm>>
    %dma_wait3A_1053 = arith.constant 1280 : i32
    %dma_wait3A_1054 = arith.constant 0 : i32
    %dma_wait3A_1055 = tpu.memref_slice %arg13[%dma_wait3A_1053, %dma_wait3A_1054] : memref<2048x32xf32, #tpu.memory_space<vmem>> -> memref<128x32xf32, #tpu.memory_space<vmem>>
    tpu.wait_dma2 semaphore(%arg19 : memref<!tpu.dma_semaphore, #tpu.memory_space<semaphore_mem>>) src(%dma_wait3A_1055 : memref<128x32xf32, #tpu.memory_space<vmem>>) dst(%dma_wait3A_1052 : memref<128x32xf32, #tpu.memory_space<hbm>>)
    %dma_wait3A_1056 = arith.constant 1408 : i32
    %dma_wait3A_1057 = arith.constant 0 : i32
    %dma_wait3A_1058 = tpu.memref_slice %arg13[%dma_wait3A_1056, %dma_wait3A_1057] : memref<2048x32xf32, #tpu.memory_space<vmem>> -> memref<128x32xf32, #tpu.memory_space<vmem>>
    %dma_wait3A_1059 = arith.constant 0 : i32
    %dma_wait3A_1060 = tpu.memref_slice %arg6[%select_n3A, %add3A_821, %dma_wait3A_1059] : memref<8x8192x32xf32, #tpu.memory_space<hbm>> -> memref<1x128x32xf32, #tpu.memory_space<hbm>>
    %dma_wait3A_1061 = tpu.memref_squeeze %dma_wait3A_1060 : memref<1x128x32xf32, #tpu.memory_space<hbm>> -> memref<128x32xf32, #tpu.memory_space<hbm>>
    %dma_wait3A_1062 = arith.constant 0 : i32
    %dma_wait3A_1063 = tpu.memref_slice %arg6[%select_n3A, %add3A_821, %dma_wait3A_1062] : memref<8x8192x32xf32, #tpu.memory_space<hbm>> -> memref<1x128x32xf32, #tpu.memory_space<hbm>>
    %dma_wait3A_1064 = tpu.memref_squeeze %dma_wait3A_1063 : memref<1x128x32xf32, #tpu.memory_space<hbm>> -> memref<128x32xf32, #tpu.memory_space<hbm>>
    %dma_wait3A_1065 = arith.constant 1408 : i32
    %dma_wait3A_1066 = arith.constant 0 : i32
    %dma_wait3A_1067 = tpu.memref_slice %arg13[%dma_wait3A_1065, %dma_wait3A_1066] : memref<2048x32xf32, #tpu.memory_space<vmem>> -> memref<128x32xf32, #tpu.memory_space<vmem>>
    tpu.wait_dma2 semaphore(%arg19 : memref<!tpu.dma_semaphore, #tpu.memory_space<semaphore_mem>>) src(%dma_wait3A_1067 : memref<128x32xf32, #tpu.memory_space<vmem>>) dst(%dma_wait3A_1064 : memref<128x32xf32, #tpu.memory_space<hbm>>)
    %dma_wait3A_1068 = arith.constant 1536 : i32
    %dma_wait3A_1069 = arith.constant 0 : i32
    %dma_wait3A_1070 = tpu.memref_slice %arg13[%dma_wait3A_1068, %dma_wait3A_1069] : memref<2048x32xf32, #tpu.memory_space<vmem>> -> memref<128x32xf32, #tpu.memory_space<vmem>>
    %dma_wait3A_1071 = arith.constant 0 : i32
    %dma_wait3A_1072 = tpu.memref_slice %arg6[%select_n3A, %add3A_843, %dma_wait3A_1071] : memref<8x8192x32xf32, #tpu.memory_space<hbm>> -> memref<1x128x32xf32, #tpu.memory_space<hbm>>
    %dma_wait3A_1073 = tpu.memref_squeeze %dma_wait3A_1072 : memref<1x128x32xf32, #tpu.memory_space<hbm>> -> memref<128x32xf32, #tpu.memory_space<hbm>>
    %dma_wait3A_1074 = arith.constant 0 : i32
    %dma_wait3A_1075 = tpu.memref_slice %arg6[%select_n3A, %add3A_843, %dma_wait3A_1074] : memref<8x8192x32xf32, #tpu.memory_space<hbm>> -> memref<1x128x32xf32, #tpu.memory_space<hbm>>
    %dma_wait3A_1076 = tpu.memref_squeeze %dma_wait3A_1075 : memref<1x128x32xf32, #tpu.memory_space<hbm>> -> memref<128x32xf32, #tpu.memory_space<hbm>>
    %dma_wait3A_1077 = arith.constant 1536 : i32
    %dma_wait3A_1078 = arith.constant 0 : i32
    %dma_wait3A_1079 = tpu.memref_slice %arg13[%dma_wait3A_1077, %dma_wait3A_1078] : memref<2048x32xf32, #tpu.memory_space<vmem>> -> memref<128x32xf32, #tpu.memory_space<vmem>>
    tpu.wait_dma2 semaphore(%arg19 : memref<!tpu.dma_semaphore, #tpu.memory_space<semaphore_mem>>) src(%dma_wait3A_1079 : memref<128x32xf32, #tpu.memory_space<vmem>>) dst(%dma_wait3A_1076 : memref<128x32xf32, #tpu.memory_space<hbm>>)
    %dma_wait3A_1080 = arith.constant 1664 : i32
    %dma_wait3A_1081 = arith.constant 0 : i32
    %dma_wait3A_1082 = tpu.memref_slice %arg13[%dma_wait3A_1080, %dma_wait3A_1081] : memref<2048x32xf32, #tpu.memory_space<vmem>> -> memref<128x32xf32, #tpu.memory_space<vmem>>
    %dma_wait3A_1083 = arith.constant 0 : i32
    %dma_wait3A_1084 = tpu.memref_slice %arg6[%select_n3A, %add3A_865, %dma_wait3A_1083] : memref<8x8192x32xf32, #tpu.memory_space<hbm>> -> memref<1x128x32xf32, #tpu.memory_space<hbm>>
    %dma_wait3A_1085 = tpu.memref_squeeze %dma_wait3A_1084 : memref<1x128x32xf32, #tpu.memory_space<hbm>> -> memref<128x32xf32, #tpu.memory_space<hbm>>
    %dma_wait3A_1086 = arith.constant 0 : i32
    %dma_wait3A_1087 = tpu.memref_slice %arg6[%select_n3A, %add3A_865, %dma_wait3A_1086] : memref<8x8192x32xf32, #tpu.memory_space<hbm>> -> memref<1x128x32xf32, #tpu.memory_space<hbm>>
    %dma_wait3A_1088 = tpu.memref_squeeze %dma_wait3A_1087 : memref<1x128x32xf32, #tpu.memory_space<hbm>> -> memref<128x32xf32, #tpu.memory_space<hbm>>
    %dma_wait3A_1089 = arith.constant 1664 : i32
    %dma_wait3A_1090 = arith.constant 0 : i32
    %dma_wait3A_1091 = tpu.memref_slice %arg13[%dma_wait3A_1089, %dma_wait3A_1090] : memref<2048x32xf32, #tpu.memory_space<vmem>> -> memref<128x32xf32, #tpu.memory_space<vmem>>
    tpu.wait_dma2 semaphore(%arg19 : memref<!tpu.dma_semaphore, #tpu.memory_space<semaphore_mem>>) src(%dma_wait3A_1091 : memref<128x32xf32, #tpu.memory_space<vmem>>) dst(%dma_wait3A_1088 : memref<128x32xf32, #tpu.memory_space<hbm>>)
    %dma_wait3A_1092 = arith.constant 1792 : i32
    %dma_wait3A_1093 = arith.constant 0 : i32
    %dma_wait3A_1094 = tpu.memref_slice %arg13[%dma_wait3A_1092, %dma_wait3A_1093] : memref<2048x32xf32, #tpu.memory_space<vmem>> -> memref<128x32xf32, #tpu.memory_space<vmem>>
    %dma_wait3A_1095 = arith.constant 0 : i32
    %dma_wait3A_1096 = tpu.memref_slice %arg6[%select_n3A, %add3A_887, %dma_wait3A_1095] : memref<8x8192x32xf32, #tpu.memory_space<hbm>> -> memref<1x128x32xf32, #tpu.memory_space<hbm>>
    %dma_wait3A_1097 = tpu.memref_squeeze %dma_wait3A_1096 : memref<1x128x32xf32, #tpu.memory_space<hbm>> -> memref<128x32xf32, #tpu.memory_space<hbm>>
    %dma_wait3A_1098 = arith.constant 0 : i32
    %dma_wait3A_1099 = tpu.memref_slice %arg6[%select_n3A, %add3A_887, %dma_wait3A_1098] : memref<8x8192x32xf32, #tpu.memory_space<hbm>> -> memref<1x128x32xf32, #tpu.memory_space<hbm>>
    %dma_wait3A_1100 = tpu.memref_squeeze %dma_wait3A_1099 : memref<1x128x32xf32, #tpu.memory_space<hbm>> -> memref<128x32xf32, #tpu.memory_space<hbm>>
    %dma_wait3A_1101 = arith.constant 1792 : i32
    %dma_wait3A_1102 = arith.constant 0 : i32
    %dma_wait3A_1103 = tpu.memref_slice %arg13[%dma_wait3A_1101, %dma_wait3A_1102] : memref<2048x32xf32, #tpu.memory_space<vmem>> -> memref<128x32xf32, #tpu.memory_space<vmem>>
    tpu.wait_dma2 semaphore(%arg19 : memref<!tpu.dma_semaphore, #tpu.memory_space<semaphore_mem>>) src(%dma_wait3A_1103 : memref<128x32xf32, #tpu.memory_space<vmem>>) dst(%dma_wait3A_1100 : memref<128x32xf32, #tpu.memory_space<hbm>>)
    %dma_wait3A_1104 = arith.constant 1920 : i32
    %dma_wait3A_1105 = arith.constant 0 : i32
    %dma_wait3A_1106 = tpu.memref_slice %arg13[%dma_wait3A_1104, %dma_wait3A_1105] : memref<2048x32xf32, #tpu.memory_space<vmem>> -> memref<128x32xf32, #tpu.memory_space<vmem>>
    %dma_wait3A_1107 = arith.constant 0 : i32
    %dma_wait3A_1108 = tpu.memref_slice %arg6[%select_n3A, %add3A_909, %dma_wait3A_1107] : memref<8x8192x32xf32, #tpu.memory_space<hbm>> -> memref<1x128x32xf32, #tpu.memory_space<hbm>>
    %dma_wait3A_1109 = tpu.memref_squeeze %dma_wait3A_1108 : memref<1x128x32xf32, #tpu.memory_space<hbm>> -> memref<128x32xf32, #tpu.memory_space<hbm>>
    %dma_wait3A_1110 = arith.constant 0 : i32
    %dma_wait3A_1111 = tpu.memref_slice %arg6[%select_n3A, %add3A_909, %dma_wait3A_1110] : memref<8x8192x32xf32, #tpu.memory_space<hbm>> -> memref<1x128x32xf32, #tpu.memory_space<hbm>>
    %dma_wait3A_1112 = tpu.memref_squeeze %dma_wait3A_1111 : memref<1x128x32xf32, #tpu.memory_space<hbm>> -> memref<128x32xf32, #tpu.memory_space<hbm>>
    %dma_wait3A_1113 = arith.constant 1920 : i32
    %dma_wait3A_1114 = arith.constant 0 : i32
    %dma_wait3A_1115 = tpu.memref_slice %arg13[%dma_wait3A_1113, %dma_wait3A_1114] : memref<2048x32xf32, #tpu.memory_space<vmem>> -> memref<128x32xf32, #tpu.memory_space<vmem>>
    tpu.wait_dma2 semaphore(%arg19 : memref<!tpu.dma_semaphore, #tpu.memory_space<semaphore_mem>>) src(%dma_wait3A_1115 : memref<128x32xf32, #tpu.memory_space<vmem>>) dst(%dma_wait3A_1112 : memref<128x32xf32, #tpu.memory_space<hbm>>)
    return
  }
}

module attributes {stable_mosaic.version = 14 : i64} {
  func.func @_loss_body(%arg0: memref<32x16xf32, #tpu.memory_space<vmem>>, %arg1: memref<1x1xf32, #tpu.memory_space<vmem>>) attributes {dimension_semantics = [], scalar_prefetch = 0 : i64, scratch_operands = 0 : i64, tpu.core_type = #tpu.core_type<tc>} {
    %get3A = arith.constant 0 : index
    %get3A_0 = arith.constant 0 : index
    %get3A_1 = vector.load %arg0[%get3A, %get3A_0] : memref<32x16xf32, #tpu.memory_space<vmem>>, vector<32x16xf32>
    %reduce_sum3A = vector.shape_cast %get3A_1 : vector<32x16xf32> to vector<1x32x16xf32>
    %reduce_sum3A_2 = arith.constant dense<0.000000e+00> : vector<1xf32>
    %reduce_sum3A_3 = vector.multi_reduction <add>, %reduce_sum3A, %reduce_sum3A_2 [1, 2] : vector<1x32x16xf32> to vector<1xf32>
    %reduce_sum3A_4 = vector.shape_cast %reduce_sum3A_3 : vector<1xf32> to vector<1x1x1xf32>
    %reduce_sum3A_5 = vector.extract %reduce_sum3A_4[0, 0, 0] : f32 from vector<1x1x1xf32>
    %broadcast_in_dim3A = vector.broadcast %reduce_sum3A_5 : f32 to vector<1x1xf32>
    %mul3A = arith.constant 1.250000e+00 : f32
    %mul3A_6 = vector.broadcast %mul3A : f32 to vector<1x1xf32>
    %mul3A_7 = arith.mulf %mul3A_6, %broadcast_in_dim3A : vector<1x1xf32>
    %div3A = arith.constant 0x4A000000 : f32
    %div3A_8 = vector.broadcast %div3A : f32 to vector<1x1xf32>
    %div3A_9 = arith.divf %mul3A_7, %div3A_8 : vector<1x1xf32>
    %swap3A = arith.constant 0 : index
    %swap3A_10 = arith.constant 0 : index
    %swap3A_11 = vector.load %arg1[%swap3A, %swap3A_10] : memref<1x1xf32, #tpu.memory_space<vmem>>, vector<1x1xf32>
    tpu.vector_store %arg1[%swap3A, %swap3A_10], %div3A_9 {strides = array<i32>} : memref<1x1xf32, #tpu.memory_space<vmem>>, vector<1x1xf32>,
    return
  }
}

module attributes {stable_mosaic.version = 14 : i64} {
  func.func @_tables_body(%arg0: memref<1x64xf32, #tpu.memory_space<vmem>>, %arg1: memref<1x64xf32, #tpu.memory_space<vmem>>, %arg2: memref<1x64xf32, #tpu.memory_space<vmem>>, %arg3: memref<1x64xf32, #tpu.memory_space<vmem>>, %arg4: memref<64x32xf32, #tpu.memory_space<vmem>>, %arg5: memref<1x32xf32, #tpu.memory_space<vmem>>, %arg6: memref<1024x32xf32, #tpu.memory_space<vmem>>, %arg7: memref<1024x32xf32, #tpu.memory_space<vmem>>, %arg8: memref<8x128xi32, #tpu.memory_space<vmem>>, %arg9: memref<8x128xf32, #tpu.memory_space<vmem>>) attributes {dimension_semantics = [], scalar_prefetch = 0 : i64, scratch_operands = 0 : i64, tpu.core_type = #tpu.core_type<tc>} {
    %iota3A = tpu.iota {dimensions = array<i32: 0>} : vector<1024x1xi32>
    %convert_element_type3A = arith.sitofp %iota3A : vector<1024x1xi32> to vector<1024x1xf32>
    %div3A = arith.constant 1.023000e+03 : f32
    %div3A_0 = vector.broadcast %div3A : f32 to vector<1024x1xf32>
    %div3A_1 = arith.divf %convert_element_type3A, %div3A_0 : vector<1024x1xf32>
    %mul3A = arith.constant 2.000000e+00 : f32
    %mul3A_2 = vector.broadcast %mul3A : f32 to vector<1024x1xf32>
    %mul3A_3 = arith.mulf %div3A_1, %mul3A_2 : vector<1024x1xf32>
    %sub3A = arith.constant 1.000000e+00 : f32
    %sub3A_4 = vector.broadcast %sub3A : f32 to vector<1024x1xf32>
    %sub3A_5 = arith.subf %mul3A_3, %sub3A_4 : vector<1024x1xf32>
    %get3A = arith.constant 0 : index
    %get3A_6 = arith.constant 0 : index
    %get3A_7 = vector.load %arg0[%get3A, %get3A_6] : memref<1x64xf32, #tpu.memory_space<vmem>>, vector<1x64xf32>
    %mul3A_8 = vector.broadcast %sub3A_5 : vector<1024x1xf32> to vector<1024x64xf32>
    %mul3A_9 = vector.broadcast %get3A_7 : vector<1x64xf32> to vector<1024x64xf32>
    %mul3A_10 = arith.mulf %mul3A_8, %mul3A_9 : vector<1024x64xf32>
    %get3A_11 = arith.constant 0 : index
    %get3A_12 = arith.constant 0 : index
    %get3A_13 = vector.load %arg1[%get3A_11, %get3A_12] : memref<1x64xf32, #tpu.memory_space<vmem>>, vector<1x64xf32>
    %add3A = vector.broadcast %get3A_13 : vector<1x64xf32> to vector<1024x64xf32>
    %add3A_14 = arith.addf %mul3A_10, %add3A : vector<1024x64xf32>
    %reduce_sum3A = arith.constant dense<0.000000e+00> : vector<1024xf32>
    %reduce_sum3A_15 = vector.multi_reduction <add>, %add3A_14, %reduce_sum3A [1] : vector<1024x64xf32> to vector<1024xf32>
    %broadcast_in_dim3A = vector.shape_cast %reduce_sum3A_15 : vector<1024xf32> to vector<1024x1xf32>
    %div3A_16 = arith.constant 6.400000e+01 : f32
    %div3A_17 = vector.broadcast %div3A_16 : f32 to vector<1024x1xf32>
    %div3A_18 = arith.divf %broadcast_in_dim3A, %div3A_17 : vector<1024x1xf32>
    %sub3A_19 = vector.broadcast %div3A_18 : vector<1024x1xf32> to vector<1024x64xf32>
    %sub3A_20 = arith.subf %add3A_14, %sub3A_19 : vector<1024x64xf32>
    %integer_pow3A = arith.mulf %sub3A_20, %sub3A_20 : vector<1024x64xf32>
    %reduce_sum3A_21 = arith.constant dense<0.000000e+00> : vector<1024xf32>
    %reduce_sum3A_22 = vector.multi_reduction <add>, %integer_pow3A, %reduce_sum3A_21 [1] : vector<1024x64xf32> to vector<1024xf32>
    %broadcast_in_dim3A_23 = vector.shape_cast %reduce_sum3A_22 : vector<1024xf32> to vector<1024x1xf32>
    %div3A_24 = arith.constant 6.400000e+01 : f32
    %div3A_25 = vector.broadcast %div3A_24 : f32 to vector<1024x1xf32>
    %div3A_26 = arith.divf %broadcast_in_dim3A_23, %div3A_25 : vector<1024x1xf32>
    %sub3A_27 = vector.broadcast %div3A_18 : vector<1024x1xf32> to vector<1024x64xf32>
    %sub3A_28 = arith.subf %add3A_14, %sub3A_27 : vector<1024x64xf32>
    %add3A_29 = arith.constant 9.99999974E-6 : f32
    %add3A_30 = vector.broadcast %add3A_29 : f32 to vector<1024x1xf32>
    %add3A_31 = arith.addf %div3A_26, %add3A_30 : vector<1024x1xf32>
    %sqrt3A = math.sqrt %add3A_31 : vector<1024x1xf32>
    %div3A_32 = vector.broadcast %sqrt3A : vector<1024x1xf32> to vector<1024x64xf32>
    %div3A_33 = arith.divf %sub3A_28, %div3A_32 : vector<1024x64xf32>
    %get3A_34 = arith.constant 0 : index
    %get3A_35 = arith.constant 0 : index
    %get3A_36 = vector.load %arg2[%get3A_34, %get3A_35] : memref<1x64xf32, #tpu.memory_space<vmem>>, vector<1x64xf32>
    %mul3A_37 = vector.broadcast %get3A_36 : vector<1x64xf32> to vector<1024x64xf32>
    %mul3A_38 = arith.mulf %div3A_33, %mul3A_37 : vector<1024x64xf32>
    %get3A_39 = arith.constant 0 : index
    %get3A_40 = arith.constant 0 : index
    %get3A_41 = vector.load %arg3[%get3A_39, %get3A_40] : memref<1x64xf32, #tpu.memory_space<vmem>>, vector<1x64xf32>
    %add3A_42 = vector.broadcast %get3A_41 : vector<1x64xf32> to vector<1024x64xf32>
    %add3A_43 = arith.addf %mul3A_38, %add3A_42 : vector<1024x64xf32>
    %max3A = arith.constant 0.000000e+00 : f32
    %max3A_44 = vector.broadcast %max3A : f32 to vector<1024x64xf32>
    %max3A_45 = arith.maximumf %add3A_43, %max3A_44 : vector<1024x64xf32>
    %get3A_46 = arith.constant 0 : index
    %get3A_47 = arith.constant 0 : index
    %get3A_48 = vector.load %arg4[%get3A_46, %get3A_47] : memref<64x32xf32, #tpu.memory_space<vmem>>, vector<64x32xf32>
    %dot_general3A = arith.constant dense<0.000000e+00> : vector<1024x32xf32>
    %dot_general3A_49 = tpu.matmul %max3A_45, %get3A_48, %dot_general3A {dimension_numbers = #tpu.dot_dimension_numbers<[1], [0], [0], [1], [0, 0, 1, 1], [], []>, transpose_lhs_hint = false} : vector<1024x64xf32>, vector<64x32xf32>, vector<1024x32xf32> -> vector<1024x32xf32>
    %get3A_50 = arith.constant 0 : index
    %get3A_51 = arith.constant 0 : index
    %get3A_52 = vector.load %arg5[%get3A_50, %get3A_51] : memref<1x32xf32, #tpu.memory_space<vmem>>, vector<1x32xf32>
    %add3A_53 = vector.broadcast %get3A_52 : vector<1x32xf32> to vector<1024x32xf32>
    %add3A_54 = arith.addf %dot_general3A_49, %add3A_53 : vector<1024x32xf32>
    %get3A_55 = arith.constant 0 : index
    %get3A_56 = arith.constant 0 : index
    %get3A_57 = vector.load %arg6[%get3A_55, %get3A_56] : memref<1024x32xf32, #tpu.memory_space<vmem>>, vector<1024x32xf32>
    %dot_general3A_58 = arith.constant dense<0.000000e+00> : vector<1024x1024xf32>
    %dot_general3A_59 = tpu.matmul %add3A_54, %get3A_57, %dot_general3A_58 {dimension_numbers = #tpu.dot_dimension_numbers<[1], [1], [0], [0], [0, 0, 1, 0], [], []>, transpose_lhs_hint = false} : vector<1024x32xf32>, vector<1024x32xf32>, vector<1024x1024xf32> -> vector<1024x1024xf32>
    %mul3A_60 = arith.mulf %add3A_54, %add3A_54 : vector<1024x32xf32>
    %reduce_sum3A_61 = arith.constant dense<0.000000e+00> : vector<1024xf32>
    %reduce_sum3A_62 = vector.multi_reduction <add>, %mul3A_60, %reduce_sum3A_61 [1] : vector<1024x32xf32> to vector<1024xf32>
    %broadcast_in_dim3A_63 = vector.shape_cast %reduce_sum3A_62 : vector<1024xf32> to vector<1024x1xf32>
    %mul3A_64 = arith.constant 2.000000e+00 : f32
    %mul3A_65 = vector.broadcast %mul3A_64 : f32 to vector<1024x1024xf32>
    %mul3A_66 = arith.mulf %mul3A_65, %dot_general3A_59 : vector<1024x1024xf32>
    %sub3A_67 = vector.broadcast %broadcast_in_dim3A_63 : vector<1024x1xf32> to vector<1024x1024xf32>
    %sub3A_68 = arith.subf %sub3A_67, %mul3A_66 : vector<1024x1024xf32>
    %mul3A_69 = arith.mulf %get3A_57, %get3A_57 : vector<1024x32xf32>
    %reduce_sum3A_70 = arith.constant dense<0.000000e+00> : vector<1024xf32>
    %reduce_sum3A_71 = vector.multi_reduction <add>, %mul3A_69, %reduce_sum3A_70 [1] : vector<1024x32xf32> to vector<1024xf32>
    %broadcast_in_dim3A_72 = vector.shape_cast %reduce_sum3A_71 : vector<1024xf32> to vector<1x1024xf32>
    %add3A_73 = vector.broadcast %broadcast_in_dim3A_72 : vector<1x1024xf32> to vector<1024x1024xf32>
    %add3A_74 = arith.addf %sub3A_68, %add3A_73 : vector<1024x1024xf32>
    %iota3A_75 = tpu.iota {dimensions = array<i32: 1>} : vector<1024x1024xi32>
    %argmin3A = tpu.reduce_index %add3A_74 {axis = 1 : i32, kind = #tpu.reduction_kind<arg_min>} : vector<1024x1024xf32> -> vector<1024xi32>
    %broadcast_in_dim3A_76 = vector.shape_cast %argmin3A : vector<1024xi32> to vector<1024x1xi32>
    %eq3A = vector.broadcast %broadcast_in_dim3A_76 : vector<1024x1xi32> to vector<1024x1024xi32>
    %eq3A_77 = arith.cmpi eq, %eq3A, %iota3A_75 : vector<1024x1024xi32>
    %convert_element_type3A_78 = arith.extui %eq3A_77 : vector<1024x1024xi1> to vector<1024x1024xi32>
    %convert_element_type3A_79 = arith.sitofp %convert_element_type3A_78 : vector<1024x1024xi32> to vector<1024x1024xf32>
    %dot_general3A_80 = arith.constant dense<0.000000e+00> : vector<1024x32xf32>
    %dot_general3A_81 = tpu.matmul %convert_element_type3A_79, %get3A_57, %dot_general3A_80 {dimension_numbers = #tpu.dot_dimension_numbers<[1], [0], [0], [1], [0, 0, 1, 1], [], []>, transpose_lhs_hint = false} : vector<1024x1024xf32>, vector<1024x32xf32>, vector<1024x32xf32> -> vector<1024x32xf32>
    %sub3A_82 = arith.subf %dot_general3A_81, %add3A_54 : vector<1024x32xf32>
    %add3A_83 = arith.addf %add3A_54, %sub3A_82 : vector<1024x32xf32>
    %sub3A_84 = arith.subf %dot_general3A_81, %add3A_54 : vector<1024x32xf32>
    %integer_pow3A_85 = arith.mulf %sub3A_84, %sub3A_84 : vector<1024x32xf32>
    %reduce_sum3A_86 = arith.constant dense<0.000000e+00> : vector<1024xf32>
    %reduce_sum3A_87 = vector.multi_reduction <add>, %integer_pow3A_85, %reduce_sum3A_86 [1] : vector<1024x32xf32> to vector<1024xf32>
    %swap3A = arith.constant 0 : index
    %swap3A_88 = arith.constant 0 : index
    %swap3A_89 = vector.load %arg7[%swap3A, %swap3A_88] : memref<1024x32xf32, #tpu.memory_space<vmem>>, vector<1024x32xf32>
    tpu.vector_store %arg7[%swap3A, %swap3A_88], %add3A_83 {strides = array<i32>} : memref<1024x32xf32, #tpu.memory_space<vmem>>, vector<1024x32xf32>,
    %reshape3A = vector.shape_cast %argmin3A : vector<1024xi32> to vector<8x128xi32>
    %swap3A_90 = arith.constant 0 : index
    %swap3A_91 = arith.constant 0 : index
    %swap3A_92 = vector.load %arg8[%swap3A_90, %swap3A_91] : memref<8x128xi32, #tpu.memory_space<vmem>>, vector<8x128xi32>
    tpu.vector_store %arg8[%swap3A_90, %swap3A_91], %reshape3A {strides = array<i32>} : memref<8x128xi32, #tpu.memory_space<vmem>>, vector<8x128xi32>,
    %reshape3A_93 = vector.shape_cast %reduce_sum3A_87 : vector<1024xf32> to vector<8x128xf32>
    %swap3A_94 = arith.constant 0 : index
    %swap3A_95 = arith.constant 0 : index
    %swap3A_96 = vector.load %arg9[%swap3A_94, %swap3A_95] : memref<8x128xf32, #tpu.memory_space<vmem>>, vector<8x128xf32>
    tpu.vector_store %arg9[%swap3A_94, %swap3A_95], %reshape3A_93 {strides = array<i32>} : memref<8x128xf32, #tpu.memory_space<vmem>>, vector<8x128xf32>,
    return
  }
}

</mosaic_0001>

<sc_bundles>
// kernel: kernel.5.cloned.1.call-start
scs
__scs_entry_jumppad:
0x0: {  	(pc) =	sbr.rel $0x88, $3  }
0x1: {  	(tag) =	ssettag $0x0;
	lr =	simm.s32 $0x1  }
0x2: {  	[smem:$0x3F99] =	sst lr;
	_ =	strace $0xD0000000  }
0x3: {  	_ = 	snop  }
0x4: {  	_ = 	snop  }
0x5: {  	_ = 	snop  }
0x6: {  	_ = 	snop  }
0x7: {  	_ = 	snop  }
__scs_overlays_trampoline_lowered:
0x8: {  	[smem:$0x3FA8] =	sst s0  }
0x9: {  	[smem:$0x3FA9] =	sst s1  }
0xa: {  	[smem:$0x3FAA] =	sst s2  }
0xb: {  	[smem:$0x3FAB] =	sst s3  }
0xc: {  	[smem:$0x3FAC] =	sst s4  }
0xd: {  	[smem:$0x3FAD] =	sst s5  }
0xe: {  	[smem:$0x3FAE] =	sst s6  }
0xf: {  	[smem:$0x3FAF] =	sst s7  }
0x10: {  	[smem:$0x3FB0] =	sst s8  }
0x11: {  	[smem:$0x3FB1] =	sst s9;
	s0 =	simm.s32 @!p0 $0x0  }
0x12: {  	s1 =	sld [smem:$0x3F97];
	s0 =	simm.s32 @p0 $0x1  }
0x13: {  	[smem:$0x3FB2] =	sst s0;
	s0 =	simm.s32 @!p1 $0x0  }
0x14: {  	s2 =	sld [smem:$0x3F96];
	s0 =	simm.s32 @p1 $0x1  }
0x15: {  	[smem:$0x3FB3] =	sst s0;
	s0 =	simm.s32 @!p2 $0x0  }
0x16: {  	s3 =	sld [smem:$0x3FDB];
	s0 =	simm.s32 @p2 $0x1  }
0x17: {  	s4 =	simm.s32 $0x1BF5;
	[smem:$0x3FB5] =	sst s0  }
0x18: {  	s0 =	sld [smem:$0x3F98];
	_ =	swait.ge [sflag:s4], $0x0  }
0x19: {  	s7 =	sld [smem:$0x3F99]  }
0x1a: {  	s8 =	sadd.s32 $0xFFFFE003, lr  }
0x1b: {  	s9 =	sadd.s32 $0xFFFFFEF7, lr;
	s5 =	simm.s32 $0xFFFFFFFF;
	p2 =	slt.u32 s8, $0xFFFFF086  }
0x1c: {  	p1 =	slt.u32 s9, $0xF7A;
	s5 =	simm.s32 @!p2 $0x0  }
0x1d: {  	s5 =	simm.s32 @p1 $0x1;
	p0 =	seq.s32 s7, s2  }
0x1e: {  	s7 =	smul.u32 @!p0 $0xF7A, s2;
	p2 =	seq.s32 @!p0 s5, $0x0  }
0x1f: {  	s9 =	smul.u32 $0xF7A, s1;
	s8 =	simm.s32 @!p0 $0x1BF5;
	p2 =	por !p2, p0  }
0x20: {  	[sflag:s8] =	ssyncset.s32 @!p0 $0xFFFFF086;
	s6 =	sadd.s32 @!p0 s3, s7;
	s7 =	simm.s32 @!p0 $0x108  }
0x21: {  	s3 =	sadd.s32 s3, s9;
	s6 =	sadd.s32 @!p0 $0x88, s6;
	s7 =	simm.s32 @p2 $0x1082  }
0x22: {  	[simem:s7], [sflag:s8] =	dma.local @!p0 [hbm:s6], $0xF7A  }
0x23: {  	s9 =	sor.u32 $0xD0000000, s2;
	s6 =	simm.s32 $0x108;
	_ =	swait.ge @!p0 [sflag:s8], $0x0  }
0x24: {  	s3 =	sadd.s32 $0x88, s3;
	s6 =	simm.s32 @!p1 $0x1082;
	[sflag:s4] =	ssyncset.s32 $0xFFFFF086  }
0x25: {  	[simem:s6], [sflag:s4] =	dma.local [hbm:s3], $0xF7A  }
0x26: {  	[smem:$0x3F99] =	sst s1;
	(tag) =	ssettag s2;
	_ =	strace s9  }
0x27: {  	s1 =	sld [smem:$0x3FA9]  }
0x28: {  	s2 =	sld [smem:$0x3FAA]  }
0x29: {  	s4 =	sld [smem:$0x3FAC]  }
0x2a: {  	p0 =	seq.s32 s5, $0x0;
	s5 =	sld [smem:$0x3FAD]  }
0x2b: {  	s6 =	sld [smem:$0x3FAE]  }
0x2c: {  	s7 =	sld [smem:$0x3FAF]  }
0x2d: {  	s3 =	simm.s32 $0x108;
	s8 =	sld [smem:$0x3FB0]  }
0x2e: {  	s3 =	simm.s32 @!p0 $0x1082;
	s9 =	sld [smem:$0x3FB1]  }
0x2f: {  	lr =	sadd.s32 s0, s3;
	s0 =	sld [smem:$0x3FA8]  }
0x30: {  	s3 =	sld [smem:$0x3FAB]  }
0x31: {  	[smem:$0x3FB4] =	sst s10  }
0x32: {  	s10 =	sld [smem:$0x3FB2];
	_ =	sdelay $0x3  }
0x33: {  	p0 =	seq.s32 s10, $0x1;
	s10 =	sld [smem:$0x3FB4];
	_ =	sdelay $0x3  }
0x34: {  	[smem:$0x3FB4] =	sst s10  }
0x35: {  	s10 =	sld [smem:$0x3FB3];
	_ =	sdelay $0x3  }
0x36: {  	p1 =	seq.s32 s10, $0x1;
	s10 =	sld [smem:$0x3FB4];
	_ =	sdelay $0x3  }
0x37: {  	[smem:$0x3FB4] =	sst s10  }
0x38: {  	s10 =	sld [smem:$0x3FB5]  }
0x39: {  	_ = 	snop;
	(pc) =	sbr.ind lr, $3  }
0x3a: {  	_ = 	snop  }
0x3b: {  	_ = 	snop  }
0x3c: {  	p2 =	seq.s32 s10, $0x1;
	s10 =	sld [smem:$0x3FB4]  }
0x3d: {  	_ =	shalt  }
0x3e: {  	_ =	shalt  }
0x3f: {  	_ =	shalt  }
0x40: {  	_ =	shalt  }
0x41: {  	_ =	shalt  }
0x42: {  	_ =	shalt  }
0x43: {  	_ =	shalt  }
0x44: {  	_ =	shalt  }
0x45: {  	_ =	shalt  }
0x46: {  	_ =	shalt  }
0x47: {  	_ =	shalt  }
0x48: {  	_ =	shalt  }
0x49: {  	_ =	shalt  }
0x4a: {  	_ =	shalt  }
0x4b: {  	_ =	shalt  }
0x4c: {  	_ =	shalt  }
0x4d: {  	_ =	shalt  }
0x4e: {  	_ =	shalt  }
0x4f: {  	_ =	shalt  }
0x50: {  	_ =	shalt  }
0x51: {  	_ =	shalt  }
0x52: {  	_ =	shalt  }
0x53: {  	_ =	shalt  }
0x54: {  	_ =	shalt  }
0x55: {  	_ =	shalt  }
0x56: {  	_ =	shalt  }
0x57: {  	_ =	shalt  }
0x58: {  	_ =	shalt  }
0x59: {  	_ =	shalt  }
0x5a: {  	_ =	shalt  }
0x5b: {  	_ =	shalt  }
0x5c: {  	_ =	shalt  }
0x5d: {  	_ =	shalt  }
0x5e: {  	_ =	shalt  }
0x5f: {  	_ =	shalt  }
0x60: {  	_ =	shalt  }
0x61: {  	_ =	shalt  }
0x62: {  	_ =	shalt  }
0x63: {  	_ =	shalt  }
0x64: {  	_ =	shalt  }
0x65: {  	_ =	shalt  }
0x66: {  	_ =	shalt  }
0x67: {  	_ =	shalt  }
0x68: {  	_ =	shalt  }
0x69: {  	_ =	shalt  }
0x6a: {  	_ =	shalt  }
0x6b: {  	_ =	shalt  }
0x6c: {  	_ =	shalt  }
0x6d: {  	_ =	shalt  }
0x6e: {  	_ =	shalt  }
0x6f: {  	_ =	shalt  }
0x70: {  	_ =	shalt  }
0x71: {  	_ =	shalt  }
0x72: {  	_ =	shalt  }
0x73: {  	_ =	shalt  }
0x74: {  	_ =	shalt  }
0x75: {  	_ =	shalt  }
0x76: {  	_ =	shalt  }
0x77: {  	_ =	shalt  }
0x78: {  	_ =	shalt  }
0x79: {  	_ =	shalt  }
0x7a: {  	_ =	shalt  }
0x7b: {  	_ =	shalt  }
0x7c: {  	_ =	shalt  }
0x7d: {  	_ =	shalt  }
0x7e: {  	_ =	shalt  }
0x7f: {  	_ =	shalt  }
0x80: {  	_ =	shalt  }
0x81: {  	_ =	shalt  }
0x82: {  	_ =	shalt  }
0x83: {  	_ =	shalt  }
0x84: {  	_ =	shalt  }
0x85: {  	_ =	shalt  }
0x86: {  	_ =	shalt  }
0x87: {  	_ =	shalt  }
.Lfunc_end0:
.L_simem_size_0:
called_computation_lowered:
.L_overlay_start_0:
0x88: {  	s2 =	sld [smem:$0x3FD9]  }
0x89: {  	s3 =	sld [smem:$0x3FFE];
	_ =	sdelay $0x1  }
0x8a: {  	s1 =	srdreg.scid  }
0x8b: {  	s0 =	sand.u32 $0x1, s1  }
0x8c: {  	s14 =	sshll.u32 s0, $0xA;
	s2 =	sadd.s32 s3, s2  }
0x8d: {  	s2 =	sadd.s32 s2, s14  }
0x8e: {  	[smem:$0x3FC0] =	sst s2  }
0x8f: {  	_ = 	snop  }
0x90: {  	s2 =	sld [smem:$0x3FD0];
	_ =	sdelay $0x2  }
0x91: {  	s4 =	simm.s32 $0xA;
	s5 =	simm.s32 $0x10;
	s15 =	sld [smem:$0x3FC9]  }
0x92: {  	[smem:s5], [sflag:s4] =	dma.local [hbm:s2], $0x1  }
0x93: {  	_ =	swait.eq [sflag:s4], $0x1  }
0x94: {  	[sflag:s4] =	ssyncset.done $0x0  }
0x95: {  	s16 =	sld [smem:$0x10];
	[sflag:s4] =	ssyncadd.s32 $0xFFFFFFFF  }
0x96: {  	s17 =	sld [smem:$0x11];
	(tm) =	ssettm $0x1  }
0x97: {  	s18 =	sld [smem:$0x3FFB];
	_ =	sdelay $0x3  }
0x98: {  	_ =	strace s18  }
0x99: {  	s5 =	sld [smem:$0x3FFC];
	_ =	sdelay $0x3  }
0x9a: {  	_ =	strace s5  }
0x9b: {  	s5 =	sld [smem:$0x3FFD];
	_ =	sdelay $0x3  }
0x9c: {  	_ =	strace s5  }
0x9d: {  	_ =	strace $0x8FFFFFFF  }
0x9e: {  	s19 =	sld [smem:$0x3FDB];
	_ =	sdelay $0x1  }
0x9f: {  	s6 =	simm.s32 $_scs_section_size  }
0xa0: {  	s7 =	simm.s32 $_size__tile_overlayer_lowered;
	s8 =	simm.s32 $_tile_overlayer_lowered  }
0xa1: {  	s22 =	simm.s32 $0x1BFF;
	s21 =	sshll.u32 s8, $0x1;
	s5 =	sadd.s32 s6, s19  }
0xa2: {  	s9 =	simm.s32 $0x0;
	s20 =	sshll.u32 s7, $0x1;
	s7 =	sadd.s32 s21, s5  }
0xa3: {  	[timem:s9], [sflag:s22] =	dma.local [hbm:s7], s20  }
0xa4: {  	_ =	swait.ge [sflag:s22], s20  }
0xa5: {  	s6 =	ssub.s32 $0x0, s20;
	[sflag:s22] =	ssyncset.done $0x0  }
0xa6: {  	[sflag:s22] =	ssyncadd.s32 s6;
	_ =	sdelay $0x1  }
0xa7: {  	s23 =	simm.s32 $0x1B8B  }
0xa8: {  	_ =	swait.ge [sflag:s23], $0x1  }
0xa9: {  	[sflag:s23] =	ssyncset.done $0x0  }
0xaa: {  	s25 =	simm.s32 $0x1B8E;
	s24 =	sld [smem:$0x3FFE];
	[sflag:s23] =	ssyncadd.s32 $0xFFFFFFFF  }
0xab: {  	s26 =	simm.s32 $execute0_lowered;
	[smem:$0x3FD2] =	sst s25  }
0xac: {  	s7 =	sshll.u32 s26, $0x1;
	_ =	strace $0x80000046;
	[dreg:$0x1] =	wrdreg $0xFFFFFFFF  }
0xad: {  	s28 =	simm.s32 $_size_execute0_lowered;
	s5 =	sadd.s32 s5, s7;
	[dreg:$0x0] =	wrdreg $0x0  }
0xae: {  	s7 =	sshll.u32 s28, $0x1;
	[dreg:$0x2] =	wrdreg s5  }
0xaf: {  	[dreg:$0x3] =	wrdreg s7  }
0xb0: {  	[dreg:$0x4] =	wrdreg $0xC0  }
0xb1: {  	_ =	task [dreg:s9], $0x5FFFF  }
0xb2: {  	[dreg:$0x1] =	wrdreg $0xFFFFFFFF  }
0xb3: {  	[dreg:$0x0] =	wrdreg $0x60  }
0xb4: {  	[dreg:$0x2] =	wrdreg s15  }
0xb5: {  	[dreg:$0x3] =	wrdreg s17  }
0xb6: {  	[dreg:$0x4] =	wrdreg s24  }
0xb7: {  	[dreg:$0x5] =	wrdreg s16  }
0xb8: {  	[dreg:$0x6] =	wrdreg $0x8000  }
0xb9: {  	[dreg:$0x7] =	wrdreg $0x10000  }
0xba: {  	[dreg:$0x8] =	wrdreg $0x10400  }
0xbb: {  	[dreg:$0x9] =	wrdreg $0x9  }
0xbc: {  	_ =	task.clear_ibuf [dreg:s9], $0xAFFFF;
	_ =	strace $0x90000046  }
0xbd: {  	s29 =	simm.s32 $0x9;
	_ =	strace $0x80000048  }
0xbe: {  	_ =	swait.ge [sflag:s29], $0x1  }
0xbf: {  	[sflag:s29] =	ssyncadd.s32 $0xFFFFFFFF  }
0xc0: {  	_ =	strace $0x90000048  }
0xc1: {  	_ =	sfence  }
0xc2: {  	s30 =	sld [smem:$0x0];
	_ =	sdelay $0x2  }
0xc3: {  	s31 =	sshll.u32 s1, $0xD;
	s1 =	sshrl.u32 s1, $0x2  }
0xc4: {  	s3 =	sand.u32 $0x4000, s31;
	s1 =	sadd.s32 s1, s30  }
0xc5: {  	s0 =	sor.u32 s3, s0;
	s1 =	sshll.u32 s1, $0x11  }
0xc6: {  	s0 =	sor.u32 s1, s0  }
0xc7: {  	s0 =	sadd.s32 $0x8F2B, s0  }
0xc8: {  	[sflag:s0] =	ssyncadd.remote.s32 $0x1  }
0xc9: {  	_ =	sfence.sel $0xFFFF  }
0xca: {  	[dreg:$0x0] =	wrdreg $0xFFFFFFFF;
	(pc) =	sbr.abs _section_cstart, $3  }
0xcb: {  	[dreg:$0x1] =	wrdreg $0xFFFFFFFF  }
0xcc: {  	_ =	task.clear_ibuf [dreg:s9], $0x2FFFF;
	_ =	strace $0x9FFFFFFF  }
0xcd: {  	(tm) =	ssettm $0x7FFFFFFF  }
tec
execute0_lowered:
.L_overlay_start_1:
0x0: {  	(tag) =	ssettag $0x1  }
0x1: {  	s0 =	rddreg [dreg:$0x0]  }
0x2: {  	s1 =	rddreg [dreg:$0x2]  }
0x3: {  	s6 =	rddreg [dreg:$0x3]  }
0x4: {  	s2 =	rddreg [dreg:$0x4]  }
0x5: {  	s3 =	rddreg [dreg:$0x5]  }
0x6: {  	s4 =	rddreg [dreg:$0x6];
	s7 =	srdreg.scid  }
0x7: {  	s8 =	stileid.u32;
	s5 =	simm.s32 $0x0;
	s7 =	sand.u32 $0x1, s7  }
0x8: {  	s9 =	sshll.u32 s8, $0x1;
	[smem:$0x7FF] =	sst s5;
	s10 =	sadd.s32 $0x1800, s1  }
0x9: {  	s11 =	sadd.s32 $0x1A00, s1;
	_ =	strace $0x80000047;
	[dreg:$0x8] =	wrdreg s10  }
0xa: {  	s13 =	sshll.u32 s8, $0xE;
	s9 =	sor.u32 s7, s9;
	[dreg:$0x9] =	wrdreg s11  }
0xb: {  	s7 =	ssub.s32 $0x2, s7;
	s13 =	sand.u32 $0x38000, s13;
	s26 =	sshll.u32 s9, $0x8  }
0xc: {  	s12 =	sshll.u32 s9, $0x1;
	s9 =	sshll.u32 s9, $0xD;
	s14 =	sshrl.u32 s7, $0x1  }
0xd: {  	s31 =	sadd.s32 s26, s1;
	s9 =	sand.u32 $0x6000, s9;
	s0 =	sadd.s32 s0, s26  }
0xe: {  	s1 =	sadd.s32 s12, s1;
	[dreg:$0xa] =	wrdreg s0;
	s10 =	sadd.s32 $0x1C00, s31  }
0xf: {  	s7 =	ssub.s32 s7, s14;
	s11 =	sadd.s32 $0x3C00, s1;
	[dreg:$0xb] =	wrdreg s10  }
0x10: {  	s9 =	sor.u32 s13, s9;
	s25 =	smax.u32 s7, $0x1;
	[dreg:$0xc] =	wrdreg s11  }
0x11: {  	s6 =	sadd.s32 s6, s9;
	[dreg:$0x1a] =	wrdreg s25  }
0x12: {  	s12 =	sadd.s32 $0x200, s6;
	[dreg:$0x1d] =	wrdreg s6  }
0x13: {  	s13 =	sadd.s32 $0x400, s6;
	[dreg:$0xd] =	wrdreg s12  }
0x14: {  	s14 =	sadd.s32 $0x600, s6;
	[dreg:$0xe] =	wrdreg s13  }
0x15: {  	s15 =	sadd.s32 $0x800, s6;
	[dreg:$0xf] =	wrdreg s14  }
0x16: {  	s16 =	sadd.s32 $0xA00, s6;
	[dreg:$0x10] =	wrdreg s15  }
0x17: {  	s17 =	sadd.s32 $0xC00, s6;
	[dreg:$0x11] =	wrdreg s16  }
0x18: {  	s18 =	sadd.s32 $0xE00, s6;
	[dreg:$0x12] =	wrdreg s17  }
0x19: {  	s19 =	sadd.s32 $0x1000, s6;
	[dreg:$0x13] =	wrdreg s18  }
0x1a: {  	s20 =	sadd.s32 $0x1200, s6;
	[dreg:$0x14] =	wrdreg s19  }
0x1b: {  	s21 =	sadd.s32 $0x1400, s6;
	[dreg:$0x15] =	wrdreg s20  }
0x1c: {  	s29 =	simm.s32 $0x1;
	s22 =	sadd.s32 $0x1600, s6;
	[dreg:$0x16] =	wrdreg s21  }
0x1d: {  	s30 =	simm.s32 $0x80;
	s23 =	sadd.s32 $0x1800, s6;
	[dreg:$0x17] =	wrdreg s22  }
0x1e: {  	s28 =	simm.s32 $0x0;
	s24 =	sadd.s32 $0x1A00, s6;
	[dreg:$0x18] =	wrdreg s23  }
0x1f: {  	p0 =	sne.s32 s8, $0x0;
	s26 =	sadd.s32 $0x1C00, s6;
	[dreg:$0x19] =	wrdreg s24  }
0x20: {  	s25 =	simm.s32 $0x780;
	s31 =	sadd.s32 $0x1E00, s6;
	[dreg:$0x1b] =	wrdreg s26  }
0x21: {  	[dreg:$0x1c] =	wrdreg s31;
	s24 =	simm.s32 $0x2;
	s26 =	simm.s32 $0x3  }
0x22: {  	s13 =	simm.s32 $0x480;
	s14 =	simm.s32 $0x500;
	s15 =	simm.s32 $0x580  }
0x23: {  	s16 =	simm.s32 $0x600;
	s17 =	simm.s32 $0x680;
	s18 =	simm.s32 $0x700  }
.LBB2_1:
0x24: {  	s19 =	rddreg [dreg:$0xa]  }
0x25: {  	[tilespmem:s5], [sflag:$0x1] =	stream.linear.gather [hbm4b:s19+s5], $0x800, $0x38;
	[tilespmem:$0x12090] =	vst v63  }
0x26: {  	s20 =	simm.s32 @!p0 $0x1C02;
	s21 =	rddreg [dreg:$0x1];
	s19 =	sshrl.u32 @!p0 s2, $0x3  }
0x27: {  	[spmem:s19], [sflag:s20] =	dma.local @!p0 [hbm:s21], $0x1000  }
0x28: {  	s19 =	sshrl.u32 @!p0 s3, $0x3;
	s21 =	rddreg [dreg:$0x8]  }
0x29: {  	[spmem:s19], [sflag:s20] =	dma.local @!p0 [hbm:s21], $0x80  }
0x2a: {  	s19 =	sshrl.u32 @!p0 s4, $0x3;
	s21 =	rddreg [dreg:$0x9]  }
0x2b: {  	[spmem:s19], [sflag:s20] =	dma.local @!p0 [hbm:s21], $0x80  }
0x2c: {  	s19 =	simm.s32 @!p0 $0x2  }
0x2d: {  	_ =	swait.ge @!p0 [sflag:s19], $0x1000  }
0x2e: {  	[sflag:s19] =	ssyncset.done @!p0 $0x0  }
0x2f: {  	[sflag:s19] =	ssyncadd.s32 @!p0 $0xFFFFF000  }
0x30: {  	_ =	swait.ge @!p0 [sflag:s19], $0x80  }
0x31: {  	[sflag:s19] =	ssyncset.done @!p0 $0x0  }
0x32: {  	[sflag:s19] =	ssyncadd.s32 @!p0 $0xFFFFFF80  }
0x33: {  	_ =	swait.ge @!p0 [sflag:s19], $0x80  }
0x34: {  	[sflag:s19] =	ssyncset.done @!p0 $0x0  }
0x35: {  	[sflag:s19] =	ssyncadd.s32 @!p0 $0xFFFFFF80  }
0x36: {  	_ =	swait.ge [sflag:s29], $0x800  }
0x37: {  	[sflag:s29] =	ssyncset.done $0x0  }
0x38: {  	[sflag:s29] =	ssyncadd.s32 $0xFFFFF800  }
0x39: {  	s20 =	simm.s32 $0x11080;
	[bflag:$0x0] =	sbarrier.arrive $0xFFFF  }
0x3a: {  	[tilespmem:s20], [sflag:$0x2] =	stream.indirect.gather [spmem:s3], $0x1, s5, s30, $0xb8;
	[tilespmem:$0x12090] =	vst v63  }
0x3b: {  	s12 =	simm.s32 $0x11880  }
0x3c: {  	[tilespmem:s12], [sflag:$0x2] =	stream.indirect.gather [spmem:s4], $0x1, s5, s30, $0xb8;
	[tilespmem:$0x12090] =	vst v63  }
0x3d: {  	s1 =	simm.s32 $0x11100  }
0x3e: {  	[tilespmem:s1], [sflag:$0x2] =	stream.indirect.gather [spmem:s3], $0x1, s30, s30, $0xb8;
	[tilespmem:$0x12090] =	vst v63  }
0x3f: {  	s6 =	simm.s32 $0x11900  }
0x40: {  	[tilespmem:s6], [sflag:$0x2] =	stream.indirect.gather [spmem:s4], $0x1, s30, s30, $0xb8;
	[tilespmem:$0x12090] =	vst v63  }
0x41: {  	s7 =	simm.s32 $0x11180;
	s1 =	simm.s32 $0x100  }
0x42: {  	[tilespmem:s7], [sflag:$0x2] =	stream.indirect.gather [spmem:s3], $0x1, s1, s30, $0xb8;
	[tilespmem:$0x12090] =	vst v63  }
0x43: {  	s8 =	simm.s32 $0x11980  }
0x44: {  	[tilespmem:s8], [sflag:$0x2] =	stream.indirect.gather [spmem:s4], $0x1, s1, s30, $0xb8;
	[tilespmem:$0x12090] =	vst v63  }
0x45: {  	s9 =	simm.s32 $0x11200;
	s6 =	simm.s32 $0x180  }
0x46: {  	[tilespmem:s9], [sflag:$0x2] =	stream.indirect.gather [spmem:s3], $0x1, s6, s30, $0xb8;
	[tilespmem:$0x12090] =	vst v63  }
0x47: {  	s11 =	simm.s32 $0x11A00  }
0x48: {  	[tilespmem:s11], [sflag:$0x2] =	stream.indirect.gather [spmem:s4], $0x1, s6, s30, $0xb8;
	[tilespmem:$0x12090] =	vst v63  }
0x49: {  	s12 =	simm.s32 $0x11280;
	s7 =	simm.s32 $0x200  }
0x4a: {  	[tilespmem:s12], [sflag:$0x2] =	stream.indirect.gather [spmem:s3], $0x1, s7, s30, $0xb8;
	[tilespmem:$0x12090] =	vst v63  }
0x4b: {  	s8 =	simm.s32 $0x11A80  }
0x4c: {  	[tilespmem:s8], [sflag:$0x2] =	stream.indirect.gather [spmem:s4], $0x1, s7, s30, $0xb8;
	[tilespmem:$0x12090] =	vst v63  }
0x4d: {  	s9 =	simm.s32 $0x11300;
	s8 =	simm.s32 $0x280  }
0x4e: {  	[tilespmem:s9], [sflag:$0x2] =	stream.indirect.gather [spmem:s3], $0x1, s8, s30, $0xb8;
	[tilespmem:$0x12090] =	vst v63  }
0x4f: {  	s11 =	simm.s32 $0x11B00  }
0x50: {  	[tilespmem:s11], [sflag:$0x2] =	stream.indirect.gather [spmem:s4], $0x1, s8, s30, $0xb8;
	[tilespmem:$0x12090] =	vst v63  }
0x51: {  	s12 =	simm.s32 $0x11380;
	s9 =	simm.s32 $0x300  }
0x52: {  	[tilespmem:s12], [sflag:$0x2] =	stream.indirect.gather [spmem:s3], $0x1, s9, s30, $0xb8;
	[tilespmem:$0x12090] =	vst v63  }
0x53: {  	s11 =	simm.s32 $0x11B80  }
0x54: {  	[tilespmem:s11], [sflag:$0x2] =	stream.indirect.gather [spmem:s4], $0x1, s9, s30, $0xb8;
	[tilespmem:$0x12090] =	vst v63  }
0x55: {  	s12 =	simm.s32 $0x11400;
	s11 =	simm.s32 $0x380  }
0x56: {  	[tilespmem:s12], [sflag:$0x2] =	stream.indirect.gather [spmem:s3], $0x1, s11, s30, $0xb8;
	[tilespmem:$0x12090] =	vst v63  }
0x57: {  	s12 =	simm.s32 $0x11C00  }
0x58: {  	[tilespmem:s12], [sflag:$0x2] =	stream.indirect.gather [spmem:s4], $0x1, s11, s30, $0xb8;
	[tilespmem:$0x12090] =	vst v63  }
0x59: {  	s19 =	simm.s32 $0x11480;
	s12 =	simm.s32 $0x400  }
0x5a: {  	[tilespmem:s19], [sflag:$0x2] =	stream.indirect.gather [spmem:s3], $0x1, s12, s30, $0xb8;
	[tilespmem:$0x12090] =	vst v63  }
0x5b: {  	s19 =	simm.s32 $0x11C80  }
0x5c: {  	[tilespmem:s19], [sflag:$0x2] =	stream.indirect.gather [spmem:s4], $0x1, s12, s30, $0xb8;
	[tilespmem:$0x12090] =	vst v63  }
0x5d: {  	s19 =	simm.s32 $0x11500  }
0x5e: {  	[tilespmem:s19], [sflag:$0x2] =	stream.indirect.gather [spmem:s3], $0x1, s13, s30, $0xb8;
	[tilespmem:$0x12090] =	vst v63  }
0x5f: {  	s19 =	simm.s32 $0x11D00  }
0x60: {  	[tilespmem:s19], [sflag:$0x2] =	stream.indirect.gather [spmem:s4], $0x1, s13, s30, $0xb8;
	[tilespmem:$0x12090] =	vst v63  }
0x61: {  	s19 =	simm.s32 $0x11580  }
0x62: {  	[tilespmem:s19], [sflag:$0x2] =	stream.indirect.gather [spmem:s3], $0x1, s14, s30, $0xb8;
	[tilespmem:$0x12090] =	vst v63  }
0x63: {  	s19 =	simm.s32 $0x11D80  }
0x64: {  	[tilespmem:s19], [sflag:$0x2] =	stream.indirect.gather [spmem:s4], $0x1, s14, s30, $0xb8;
	[tilespmem:$0x12090] =	vst v63  }
0x65: {  	s19 =	simm.s32 $0x11600  }
0x66: {  	[tilespmem:s19], [sflag:$0x2] =	stream.indirect.gather [spmem:s3], $0x1, s15, s30, $0xb8;
	[tilespmem:$0x12090] =	vst v63  }
0x67: {  	s19 =	simm.s32 $0x11E00  }
0x68: {  	[tilespmem:s19], [sflag:$0x2] =	stream.indirect.gather [spmem:s4], $0x1, s15, s30, $0xb8;
	[tilespmem:$0x12090] =	vst v63  }
0x69: {  	s19 =	simm.s32 $0x11680  }
0x6a: {  	[tilespmem:s19], [sflag:$0x2] =	stream.indirect.gather [spmem:s3], $0x1, s16, s30, $0xb8;
	[tilespmem:$0x12090] =	vst v63  }
0x6b: {  	s19 =	simm.s32 $0x11E80  }
0x6c: {  	[tilespmem:s19], [sflag:$0x2] =	stream.indirect.gather [spmem:s4], $0x1, s16, s30, $0xb8;
	[tilespmem:$0x12090] =	vst v63  }
0x6d: {  	s19 =	simm.s32 $0x11700  }
0x6e: {  	[tilespmem:s19], [sflag:$0x2] =	stream.indirect.gather [spmem:s3], $0x1, s17, s30, $0xb8;
	[tilespmem:$0x12090] =	vst v63  }
0x6f: {  	s19 =	simm.s32 $0x11F00  }
0x70: {  	[tilespmem:s19], [sflag:$0x2] =	stream.indirect.gather [spmem:s4], $0x1, s17, s30, $0xb8;
	[tilespmem:$0x12090] =	vst v63  }
0x71: {  	s19 =	simm.s32 $0x11780  }
0x72: {  	[tilespmem:s19], [sflag:$0x2] =	stream.indirect.gather [spmem:s3], $0x1, s18, s30, $0xb8;
	[tilespmem:$0x12090] =	vst v63  }
0x73: {  	s19 =	simm.s32 $0x11F80  }
0x74: {  	[tilespmem:s19], [sflag:$0x2] =	stream.indirect.gather [spmem:s4], $0x1, s18, s30, $0xb8;
	[tilespmem:$0x12090] =	vst v63  }
0x75: {  	s19 =	simm.s32 $0x11800  }
0x76: {  	[tilespmem:s19], [sflag:$0x2] =	stream.indirect.gather [spmem:s3], $0x1, s25, s30, $0xb8;
	[tilespmem:$0x12090] =	vst v63  }
0x77: {  	s19 =	simm.s32 $0x12000  }
0x78: {  	[tilespmem:s19], [sflag:$0x2] =	stream.indirect.gather [spmem:s4], $0x1, s25, s30, $0xb8;
	[tilespmem:$0x12090] =	vst v63  }
0x79: {  	s21 =	simm.s32 $0x1080  }
0x7a: {  	[tilespmem:s21], [sflag:$0x1] =	stream.indirect.gather [spmem:s2], $0x20, s5, s30, $0xb8;
	[tilespmem:$0x12090] =	vst v63  }
0x7b: {  	s22 =	simm.s32 $0x2080  }
0x7c: {  	[tilespmem:s22], [sflag:$0x1] =	stream.indirect.gather [spmem:s2], $0x20, s30, s30, $0xb8;
	[tilespmem:$0x12090] =	vst v63  }
0x7d: {  	s22 =	simm.s32 $0x3080  }
0x7e: {  	[tilespmem:s22], [sflag:$0x1] =	stream.indirect.gather [spmem:s2], $0x20, s1, s30, $0xb8;
	[tilespmem:$0x12090] =	vst v63  }
0x7f: {  	s23 =	simm.s32 $0x4080  }
0x80: {  	[tilespmem:s23], [sflag:$0x1] =	stream.indirect.gather [spmem:s2], $0x20, s6, s30, $0xb8;
	[tilespmem:$0x12090] =	vst v63  }
0x81: {  	s23 =	simm.s32 $0x5080  }
0x82: {  	[tilespmem:s23], [sflag:$0x1] =	stream.indirect.gather [spmem:s2], $0x20, s7, s30, $0xb8;
	[tilespmem:$0x12090] =	vst v63  }
0x83: {  	s31 =	simm.s32 $0x6080  }
0x84: {  	[tilespmem:s31], [sflag:$0x1] =	stream.indirect.gather [spmem:s2], $0x20, s8, s30, $0xb8;
	[tilespmem:$0x12090] =	vst v63  }
0x85: {  	s31 =	simm.s32 $0x7080  }
0x86: {  	[tilespmem:s31], [sflag:$0x1] =	stream.indirect.gather [spmem:s2], $0x20, s9, s30, $0xb8;
	[tilespmem:$0x12090] =	vst v63  }
0x87: {  	s10 =	simm.s32 $0x8080  }
0x88: {  	[tilespmem:s10], [sflag:$0x1] =	stream.indirect.gather [spmem:s2], $0x20, s11, s30, $0xb8;
	[tilespmem:$0x12090] =	vst v63  }
0x89: {  	s0 =	simm.s32 $0x9080  }
0x8a: {  	[tilespmem:s0], [sflag:$0x1] =	stream.indirect.gather [spmem:s2], $0x20, s12, s30, $0xb8;
	[tilespmem:$0x12090] =	vst v63  }
0x8b: {  	s1 =	simm.s32 $0xA080  }
0x8c: {  	[tilespmem:s1], [sflag:$0x1] =	stream.indirect.gather [spmem:s2], $0x20, s13, s30, $0xb8;
	[tilespmem:$0x12090] =	vst v63  }
0x8d: {  	s6 =	simm.s32 $0xB080  }
0x8e: {  	[tilespmem:s6], [sflag:$0x1] =	stream.indirect.gather [spmem:s2], $0x20, s14, s30, $0xb8;
	[tilespmem:$0x12090] =	vst v63  }
0x8f: {  	s7 =	simm.s32 $0xC080  }
0x90: {  	[tilespmem:s7], [sflag:$0x1] =	stream.indirect.gather [spmem:s2], $0x20, s15, s30, $0xb8;
	[tilespmem:$0x12090] =	vst v63  }
0x91: {  	s8 =	simm.s32 $0xD080  }
0x92: {  	[tilespmem:s8], [sflag:$0x1] =	stream.indirect.gather [spmem:s2], $0x20, s16, s30, $0xb8;
	[tilespmem:$0x12090] =	vst v63  }
0x93: {  	s9 =	simm.s32 $0xE080  }
0x94: {  	[tilespmem:s9], [sflag:$0x1] =	stream.indirect.gather [spmem:s2], $0x20, s17, s30, $0xb8;
	[tilespmem:$0x12090] =	vst v63  }
0x95: {  	s11 =	simm.s32 $0xF080  }
0x96: {  	[tilespmem:s11], [sflag:$0x1] =	stream.indirect.gather [spmem:s2], $0x20, s18, s30, $0xb8;
	[tilespmem:$0x12090] =	vst v63  }
0x97: {  	s12 =	simm.s32 $0x10080  }
0x98: {  	[tilespmem:s12], [sflag:$0x1] =	stream.indirect.gather [spmem:s2], $0x20, s25, s30, $0xb8;
	[tilespmem:$0x12090] =	vst v63  }
0x99: {  	_ =	swait.ge [sflag:s24], $0x80  }
0x9a: {  	[sflag:s24] =	ssyncset.done $0x0  }
0x9b: {  	[sflag:s24] =	ssyncadd.s32 $0xFFFFFF80  }
0x9c: {  	_ =	swait.ge [sflag:s24], $0x80  }
0x9d: {  	[sflag:s24] =	ssyncset.done $0x0  }
0x9e: {  	[sflag:s24] =	ssyncadd.s32 $0xFFFFFF80  }
0x9f: {  	_ =	swait.ge [sflag:s24], $0x80  }
0xa0: {  	[sflag:s24] =	ssyncset.done $0x0  }
0xa1: {  	[sflag:s24] =	ssyncadd.s32 $0xFFFFFF80  }
0xa2: {  	_ =	swait.ge [sflag:s24], $0x80  }
0xa3: {  	[sflag:s24] =	ssyncset.done $0x0  }
0xa4: {  	[sflag:s24] =	ssyncadd.s32 $0xFFFFFF80  }
0xa5: {  	_ =	swait.ge [sflag:s24], $0x80  }
0xa6: {  	[sflag:s24] =	ssyncset.done $0x0  }
0xa7: {  	[sflag:s24] =	ssyncadd.s32 $0xFFFFFF80  }
0xa8: {  	_ =	swait.ge [sflag:s24], $0x80  }
0xa9: {  	[sflag:s24] =	ssyncset.done $0x0  }
0xaa: {  	[sflag:s24] =	ssyncadd.s32 $0xFFFFFF80  }
0xab: {  	_ =	swait.ge [sflag:s24], $0x80  }
0xac: {  	[sflag:s24] =	ssyncset.done $0x0  }
0xad: {  	[sflag:s24] =	ssyncadd.s32 $0xFFFFFF80  }
0xae: {  	_ =	swait.ge [sflag:s24], $0x80  }
0xaf: {  	[sflag:s24] =	ssyncset.done $0x0  }
0xb0: {  	[sflag:s24] =	ssyncadd.s32 $0xFFFFFF80  }
0xb1: {  	_ =	swait.ge [sflag:s24], $0x80  }
0xb2: {  	[sflag:s24] =	ssyncset.done $0x0  }
0xb3: {  	[sflag:s24] =	ssyncadd.s32 $0xFFFFFF80  }
0xb4: {  	_ =	swait.ge [sflag:s24], $0x80  }
0xb5: {  	[sflag:s24] =	ssyncset.done $0x0  }
0xb6: {  	[sflag:s24] =	ssyncadd.s32 $0xFFFFFF80  }
0xb7: {  	_ =	swait.ge [sflag:s24], $0x80  }
0xb8: {  	[sflag:s24] =	ssyncset.done $0x0  }
0xb9: {  	[sflag:s24] =	ssyncadd.s32 $0xFFFFFF80  }
0xba: {  	_ =	swait.ge [sflag:s24], $0x80  }
0xbb: {  	[sflag:s24] =	ssyncset.done $0x0  }
0xbc: {  	[sflag:s24] =	ssyncadd.s32 $0xFFFFFF80  }
0xbd: {  	_ =	swait.ge [sflag:s24], $0x80  }
0xbe: {  	[sflag:s24] =	ssyncset.done $0x0  }
0xbf: {  	[sflag:s24] =	ssyncadd.s32 $0xFFFFFF80  }
0xc0: {  	_ =	swait.ge [sflag:s24], $0x80  }
0xc1: {  	[sflag:s24] =	ssyncset.done $0x0  }
0xc2: {  	[sflag:s24] =	ssyncadd.s32 $0xFFFFFF80  }
0xc3: {  	_ =	swait.ge [sflag:s24], $0x80  }
0xc4: {  	[sflag:s24] =	ssyncset.done $0x0  }
0xc5: {  	[sflag:s24] =	ssyncadd.s32 $0xFFFFFF80  }
0xc6: {  	_ =	swait.ge [sflag:s24], $0x80  }
0xc7: {  	[sflag:s24] =	ssyncset.done $0x0  }
0xc8: {  	[sflag:s24] =	ssyncadd.s32 $0xFFFFFF80  }
0xc9: {  	_ =	swait.ge [sflag:s24], $0x80  }
0xca: {  	[sflag:s24] =	ssyncset.done $0x0  }
0xcb: {  	[sflag:s24] =	ssyncadd.s32 $0xFFFFFF80  }
0xcc: {  	_ =	swait.ge [sflag:s24], $0x80  }
0xcd: {  	[sflag:s24] =	ssyncset.done $0x0  }
0xce: {  	[sflag:s24] =	ssyncadd.s32 $0xFFFFFF80  }
0xcf: {  	_ =	swait.ge [sflag:s24], $0x80  }
0xd0: {  	[sflag:s24] =	ssyncset.done $0x0  }
0xd1: {  	[sflag:s24] =	ssyncadd.s32 $0xFFFFFF80  }
0xd2: {  	_ =	swait.ge [sflag:s24], $0x80  }
0xd3: {  	[sflag:s24] =	ssyncset.done $0x0  }
0xd4: {  	[sflag:s24] =	ssyncadd.s32 $0xFFFFFF80  }
0xd5: {  	_ =	swait.ge [sflag:s24], $0x80  }
0xd6: {  	[sflag:s24] =	ssyncset.done $0x0  }
0xd7: {  	[sflag:s24] =	ssyncadd.s32 $0xFFFFFF80  }
0xd8: {  	_ =	swait.ge [sflag:s24], $0x80  }
0xd9: {  	[sflag:s24] =	ssyncset.done $0x0  }
0xda: {  	[sflag:s24] =	ssyncadd.s32 $0xFFFFFF80  }
0xdb: {  	_ =	swait.ge [sflag:s24], $0x80  }
0xdc: {  	[sflag:s24] =	ssyncset.done $0x0  }
0xdd: {  	[sflag:s24] =	ssyncadd.s32 $0xFFFFFF80  }
0xde: {  	_ =	swait.ge [sflag:s24], $0x80  }
0xdf: {  	[sflag:s24] =	ssyncset.done $0x0  }
0xe0: {  	[sflag:s24] =	ssyncadd.s32 $0xFFFFFF80  }
0xe1: {  	_ =	swait.ge [sflag:s24], $0x80  }
0xe2: {  	[sflag:s24] =	ssyncset.done $0x0  }
0xe3: {  	[sflag:s24] =	ssyncadd.s32 $0xFFFFFF80  }
0xe4: {  	_ =	swait.ge [sflag:s24], $0x80  }
0xe5: {  	[sflag:s24] =	ssyncset.done $0x0  }
0xe6: {  	[sflag:s24] =	ssyncadd.s32 $0xFFFFFF80  }
0xe7: {  	_ =	swait.ge [sflag:s24], $0x80  }
0xe8: {  	[sflag:s24] =	ssyncset.done $0x0  }
0xe9: {  	[sflag:s24] =	ssyncadd.s32 $0xFFFFFF80  }
0xea: {  	_ =	swait.ge [sflag:s24], $0x80  }
0xeb: {  	[sflag:s24] =	ssyncset.done $0x0  }
0xec: {  	[sflag:s24] =	ssyncadd.s32 $0xFFFFFF80  }
0xed: {  	_ =	swait.ge [sflag:s24], $0x80  }
0xee: {  	[sflag:s24] =	ssyncset.done $0x0  }
0xef: {  	[sflag:s24] =	ssyncadd.s32 $0xFFFFFF80  }
0xf0: {  	_ =	swait.ge [sflag:s24], $0x80  }
0xf1: {  	[sflag:s24] =	ssyncset.done $0x0  }
0xf2: {  	[sflag:s24] =	ssyncadd.s32 $0xFFFFFF80  }
0xf3: {  	_ =	swait.ge [sflag:s24], $0x80  }
0xf4: {  	[sflag:s24] =	ssyncset.done $0x0  }
0xf5: {  	[sflag:s24] =	ssyncadd.s32 $0xFFFFFF80  }
0xf6: {  	_ =	swait.ge [sflag:s24], $0x80  }
0xf7: {  	[sflag:s24] =	ssyncset.done $0x0  }
0xf8: {  	s10 =	rddreg [dreg:$0xb];
	[sflag:s24] =	ssyncadd.s32 $0xFFFFFF80  }
0xf9: {  	[hbm4b:s10+s5] =	stream.linear.scatter [tilespmem:s20], [sflag:$0x2], $0x800, $0x38;
	[tilespmem:$0x12090] =	vst v63  }
0xfa: {  	s20 =	simm.s32 $0x0  }
0xfb: {  	v1 =	vld [tilespmem:s20+$0x118B0]  }
0xfc: {  	v2 =	vld [tilespmem:s20+$0x11880]  }
0xfd: {  	v0 =	vimm.f32 $0.0e+00;
	v3 =	vld [tilespmem:s20+$0x11890]  }
0xfe: {  	v5 =	vimm.f32 $0.0e+00;
	v6 =	vimm.f32 $0.0e+00;
	v7 =	vimm.f32 $0.0e+00;
	s19 =	simm.s32 $0x100;
	v4 =	vld [tilespmem:s20+$0x118A0]  }
.LBB2_2:
0xff: {  	p1 =	sne.s32 s19, $0x1F00  }
.Ltmp0:
0x100: {  	s20 =	sshra.s32 s19, $0x2;
	s19 =	sadd.s32 $0x100, s19;
	v0 =	vadd.f32 v1, v0;
	(pc) =	sbr.rel @p1 .LBB2_2-.Ltmp0, $4  }
0x101: {  	v1 =	vld [tilespmem:s20+$0x118B0];
	v5 =	vadd.f32 v2, v5  }
0x102: {  	v2 =	vld [tilespmem:s20+$0x11880];
	v6 =	vadd.f32 v3, v6  }
0x103: {  	v3 =	vld [tilespmem:s20+$0x11890];
	v7 =	vadd.f32 v4, v7  }
0x104: {  	v4 =	vld [tilespmem:s20+$0x118A0]  }
0x105: {  	_ =	sdelay $0x2  }
0x106: {  	v0 =	vadd.f32 v1, v0;
	v61 =	vadd.f32 v2, v5  }
0x107: {  	v62 =	vadd.f32 v3, v6;
	v63 =	vadd.f32 v4, v7;
	_ =	sdelay $0x1  }
0x108: {  	v1 =	vadd.f32 v62, v61;
	v0 =	vadd.f32 v0, v63;
	_ =	sdelay $0x1  }
0x109: {  	v0 =	vadd.f32 v0, v1;
	_ =	sdelay $0x1  }
0x10a: {  	s19 =	rddreg [dreg:$0xc];
	s0 =	simm.s32 $0x12080;
	s20 =	simm.s32 $0x4;
	[tilespmem:$0x12080] =	vst v0  }
0x10b: {  	[hbm4b:s19+s5] =	stream.linear.scatter [tilespmem:s0], [sflag:$0x4], $0x10, $0x38;
	[tilespmem:$0x12090] =	vst v63  }
0x10c: {  	_ =	swait.ge [sflag:s20], $0x10  }
0x10d: {  	[sflag:s20] =	ssyncset.done $0x0  }
0x10e: {  	[sflag:s20] =	ssyncadd.s32 $0xFFFFFFF0  }
0x10f: {  	_ =	swait.ge [sflag:s29], $0x1000  }
0x110: {  	[sflag:s29] =	ssyncset.done $0x0  }
0x111: {  	s10 =	rddreg [dreg:$0x1d];
	[sflag:s29] =	ssyncadd.s32 $0xFFFFF000  }
0x112: {  	[hbm4b:s10+s5] =	stream.linear.scatter [tilespmem:s21], [sflag:$0x3], $0x1000, $0x38;
	[tilespmem:$0x12090] =	vst v63  }
0x113: {  	_ =	swait.ge [sflag:s29], $0x1000  }
0x114: {  	[sflag:s29] =	ssyncset.done $0x0  }
0x115: {  	s20 =	simm.s32 $0x2080;
	s0 =	rddreg [dreg:$0xd];
	[sflag:s29] =	ssyncadd.s32 $0xFFFFF000  }
0x116: {  	[hbm4b:s0+s5] =	stream.linear.scatter [tilespmem:s20], [sflag:$0x3], $0x1000, $0x38;
	[tilespmem:$0x12090] =	vst v63  }
0x117: {  	_ =	swait.ge [sflag:s29], $0x1000  }
0x118: {  	[sflag:s29] =	ssyncset.done $0x0  }
0x119: {  	s10 =	rddreg [dreg:$0xe];
	[sflag:s29] =	ssyncadd.s32 $0xFFFFF000  }
0x11a: {  	[hbm4b:s10+s5] =	stream.linear.scatter [tilespmem:s22], [sflag:$0x3], $0x1000, $0x38;
	[tilespmem:$0x12090] =	vst v63  }
0x11b: {  	_ =	swait.ge [sflag:s29], $0x1000  }
0x11c: {  	[sflag:s29] =	ssyncset.done $0x0  }
0x11d: {  	s21 =	simm.s32 $0x4080;
	s20 =	rddreg [dreg:$0xf];
	[sflag:s29] =	ssyncadd.s32 $0xFFFFF000  }
0x11e: {  	[hbm4b:s20+s5] =	stream.linear.scatter [tilespmem:s21], [sflag:$0x3], $0x1000, $0x38;
	[tilespmem:$0x12090] =	vst v63  }
0x11f: {  	_ =	swait.ge [sflag:s29], $0x1000  }
0x120: {  	[sflag:s29] =	ssyncset.done $0x0  }
0x121: {  	s22 =	rddreg [dreg:$0x10];
	[sflag:s29] =	ssyncadd.s32 $0xFFFFF000  }
0x122: {  	[hbm4b:s22+s5] =	stream.linear.scatter [tilespmem:s23], [sflag:$0x3], $0x1000, $0x38;
	[tilespmem:$0x12090] =	vst v63  }
0x123: {  	_ =	swait.ge [sflag:s29], $0x1000  }
0x124: {  	[sflag:s29] =	ssyncset.done $0x0  }
0x125: {  	s10 =	simm.s32 $0x6080;
	s0 =	rddreg [dreg:$0x11];
	[sflag:s29] =	ssyncadd.s32 $0xFFFFF000  }
0x126: {  	[hbm4b:s0+s5] =	stream.linear.scatter [tilespmem:s10], [sflag:$0x3], $0x1000, $0x38;
	[tilespmem:$0x12090] =	vst v63  }
0x127: {  	_ =	swait.ge [sflag:s29], $0x1000  }
0x128: {  	[sflag:s29] =	ssyncset.done $0x0  }
0x129: {  	s20 =	rddreg [dreg:$0x12];
	[sflag:s29] =	ssyncadd.s32 $0xFFFFF000  }
0x12a: {  	[hbm4b:s20+s5] =	stream.linear.scatter [tilespmem:s31], [sflag:$0x3], $0x1000, $0x38;
	[tilespmem:$0x12090] =	vst v63  }
0x12b: {  	_ =	swait.ge [sflag:s29], $0x1000  }
0x12c: {  	[sflag:s29] =	ssyncset.done $0x0  }
0x12d: {  	s22 =	simm.s32 $0x8080;
	s21 =	rddreg [dreg:$0x13];
	[sflag:s29] =	ssyncadd.s32 $0xFFFFF000  }
0x12e: {  	[hbm4b:s21+s5] =	stream.linear.scatter [tilespmem:s22], [sflag:$0x3], $0x1000, $0x38;
	[tilespmem:$0x12090] =	vst v63  }
0x12f: {  	_ =	swait.ge [sflag:s29], $0x1000  }
0x130: {  	[sflag:s29] =	ssyncset.done $0x0  }
0x131: {  	s31 =	simm.s32 $0x9080;
	s23 =	rddreg [dreg:$0x14];
	[sflag:s29] =	ssyncadd.s32 $0xFFFFF000  }
0x132: {  	[hbm4b:s23+s5] =	stream.linear.scatter [tilespmem:s31], [sflag:$0x3], $0x1000, $0x38;
	[tilespmem:$0x12090] =	vst v63  }
0x133: {  	_ =	swait.ge [sflag:s29], $0x1000  }
0x134: {  	[sflag:s29] =	ssyncset.done $0x0  }
0x135: {  	s0 =	rddreg [dreg:$0x15];
	[sflag:s29] =	ssyncadd.s32 $0xFFFFF000  }
0x136: {  	[hbm4b:s0+s5] =	stream.linear.scatter [tilespmem:s1], [sflag:$0x3], $0x1000, $0x38;
	[tilespmem:$0x12090] =	vst v63  }
0x137: {  	_ =	swait.ge [sflag:s29], $0x1000  }
0x138: {  	[sflag:s29] =	ssyncset.done $0x0  }
0x139: {  	s1 =	rddreg [dreg:$0x16];
	[sflag:s29] =	ssyncadd.s32 $0xFFFFF000  }
0x13a: {  	[hbm4b:s1+s5] =	stream.linear.scatter [tilespmem:s6], [sflag:$0x3], $0x1000, $0x38;
	[tilespmem:$0x12090] =	vst v63  }
0x13b: {  	_ =	swait.ge [sflag:s29], $0x1000  }
0x13c: {  	[sflag:s29] =	ssyncset.done $0x0  }
0x13d: {  	s10 =	rddreg [dreg:$0x17];
	[sflag:s29] =	ssyncadd.s32 $0xFFFFF000  }
0x13e: {  	[hbm4b:s10+s5] =	stream.linear.scatter [tilespmem:s7], [sflag:$0x3], $0x1000, $0x38;
	[tilespmem:$0x12090] =	vst v63  }
0x13f: {  	_ =	swait.ge [sflag:s29], $0x1000  }
0x140: {  	[sflag:s29] =	ssyncset.done $0x0  }
0x141: {  	s20 =	rddreg [dreg:$0x18];
	[sflag:s29] =	ssyncadd.s32 $0xFFFFF000  }
0x142: {  	[hbm4b:s20+s5] =	stream.linear.scatter [tilespmem:s8], [sflag:$0x3], $0x1000, $0x38;
	[tilespmem:$0x12090] =	vst v63  }
0x143: {  	_ =	swait.ge [sflag:s29], $0x1000  }
0x144: {  	[sflag:s29] =	ssyncset.done $0x0  }
0x145: {  	s21 =	rddreg [dreg:$0x19];
	[sflag:s29] =	ssyncadd.s32 $0xFFFFF000  }
0x146: {  	[hbm4b:s21+s5] =	stream.linear.scatter [tilespmem:s9], [sflag:$0x3], $0x1000, $0x38;
	[tilespmem:$0x12090] =	vst v63  }
0x147: {  	_ =	swait.ge [sflag:s29], $0x1000  }
0x148: {  	[sflag:s29] =	ssyncset.done $0x0  }
0x149: {  	s22 =	rddreg [dreg:$0x1b];
	[sflag:s29] =	ssyncadd.s32 $0xFFFFF000  }
0x14a: {  	[hbm4b:s22+s5] =	stream.linear.scatter [tilespmem:s11], [sflag:$0x3], $0x1000, $0x38;
	[tilespmem:$0x12090] =	vst v63  }
0x14b: {  	_ =	swait.ge [sflag:s29], $0x1000  }
0x14c: {  	[sflag:s29] =	ssyncset.done $0x0  }
0x14d: {  	s23 =	rddreg [dreg:$0x1c];
	[sflag:s29] =	ssyncadd.s32 $0xFFFFF000  }
0x14e: {  	[hbm4b:s23+s5] =	stream.linear.scatter [tilespmem:s12], [sflag:$0x3], $0x1000, $0x38;
	[tilespmem:$0x12090] =	vst v63  }
0x14f: {  	_ =	swait.ge [sflag:s24], $0x800  }
0x150: {  	[sflag:s24] =	ssyncset.done $0x0  }
0x151: {  	[sflag:s24] =	ssyncadd.s32 $0xFFFFF800  }
0x152: {  	_ =	swait.ge [sflag:s26], $0x1000  }
0x153: {  	[sflag:s26] =	ssyncset.done $0x0  }
0x154: {  	[sflag:s26] =	ssyncadd.s32 $0xFFFFF000  }
0x155: {  	_ =	swait.ge [sflag:s26], $0x1000  }
0x156: {  	[sflag:s26] =	ssyncset.done $0x0  }
0x157: {  	[sflag:s26] =	ssyncadd.s32 $0xFFFFF000  }
0x158: {  	_ =	swait.ge [sflag:s26], $0x1000  }
0x159: {  	[sflag:s26] =	ssyncset.done $0x0  }
0x15a: {  	[sflag:s26] =	ssyncadd.s32 $0xFFFFF000  }
0x15b: {  	_ =	swait.ge [sflag:s26], $0x1000  }
0x15c: {  	[sflag:s26] =	ssyncset.done $0x0  }
0x15d: {  	[sflag:s26] =	ssyncadd.s32 $0xFFFFF000  }
0x15e: {  	_ =	swait.ge [sflag:s26], $0x1000  }
0x15f: {  	[sflag:s26] =	ssyncset.done $0x0  }
0x160: {  	[sflag:s26] =	ssyncadd.s32 $0xFFFFF000  }
0x161: {  	_ =	swait.ge [sflag:s26], $0x1000  }
0x162: {  	[sflag:s26] =	ssyncset.done $0x0  }
0x163: {  	[sflag:s26] =	ssyncadd.s32 $0xFFFFF000  }
0x164: {  	_ =	swait.ge [sflag:s26], $0x1000  }
0x165: {  	[sflag:s26] =	ssyncset.done $0x0  }
0x166: {  	[sflag:s26] =	ssyncadd.s32 $0xFFFFF000  }
0x167: {  	_ =	swait.ge [sflag:s26], $0x1000  }
0x168: {  	[sflag:s26] =	ssyncset.done $0x0  }
0x169: {  	[sflag:s26] =	ssyncadd.s32 $0xFFFFF000  }
0x16a: {  	_ =	swait.ge [sflag:s26], $0x1000  }
0x16b: {  	[sflag:s26] =	ssyncset.done $0x0  }
0x16c: {  	[sflag:s26] =	ssyncadd.s32 $0xFFFFF000  }
0x16d: {  	_ =	swait.ge [sflag:s26], $0x1000  }
0x16e: {  	[sflag:s26] =	ssyncset.done $0x0  }
0x16f: {  	[sflag:s26] =	ssyncadd.s32 $0xFFFFF000  }
0x170: {  	_ =	swait.ge [sflag:s26], $0x1000  }
0x171: {  	[sflag:s26] =	ssyncset.done $0x0  }
0x172: {  	[sflag:s26] =	ssyncadd.s32 $0xFFFFF000  }
0x173: {  	_ =	swait.ge [sflag:s26], $0x1000  }
0x174: {  	[sflag:s26] =	ssyncset.done $0x0  }
0x175: {  	[sflag:s26] =	ssyncadd.s32 $0xFFFFF000  }
0x176: {  	_ =	swait.ge [sflag:s26], $0x1000  }
0x177: {  	[sflag:s26] =	ssyncset.done $0x0  }
0x178: {  	[sflag:s26] =	ssyncadd.s32 $0xFFFFF000  }
0x179: {  	_ =	swait.ge [sflag:s26], $0x1000  }
0x17a: {  	[sflag:s26] =	ssyncset.done $0x0  }
0x17b: {  	[sflag:s26] =	ssyncadd.s32 $0xFFFFF000  }
0x17c: {  	_ =	swait.ge [sflag:s26], $0x1000  }
0x17d: {  	[sflag:s26] =	ssyncset.done $0x0  }
0x17e: {  	[sflag:s26] =	ssyncadd.s32 $0xFFFFF000  }
0x17f: {  	_ =	swait.ge [sflag:s26], $0x1000  }
0x180: {  	s28 =	sadd.s32 $0x1, s28;
	s31 =	rddreg [dreg:$0x1a]  }
0x181: {  	p1 =	sne.s32 s28, s31  }
.Ltmp1:
0x182: {  	_ = 	snop;
	(pc) =	sbr.rel @p1 .LBB2_1-.Ltmp1, $3  }
0x183: {  	_ =	sdelay $0x1  }
0x184: {  	[sflag:s26] =	ssyncset.done $0x0  }
0x185: {  	[sflag:s26] =	ssyncadd.s32 $0xFFFFF000  }
0x186: {  	_ =	sfence.sel $0x180000  }
0x187: {  	[bflag:$0x0] =	sbarrier.arrive $0xFFFF  }
0x188: {  	_ =	strace $0x90000047  }
0x189: {  	[bflag:$0x2] =	sbarrier.arrive $0xFFFF  }
0x18a: {  	s0 =	rddreg [dreg:$0x7]  }
0x18b: {  	s0 =	sadd.s32 @!p0 $0x100000, s0  }
0x18c: {  	[sflag:s0] =	ssyncadd.tile.s32 @!p0 $0x1;
	_ =	shalt  }
.Lfunc_end2:
_tile_overlayer_lowered:
.L_overlay_start_2:
0x18d: {  	(tag) =	ssettag $0x2  }
0x18e: {  	s0 =	rddreg [dreg:$0x0];
	s2 =	stileid.u32  }
0x18f: {  	s1 =	rddreg [dreg:$0x1];
	p0 =	sne.s32 s2, $0x0  }
0x190: {  	s3 =	rddreg [dreg:$0x2];
	[bflag:$0x3] =	sbarrier.arrive $0xFFFF;
	s2 =	simm.s32 @!p0 $0x1C04  }
0x191: {  	[timem:s3], [sflag:s2] =	dma.local @!p0 [hbm:s0], s1  }
0x192: {  	s0 =	simm.s32 @!p0 $0x4  }
0x193: {  	_ =	swait.ge @!p0 [sflag:s0], s1  }
0x194: {  	s1 =	ssub.s32 @!p0 $0x0, s1;
	[sflag:s0] =	ssyncset.done @!p0 $0x0  }
0x195: {  	[sflag:s0] =	ssyncadd.s32 @!p0 s1  }
0x196: {  	[bflag:$0x3] =	sbarrier.arrive $0xFFFF  }
0x197: {  	_ =	shalt  }

</sc_bundles>
